<compile_context>
chip_gen: v7x
topology: tpu7x:2x2x1
jax: 0.10.2.dev20260603
libtpu: 0.0.44.dev20260713+nightly
codegen_flags: <defaults>
</compile_context>

<pallas_src>
import functools

import jax
import jax.numpy as jnp
import numpy as np
from jax import lax
from jax.experimental import pallas as pl
from jax.experimental.pallas import tpu as pltpu
from jax.experimental.pallas import tpu_sc as plsc

POOL_H = 7
POOL_W = 7
NUM_TAPS = POOL_H * POOL_W * 4
TAP_PAD = 256
ROWS_PAD = 208
NC = 2
NS = 16
NW = NC * NS

LEVEL_H = (128, 64, 32, 16)


def _tc_index_body(c1, c2, c3, c4, cb, meta_ref, idx_ref, wgt_ref,
                   *, starts, area_scale_cols):
    jj = lax.broadcasted_iota(jnp.int32, (1, TAP_PAD), 1)
    p = jj >> 2
    cy = ((jj >> 1) & 1).astype(jnp.float32)
    cx = (jj & 1).astype(jnp.float32)
    iy = jnp.floor(p.astype(jnp.float32) * np.float32(1.0 / 7.0))
    ix = p.astype(jnp.float32) - 7.0 * iy
    fy = iy * np.float32(1.0 / 6.0)
    fx = ix * np.float32(1.0 / 6.0)

    r1 = c1[...]
    r2 = c2[...]
    r3 = c3[...]
    r4 = c4[...]
    b = cb[...].astype(jnp.int32)

    area_img = meta_ref[0, 7] * meta_ref[0, 8]
    w = jnp.maximum(0.0, r3 - r1)
    h = jnp.maximum(0.0, r4 - r2)
    area = (w * h) * area_img
    levels = jnp.log(jnp.sqrt(area) / 224.0) / np.float32(np.log(2.0))
    lvf = jnp.minimum(5.0, jnp.maximum(2.0, 4.0 + jnp.round(levels)))
    lvi = lvf.astype(jnp.int32)

    hm1 = jnp.where(lvi == 2, 127.0,
          jnp.where(lvi == 3, 63.0,
          jnp.where(lvi == 4, 31.0, 15.0))).astype(jnp.float32)
    wdim = jnp.where(lvi == 2, 128,
           jnp.where(lvi == 3, 64,
           jnp.where(lvi == 4, 32, 16)))
    hw = wdim * wdim
    base = jnp.where(lvi == 2, starts[0],
           jnp.where(lvi == 3, starts[1],
           jnp.where(lvi == 4, starts[2], starts[3]))) + b * hw

    ys = r1 * hm1 + fy * ((r3 - r1) * hm1)
    xs = r2 * hm1 + fx * ((r4 - r2) * hm1)
    y0 = jnp.floor(ys)
    x0 = jnp.floor(xs)
    wy = ys - y0
    wx = xs - x0
    yc = jnp.clip(y0 + cy, 0.0, hm1).astype(jnp.int32)
    xc = jnp.clip(x0 + cx, 0.0, hm1).astype(jnp.int32)
    valid = (ys >= 0.0) & (ys <= hm1) & (xs >= 0.0) & (xs <= hm1)
    wgt = jnp.where(cy == 1.0, wy, 1.0 - wy) * jnp.where(cx == 1.0, wx, 1.0 - wx)
    wgt = jnp.where(valid & (jj < NUM_TAPS), wgt, 0.0)
    idx = jnp.where(jj < NUM_TAPS, base + yc * wdim + xc, 0)

    idx_ref[...] = idx
    wgt_ref[...] = wgt
    del area_scale_cols


def _sc_gather_body(table, idxm, wgtm, out_hbm,
                    idx_v0, idx_v1, wgt_v0, wgt_v1, rows0, rows1, out_v,
                    sem0, sem1, *, rois_per_w, c):
    wid = lax.axis_index("s") * NC + lax.axis_index("c")
    r0 = wid * rois_per_w
    idx_vs = (idx_v0, idx_v1)
    wgt_vs = (wgt_v0, wgt_v1)
    rows_vs = (rows0, rows1)
    sems = (sem0, sem1)
    half = ROWS_PAD // 2
    out_row = POOL_H * POOL_W * c

    def issue(slot, r):
        off = pl.multiple_of(r * TAP_PAD, TAP_PAD)
        pltpu.sync_copy(idxm.at[pl.ds(off, TAP_PAD)], idx_vs[slot])
        pltpu.sync_copy(wgtm.at[pl.ds(off, TAP_PAD)], wgt_vs[slot])
        pltpu.async_copy(table.at[idx_vs[slot].at[pl.ds(0, half)]],
                         rows_vs[slot].at[pl.ds(0, half)], sems[slot])
        pltpu.async_copy(table.at[idx_vs[slot].at[pl.ds(half, half)]],
                         rows_vs[slot].at[pl.ds(half, half)], sems[slot])

    def wait_gather(slot):
        pltpu.make_async_copy(table.at[idx_vs[slot].at[pl.ds(0, half)]],
                              rows_vs[slot].at[pl.ds(0, half)],
                              sems[slot]).wait()
        pltpu.make_async_copy(table.at[idx_vs[slot].at[pl.ds(half, half)]],
                              rows_vs[slot].at[pl.ds(half, half)],
                              sems[slot]).wait()

    def combine(slot):
        rows = rows_vs[slot]
        wv = wgt_vs[slot]

        @plsc.parallel_loop(0, POOL_H * POOL_W, unroll=4)
        def pix(pp):
            t0 = pp * 4
            tvec = jnp.full((16,), t0, dtype=jnp.int32)
            wtl = plsc.load_gather(wv, [tvec])
            wtr = plsc.load_gather(wv, [tvec + 1])
            wbl = plsc.load_gather(wv, [tvec + 2])
            wbr = plsc.load_gather(wv, [tvec + 3])
            obase = pl.multiple_of(pp * c, 16)
            for ch in range(c // 16):
                s = pl.ds(ch * 16, 16)
                acc = ((wtl * rows[t0, s] + wtr * rows[t0 + 1, s])
                       + (wbl * rows[t0 + 2, s] + wbr * rows[t0 + 3, s]))
                out_v[pl.ds(obase + ch * 16, 16)] = acc

    issue(0, r0)

    def outer(i, carry):
        for slot in (0, 1):
            r = r0 + 2 * i + slot
            nxt = r + 1

            @pl.when(nxt < r0 + rois_per_w)
            def _():
                issue(1 - slot, nxt)

            wait_gather(slot)
            combine(slot)
            ooff = pl.multiple_of(r * out_row, 16)
            pltpu.sync_copy(out_v, out_hbm.at[pl.ds(ooff, out_row)])
        return carry

    lax.fori_loop(0, rois_per_w // 2, outer, 0)


def kernel(rois, feat_p2, feat_p3, feat_p4, feat_p5, img_metas):
    feats = (feat_p2, feat_p3, feat_p4, feat_p5)
    n = rois.shape[0]
    c = feat_p2.shape[-1]
    sizes = [f.shape[0] * f.shape[1] * f.shape[2] for f in feats]
    starts = tuple(int(s) for s in np.cumsum([0] + sizes[:-1]))

    table = jnp.concatenate([f.reshape(-1, c) for f in feats], axis=0)
    cols = [rois[:, i:i + 1] for i in range(5)]

    idx, wgt = pl.pallas_call(
        functools.partial(_tc_index_body, starts=starts, area_scale_cols=None),
        out_shape=(
            jax.ShapeDtypeStruct((n, TAP_PAD), jnp.int32),
            jax.ShapeDtypeStruct((n, TAP_PAD), jnp.float32),
        ),
        in_specs=[pl.BlockSpec(memory_space=pltpu.VMEM)] * 5
        + [pl.BlockSpec(memory_space=pltpu.SMEM)],
        out_specs=(pl.BlockSpec(memory_space=pltpu.VMEM),
                   pl.BlockSpec(memory_space=pltpu.VMEM)),
    )(cols[1], cols[2], cols[3], cols[4], cols[0], img_metas)

    rois_per_w = n // NW
    mesh = plsc.VectorSubcoreMesh(core_axis_name="c", subcore_axis_name="s",
                                  num_cores=NC, num_subcores=NS)
    out_flat = pl.kernel(
        functools.partial(_sc_gather_body, rois_per_w=rois_per_w, c=c),
        out_type=jax.ShapeDtypeStruct((n * POOL_H * POOL_W * c,), jnp.float32),
        mesh=mesh,
        compiler_params=pltpu.CompilerParams(needs_layout_passes=False,
                                             use_tc_tiling_on_sc=False),
        scratch_types=[
            pltpu.VMEM((TAP_PAD,), jnp.int32),
            pltpu.VMEM((TAP_PAD,), jnp.int32),
            pltpu.VMEM((TAP_PAD,), jnp.float32),
            pltpu.VMEM((TAP_PAD,), jnp.float32),
            pltpu.VMEM((ROWS_PAD, c), jnp.float32),
            pltpu.VMEM((ROWS_PAD, c), jnp.float32),
            pltpu.VMEM((POOL_H * POOL_W * c,), jnp.float32),
            pltpu.SemaphoreType.DMA,
            pltpu.SemaphoreType.DMA,
        ],
    )(table, idx.reshape(-1), wgt.reshape(-1))

    return out_flat.reshape(n, POOL_H, POOL_W, c)

# --- scband reference (transcript-rebuilt; emitter-appended) ---
"""Pipeline reference for scband-roialign-31885837205767 (READ-ONLY COPY).

The authoritative reference and input builder live on the scoring server;
editing this copy changes nothing except your own understanding.
"""

import jax, jax.numpy as jnp
import numpy as np

POOL = (7, 7)

def calc_pad_shapes(img_metas):
    # pad_shape (h, w) stored at columns 7:9 of img_metas, mmdet-style meta layout
    return img_metas[:, 7:9]

def crop_and_resize(image, boxes, box_indices, crop_size):
    # jnp equivalent of tf.image.crop_and_resize (bilinear, extrapolation_value=0)
    B, H, W, C = image.shape
    ch, cw = crop_size
    N = boxes.shape[0]
    y1b, x1b, y2b, x2b = boxes[:, 0], boxes[:, 1], boxes[:, 2], boxes[:, 3]
    iy = jnp.arange(ch, dtype=jnp.float32)
    ix = jnp.arange(cw, dtype=jnp.float32)
    ys = y1b[:, None] * (H - 1) + (iy[None, :] / (ch - 1)) * ((y2b - y1b) * (H - 1))[:, None]
    xs = x1b[:, None] * (W - 1) + (ix[None, :] / (cw - 1)) * ((x2b - x1b) * (W - 1))[:, None]
    img = image[box_indices]  # gather per-roi feature map [N,H,W,C]
    y0 = jnp.floor(ys)
    x0 = jnp.floor(xs)
    wy = ys - y0
    wx = xs - x0
    y0i = jnp.clip(y0, 0, H - 1).astype(jnp.int32)
    y1i = jnp.clip(y0 + 1, 0, H - 1).astype(jnp.int32)
    x0i = jnp.clip(x0, 0, W - 1).astype(jnp.int32)
    x1i = jnp.clip(x0 + 1, 0, W - 1).astype(jnp.int32)
    n = jnp.arange(N)[:, None, None]
    tl = img[n, y0i[:, :, None], x0i[:, None, :], :]
    tr = img[n, y0i[:, :, None], x1i[:, None, :], :]
    bl = img[n, y1i[:, :, None], x0i[:, None, :], :]
    br = img[n, y1i[:, :, None], x1i[:, None, :], :]
    wy_ = wy[:, :, None, None]
    wx_ = wx[:, None, :, None]
    top = tl * (1.0 - wx_) + tr * wx_
    bot = bl * (1.0 - wx_) + br * wx_
    out = top * (1.0 - wy_) + bot * wy_
    valid = ((ys >= 0) & (ys <= H - 1))[:, :, None, None] & ((xs >= 0) & (xs <= W - 1))[:, None, :, None]
    return jnp.where(valid, out, 0.0)

def setup_inputs(seed: int = 0) -> dict:
    key = jax.random.key(seed)
    ks = jax.random.split(key, 10)
    N, B, C = 1024, 2, 256
    bidx = jax.random.randint(ks[0], (N,), 0, B).astype(jnp.float32)
    x1 = jax.random.uniform(ks[1], (N,)) * 0.6
    y1 = jax.random.uniform(ks[2], (N,)) * 0.6
    ww = 0.05 + jax.random.uniform(ks[3], (N,)) * 0.85
    hh = 0.05 + jax.random.uniform(ks[4], (N,)) * 0.85
    x2 = jnp.minimum(x1 + ww, 1.0)
    y2 = jnp.minimum(y1 + hh, 1.0)
    rois = jnp.stack([bidx, x1, y1, x2, y2], axis=1)
    feat_p2 = jax.random.normal(ks[5], (B, 128, 128, C), dtype=jnp.float32)
    feat_p3 = jax.random.normal(ks[6], (B, 64, 64, C), dtype=jnp.float32)
    feat_p4 = jax.random.normal(ks[7], (B, 32, 32, C), dtype=jnp.float32)
    feat_p5 = jax.random.normal(ks[8], (B, 16, 16, C), dtype=jnp.float32)
    img_metas = jnp.zeros((B, 11), dtype=jnp.float32).at[:, 7].set(512.0).at[:, 8].set(512.0)
    return {"rois": rois, "feat_p2": feat_p2, "feat_p3": feat_p3, "feat_p4": feat_p4, "feat_p5": feat_p5, "img_metas": img_metas}

def reference(rois, feat_p2, feat_p3, feat_p4, feat_p5, img_metas):
    x1, y1, x2, y2 = jnp.split(rois[:, 1:], 4, axis=1)
    w = jnp.maximum(0.0, x2 - x1)
    h = jnp.maximum(0.0, y2 - y1)
    area = w * h
    pad_shapes = calc_pad_shapes(img_metas)
    area_img = (pad_shapes[..., 0] * pad_shapes[..., 1]).astype(jnp.float32)
    area_img = area_img[0]
    area = jnp.squeeze(area, axis=1) * area_img
    levels = jnp.log(jnp.sqrt(area) / 224.0) / jnp.log(2.0)
    levels = jnp.minimum(5.0, jnp.maximum(2.0, 4.0 + jnp.round(levels)))
    feats = [feat_p2, feat_p3, feat_p4, feat_p5]
    box_idx = rois[:, 0].astype(jnp.int32)
    boxes = rois[:, 1:]
    N = rois.shape[0]
    C = feat_p2.shape[-1]
    out = jnp.zeros((N, POOL[0], POOL[1], C), dtype=feat_p2.dtype)
    # equivalent to partition-by-level + crop + concat + argsort-restore: each roi
    # receives the crop from its own pyramid level, original order preserved
    for i, level in enumerate(range(2, 6)):
        crop = crop_and_resize(feats[i], boxes, box_idx, POOL)
        mask = (levels == float(level))[:, None, None, None]
        out = jnp.where(mask, crop, out)
    return out

if __name__ == "__main__":
    import jax
    _d = setup_inputs()
    print(jax.jit(kernel)(*tuple(_d.values())))

</pallas_src>

<mosaic_0001>
#map = affine_map<(d0, d1) -> (0, 0)>
#map1 = affine_map<(d0, d1) -> (0)>
module attributes {stable_mosaic.version = 14 : i64} {
  func.func @_sc_gather_body(%arg0: i32, %arg1: i32, %arg2: memref<43520x256xf32, #tpu.memory_space<hbm>>, %arg3: memref<262144xi32, #tpu.memory_space<hbm>>, %arg4: memref<262144xf32, #tpu.memory_space<hbm>>, %arg5: memref<12845056xf32, #tpu.memory_space<hbm>>, %arg6: memref<256xi32, #tpu.memory_space<vmem>>, %arg7: memref<256xi32, #tpu.memory_space<vmem>>, %arg8: memref<256xf32, #tpu.memory_space<vmem>>, %arg9: memref<256xf32, #tpu.memory_space<vmem>>, %arg10: memref<208x256xf32, #tpu.memory_space<vmem>>, %arg11: memref<208x256xf32, #tpu.memory_space<vmem>>, %arg12: memref<12544xf32, #tpu.memory_space<vmem>>, %arg13: memref<!tpu.dma_semaphore, #tpu.memory_space<semaphore_mem>>, %arg14: memref<!tpu.dma_semaphore, #tpu.memory_space<semaphore_mem>>) attributes {dimension_semantics = [#tpu.dimension_semantics<core_parallel>, #tpu.dimension_semantics<subcore_parallel>], iteration_bounds = array<i64: 2, 16>, scalar_prefetch = 0 : i64, scratch_operands = 9 : i64, tpu.core_type = #tpu.core_type<sc_vector_subcore>, window_params = [{transform_indices = #map}, {transform_indices = #map1}, {transform_indices = #map1}, {transform_indices = #map1}]} {
    %mul3A = arith.constant 2 : i32
    %mul3A_0 = arith.muli %arg1, %mul3A : i32
    %add3A = arith.addi %mul3A_0, %arg0 : i32
    %mul3A_1 = arith.constant 32 : i32
    %mul3A_2 = arith.muli %add3A, %mul3A_1 : i32
    %mul3A_3 = arith.constant 256 : i32
    %mul3A_4 = arith.muli %mul3A_2, %mul3A_3 : i32
    %multiple_of3A = tpu.assume_multiple %mul3A_4, 256 : i32
    "tpu.region"() ({
      %run_scoped3A = tpu.sem_alloc : memref<!tpu.dma_semaphore, #tpu.memory_space<semaphore_mem>>
      %dma_start3A_25 = tpu.memref_slice %arg3[%multiple_of3A] : memref<262144xi32, #tpu.memory_space<hbm>> -> memref<256xi32, #tpu.memory_space<hbm>>
      %dma_start3A_26 = tpu.memref_slice %arg3[%multiple_of3A] : memref<262144xi32, #tpu.memory_space<hbm>> -> memref<256xi32, #tpu.memory_space<hbm>>
      tpu.enqueue_dma source(%dma_start3A_26 : memref<256xi32, #tpu.memory_space<hbm>>) target(%arg6 : memref<256xi32, #tpu.memory_space<vmem>>) target_semaphore(%run_scoped3A : memref<!tpu.dma_semaphore, #tpu.memory_space<semaphore_mem>>)
      %dma_wait3A = tpu.memref_slice %arg3[%multiple_of3A] : memref<262144xi32, #tpu.memory_space<hbm>> -> memref<256xi32, #tpu.memory_space<hbm>>
      %dma_wait3A_27 = tpu.memref_slice %arg3[%multiple_of3A] : memref<262144xi32, #tpu.memory_space<hbm>> -> memref<256xi32, #tpu.memory_space<hbm>>
      tpu.wait_dma2 semaphore(%run_scoped3A : memref<!tpu.dma_semaphore, #tpu.memory_space<semaphore_mem>>) src(%dma_wait3A_27 : memref<256xi32, #tpu.memory_space<hbm>>) dst(%arg6 : memref<256xi32, #tpu.memory_space<vmem>>)
      tpu.yield
    }) : () -> ()
    "tpu.region"() ({
      %run_scoped3A = tpu.sem_alloc : memref<!tpu.dma_semaphore, #tpu.memory_space<semaphore_mem>>
      %dma_start3A_25 = tpu.memref_slice %arg4[%multiple_of3A] : memref<262144xf32, #tpu.memory_space<hbm>> -> memref<256xf32, #tpu.memory_space<hbm>>
      %dma_start3A_26 = tpu.memref_slice %arg4[%multiple_of3A] : memref<262144xf32, #tpu.memory_space<hbm>> -> memref<256xf32, #tpu.memory_space<hbm>>
      tpu.enqueue_dma source(%dma_start3A_26 : memref<256xf32, #tpu.memory_space<hbm>>) target(%arg8 : memref<256xf32, #tpu.memory_space<vmem>>) target_semaphore(%run_scoped3A : memref<!tpu.dma_semaphore, #tpu.memory_space<semaphore_mem>>)
      %dma_wait3A = tpu.memref_slice %arg4[%multiple_of3A] : memref<262144xf32, #tpu.memory_space<hbm>> -> memref<256xf32, #tpu.memory_space<hbm>>
      %dma_wait3A_27 = tpu.memref_slice %arg4[%multiple_of3A] : memref<262144xf32, #tpu.memory_space<hbm>> -> memref<256xf32, #tpu.memory_space<hbm>>
      tpu.wait_dma2 semaphore(%run_scoped3A : memref<!tpu.dma_semaphore, #tpu.memory_space<semaphore_mem>>) src(%dma_wait3A_27 : memref<256xf32, #tpu.memory_space<hbm>>) dst(%arg8 : memref<256xf32, #tpu.memory_space<vmem>>)
      tpu.yield
    }) : () -> ()
    %dma_start3A = arith.constant 0 : i32
    %dma_start3A_5 = arith.constant 0 : i32
    %dma_start3A_6 = tpu.memref_slice %arg10[%dma_start3A, %dma_start3A_5] : memref<208x256xf32, #tpu.memory_space<vmem>> -> memref<104x256xf32, #tpu.memory_space<vmem>>
    %dma_start3A_7 = arith.constant 0 : i32
    %dma_start3A_8 = tpu.memref_slice %arg6[%dma_start3A_7] : memref<256xi32, #tpu.memory_space<vmem>> -> memref<104xi32, #tpu.memory_space<vmem>>
    %dma_start3A_9 = arith.constant 0 : i32
    %dma_start3A_10 = arith.constant 0 : i32
    %dma_start3A_11 = tpu.memref_slice %arg2[%dma_start3A_9, %dma_start3A_10] : memref<43520x256xf32, #tpu.memory_space<hbm>> -> memref<43520x256xf32, #tpu.memory_space<hbm>>
    tpu.enqueue_indirect_dma source(%dma_start3A_11 : memref<43520x256xf32, #tpu.memory_space<hbm>>) target(%dma_start3A_6 : memref<104x256xf32, #tpu.memory_space<vmem>>) offsets(%dma_start3A_8 : memref<104xi32, #tpu.memory_space<vmem>>) semaphore(%arg13 : memref<!tpu.dma_semaphore, #tpu.memory_space<semaphore_mem>>)
    %dma_start3A_12 = arith.constant 104 : i32
    %dma_start3A_13 = arith.constant 0 : i32
    %dma_start3A_14 = tpu.memref_slice %arg10[%dma_start3A_12, %dma_start3A_13] : memref<208x256xf32, #tpu.memory_space<vmem>> -> memref<104x256xf32, #tpu.memory_space<vmem>>
    %dma_start3A_15 = arith.constant 104 : i32
    %dma_start3A_16 = tpu.memref_slice %arg6[%dma_start3A_15] : memref<256xi32, #tpu.memory_space<vmem>> -> memref<104xi32, #tpu.memory_space<vmem>>
    %dma_start3A_17 = arith.constant 0 : i32
    %dma_start3A_18 = arith.constant 0 : i32
    %dma_start3A_19 = tpu.memref_slice %arg2[%dma_start3A_17, %dma_start3A_18] : memref<43520x256xf32, #tpu.memory_space<hbm>> -> memref<43520x256xf32, #tpu.memory_space<hbm>>
    tpu.enqueue_indirect_dma source(%dma_start3A_19 : memref<43520x256xf32, #tpu.memory_space<hbm>>) target(%dma_start3A_14 : memref<104x256xf32, #tpu.memory_space<vmem>>) offsets(%dma_start3A_16 : memref<104xi32, #tpu.memory_space<vmem>>) semaphore(%arg13 : memref<!tpu.dma_semaphore, #tpu.memory_space<semaphore_mem>>)
    %scan3A = arith.constant 0 : i32
    %scan3A_20 = arith.constant 0 : i32
    %scan3A_21 = arith.constant 16 : i32
    %scan3A_22 = arith.addi %scan3A_20, %scan3A_21 : i32
    %scan3A_23 = arith.constant 1 : i32
    scf.for %scan3A_25 = %scan3A_20 to %scan3A_22 step %scan3A_23  : i32 {
      %mul3A_26 = arith.constant 2 : i32
      %mul3A_27 = arith.muli %mul3A_26, %scan3A_25 : i32
      %add3A_28 = arith.addi %mul3A_2, %mul3A_27 : i32
      %add3A_29 = arith.constant 0 : i32
      %add3A_30 = arith.addi %add3A_28, %add3A_29 : i32
      %add3A_31 = arith.constant 1 : i32
      %add3A_32 = arith.addi %add3A_30, %add3A_31 : i32
      %add3A_33 = arith.constant 32 : i32
      %add3A_34 = arith.addi %mul3A_2, %add3A_33 : i32
      %lt3A = arith.cmpi slt, %add3A_32, %add3A_34 : i32
      %convert_element_type3A = arith.extui %lt3A : i1 to i32
      %cond3A = arith.constant 0 : i32
      %cond3A_35 = arith.cmpi ne, %convert_element_type3A, %cond3A : i32
      scf.if %cond3A_35 {
        %mul3A_91 = arith.constant 256 : i32
        %mul3A_92 = arith.muli %add3A_32, %mul3A_91 : i32
        %multiple_of3A_93 = tpu.assume_multiple %mul3A_92, 256 : i32
        "tpu.region"() ({
          %run_scoped3A = tpu.sem_alloc : memref<!tpu.dma_semaphore, #tpu.memory_space<semaphore_mem>>
          %dma_start3A_110 = tpu.memref_slice %arg3[%multiple_of3A_93] : memref<262144xi32, #tpu.memory_space<hbm>> -> memref<256xi32, #tpu.memory_space<hbm>>
          %dma_start3A_111 = tpu.memref_slice %arg3[%multiple_of3A_93] : memref<262144xi32, #tpu.memory_space<hbm>> -> memref<256xi32, #tpu.memory_space<hbm>>
          tpu.enqueue_dma source(%dma_start3A_111 : memref<256xi32, #tpu.memory_space<hbm>>) target(%arg7 : memref<256xi32, #tpu.memory_space<vmem>>) target_semaphore(%run_scoped3A : memref<!tpu.dma_semaphore, #tpu.memory_space<semaphore_mem>>)
          %dma_wait3A_112 = tpu.memref_slice %arg3[%multiple_of3A_93] : memref<262144xi32, #tpu.memory_space<hbm>> -> memref<256xi32, #tpu.memory_space<hbm>>
          %dma_wait3A_113 = tpu.memref_slice %arg3[%multiple_of3A_93] : memref<262144xi32, #tpu.memory_space<hbm>> -> memref<256xi32, #tpu.memory_space<hbm>>
          tpu.wait_dma2 semaphore(%run_scoped3A : memref<!tpu.dma_semaphore, #tpu.memory_space<semaphore_mem>>) src(%dma_wait3A_113 : memref<256xi32, #tpu.memory_space<hbm>>) dst(%arg7 : memref<256xi32, #tpu.memory_space<vmem>>)
          tpu.yield
        }) : () -> ()
        "tpu.region"() ({
          %run_scoped3A = tpu.sem_alloc : memref<!tpu.dma_semaphore, #tpu.memory_space<semaphore_mem>>
          %dma_start3A_110 = tpu.memref_slice %arg4[%multiple_of3A_93] : memref<262144xf32, #tpu.memory_space<hbm>> -> memref<256xf32, #tpu.memory_space<hbm>>
          %dma_start3A_111 = tpu.memref_slice %arg4[%multiple_of3A_93] : memref<262144xf32, #tpu.memory_space<hbm>> -> memref<256xf32, #tpu.memory_space<hbm>>
          tpu.enqueue_dma source(%dma_start3A_111 : memref<256xf32, #tpu.memory_space<hbm>>) target(%arg9 : memref<256xf32, #tpu.memory_space<vmem>>) target_semaphore(%run_scoped3A : memref<!tpu.dma_semaphore, #tpu.memory_space<semaphore_mem>>)
          %dma_wait3A_112 = tpu.memref_slice %arg4[%multiple_of3A_93] : memref<262144xf32, #tpu.memory_space<hbm>> -> memref<256xf32, #tpu.memory_space<hbm>>
          %dma_wait3A_113 = tpu.memref_slice %arg4[%multiple_of3A_93] : memref<262144xf32, #tpu.memory_space<hbm>> -> memref<256xf32, #tpu.memory_space<hbm>>
          tpu.wait_dma2 semaphore(%run_scoped3A : memref<!tpu.dma_semaphore, #tpu.memory_space<semaphore_mem>>) src(%dma_wait3A_113 : memref<256xf32, #tpu.memory_space<hbm>>) dst(%arg9 : memref<256xf32, #tpu.memory_space<vmem>>)
          tpu.yield
        }) : () -> ()
        %dma_start3A_94 = arith.constant 0 : i32
        %dma_start3A_95 = arith.constant 0 : i32
        %dma_start3A_96 = tpu.memref_slice %arg11[%dma_start3A_94, %dma_start3A_95] : memref<208x256xf32, #tpu.memory_space<vmem>> -> memref<104x256xf32, #tpu.memory_space<vmem>>
        %dma_start3A_97 = arith.constant 0 : i32
        %dma_start3A_98 = tpu.memref_slice %arg7[%dma_start3A_97] : memref<256xi32, #tpu.memory_space<vmem>> -> memref<104xi32, #tpu.memory_space<vmem>>
        %dma_start3A_99 = arith.constant 0 : i32
        %dma_start3A_100 = arith.constant 0 : i32
        %dma_start3A_101 = tpu.memref_slice %arg2[%dma_start3A_99, %dma_start3A_100] : memref<43520x256xf32, #tpu.memory_space<hbm>> -> memref<43520x256xf32, #tpu.memory_space<hbm>>
        tpu.enqueue_indirect_dma source(%dma_start3A_101 : memref<43520x256xf32, #tpu.memory_space<hbm>>) target(%dma_start3A_96 : memref<104x256xf32, #tpu.memory_space<vmem>>) offsets(%dma_start3A_98 : memref<104xi32, #tpu.memory_space<vmem>>) semaphore(%arg14 : memref<!tpu.dma_semaphore, #tpu.memory_space<semaphore_mem>>)
        %dma_start3A_102 = arith.constant 104 : i32
        %dma_start3A_103 = arith.constant 0 : i32
        %dma_start3A_104 = tpu.memref_slice %arg11[%dma_start3A_102, %dma_start3A_103] : memref<208x256xf32, #tpu.memory_space<vmem>> -> memref<104x256xf32, #tpu.memory_space<vmem>>
        %dma_start3A_105 = arith.constant 104 : i32
        %dma_start3A_106 = tpu.memref_slice %arg7[%dma_start3A_105] : memref<256xi32, #tpu.memory_space<vmem>> -> memref<104xi32, #tpu.memory_space<vmem>>
        %dma_start3A_107 = arith.constant 0 : i32
        %dma_start3A_108 = arith.constant 0 : i32
        %dma_start3A_109 = tpu.memref_slice %arg2[%dma_start3A_107, %dma_start3A_108] : memref<43520x256xf32, #tpu.memory_space<hbm>> -> memref<43520x256xf32, #tpu.memory_space<hbm>>
        tpu.enqueue_indirect_dma source(%dma_start3A_109 : memref<43520x256xf32, #tpu.memory_space<hbm>>) target(%dma_start3A_104 : memref<104x256xf32, #tpu.memory_space<vmem>>) offsets(%dma_start3A_106 : memref<104xi32, #tpu.memory_space<vmem>>) semaphore(%arg14 : memref<!tpu.dma_semaphore, #tpu.memory_space<semaphore_mem>>)
      } else {
      }
      %dma_wait3A = arith.constant 0 : i32
      %dma_wait3A_36 = arith.constant 0 : i32
      %dma_wait3A_37 = tpu.memref_slice %arg10[%dma_wait3A, %dma_wait3A_36] : memref<208x256xf32, #tpu.memory_space<vmem>> -> memref<104x256xf32, #tpu.memory_space<vmem>>
      %dma_wait3A_38 = arith.constant 0 : i32
      %dma_wait3A_39 = tpu.memref_slice %arg6[%dma_wait3A_38] : memref<256xi32, #tpu.memory_space<vmem>> -> memref<104xi32, #tpu.memory_space<vmem>>
      %dma_wait3A_40 = arith.constant 0 : i32
      %dma_wait3A_41 = arith.constant 0 : i32
      %dma_wait3A_42 = tpu.memref_slice %arg2[%dma_wait3A_40, %dma_wait3A_41] : memref<43520x256xf32, #tpu.memory_space<hbm>> -> memref<43520x256xf32, #tpu.memory_space<hbm>>
      tpu.wait_indirect_dma semaphore(%arg13 : memref<!tpu.dma_semaphore, #tpu.memory_space<semaphore_mem>>) src(%dma_wait3A_42 : memref<43520x256xf32, #tpu.memory_space<hbm>>) dst(%dma_wait3A_37 : memref<104x256xf32, #tpu.memory_space<vmem>>)
      %dma_wait3A_43 = arith.constant 104 : i32
      %dma_wait3A_44 = arith.constant 0 : i32
      %dma_wait3A_45 = tpu.memref_slice %arg10[%dma_wait3A_43, %dma_wait3A_44] : memref<208x256xf32, #tpu.memory_space<vmem>> -> memref<104x256xf32, #tpu.memory_space<vmem>>
      %dma_wait3A_46 = arith.constant 104 : i32
      %dma_wait3A_47 = tpu.memref_slice %arg6[%dma_wait3A_46] : memref<256xi32, #tpu.memory_space<vmem>> -> memref<104xi32, #tpu.memory_space<vmem>>
      %dma_wait3A_48 = arith.constant 0 : i32
      %dma_wait3A_49 = arith.constant 0 : i32
      %dma_wait3A_50 = tpu.memref_slice %arg2[%dma_wait3A_48, %dma_wait3A_49] : memref<43520x256xf32, #tpu.memory_space<hbm>> -> memref<43520x256xf32, #tpu.memory_space<hbm>>
      tpu.wait_indirect_dma semaphore(%arg13 : memref<!tpu.dma_semaphore, #tpu.memory_space<semaphore_mem>>) src(%dma_wait3A_50 : memref<43520x256xf32, #tpu.memory_space<hbm>>) dst(%dma_wait3A_45 : memref<104x256xf32, #tpu.memory_space<vmem>>)
      %parallel_loop3A = arith.constant 0 : i32
      %parallel_loop3A_51 = arith.constant 49 : i32
      %parallel_loop3A_52 = arith.constant 1 : i32
      scf.for %parallel_loop3A_91 = %parallel_loop3A to %parallel_loop3A_51 step %parallel_loop3A_52  : i32 {
        %parallel_loop3A_92 = arith.constant 4 : i32
        %parallel_loop3A_93 = arith.muli %parallel_loop3A_91, %parallel_loop3A_92 : i32
        %parallel_loop3A_94 = vector.broadcast %parallel_loop3A_93 : i32 to vector<16xi32>
        %parallel_loop3A_95 = tpu.vector_load_idx %arg8[%parallel_loop3A_94] : memref<256xf32, #tpu.memory_space<vmem>>[vector<16xi32>], vector<16xf32>,
        %parallel_loop3A_96 = arith.constant 1 : i32
        %parallel_loop3A_97 = vector.broadcast %parallel_loop3A_96 : i32 to vector<16xi32>
        %parallel_loop3A_98 = arith.addi %parallel_loop3A_94, %parallel_loop3A_97 : vector<16xi32>
        %parallel_loop3A_99 = tpu.vector_load_idx %arg8[%parallel_loop3A_98] : memref<256xf32, #tpu.memory_space<vmem>>[vector<16xi32>], vector<16xf32>,
        %parallel_loop3A_100 = arith.constant 2 : i32
        %parallel_loop3A_101 = vector.broadcast %parallel_loop3A_100 : i32 to vector<16xi32>
        %parallel_loop3A_102 = arith.addi %parallel_loop3A_94, %parallel_loop3A_101 : vector<16xi32>
        %parallel_loop3A_103 = tpu.vector_load_idx %arg8[%parallel_loop3A_102] : memref<256xf32, #tpu.memory_space<vmem>>[vector<16xi32>], vector<16xf32>,
        %parallel_loop3A_104 = arith.constant 3 : i32
        %parallel_loop3A_105 = vector.broadcast %parallel_loop3A_104 : i32 to vector<16xi32>
        %parallel_loop3A_106 = arith.addi %parallel_loop3A_94, %parallel_loop3A_105 : vector<16xi32>
        %parallel_loop3A_107 = tpu.vector_load_idx %arg8[%parallel_loop3A_106] : memref<256xf32, #tpu.memory_space<vmem>>[vector<16xi32>], vector<16xf32>,
        %parallel_loop3A_108 = arith.constant 256 : i32
        %parallel_loop3A_109 = arith.muli %parallel_loop3A_91, %parallel_loop3A_108 : i32
        %parallel_loop3A_110 = tpu.assume_multiple %parallel_loop3A_109, 16 : i32
        %parallel_loop3A_111 = arith.index_cast %parallel_loop3A_93 : i32 to index
        %parallel_loop3A_112 = arith.constant 0 : index
        %parallel_loop3A_113 = tpu.vector_load %arg10[%parallel_loop3A_111, %parallel_loop3A_112] {strides = array<i32>} : memref<208x256xf32, #tpu.memory_space<vmem>>, vector<16xf32>,
        %parallel_loop3A_114 = arith.mulf %parallel_loop3A_95, %parallel_loop3A_113 : vector<16xf32>
        %parallel_loop3A_115 = arith.constant 1 : i32
        %parallel_loop3A_116 = arith.addi %parallel_loop3A_93, %parallel_loop3A_115 : i32
        %parallel_loop3A_117 = arith.index_cast %parallel_loop3A_116 : i32 to index
        %parallel_loop3A_118 = arith.constant 0 : index
        %parallel_loop3A_119 = tpu.vector_load %arg10[%parallel_loop3A_117, %parallel_loop3A_118] {strides = array<i32>} : memref<208x256xf32, #tpu.memory_space<vmem>>, vector<16xf32>,
        %parallel_loop3A_120 = arith.mulf %parallel_loop3A_99, %parallel_loop3A_119 : vector<16xf32>
        %parallel_loop3A_121 = arith.addf %parallel_loop3A_114, %parallel_loop3A_120 : vector<16xf32>
        %parallel_loop3A_122 = arith.constant 2 : i32
        %parallel_loop3A_123 = arith.addi %parallel_loop3A_93, %parallel_loop3A_122 : i32
        %parallel_loop3A_124 = arith.index_cast %parallel_loop3A_123 : i32 to index
        %parallel_loop3A_125 = arith.constant 0 : index
        %parallel_loop3A_126 = tpu.vector_load %arg10[%parallel_loop3A_124, %parallel_loop3A_125] {strides = array<i32>} : memref<208x256xf32, #tpu.memory_space<vmem>>, vector<16xf32>,
        %parallel_loop3A_127 = arith.mulf %parallel_loop3A_103, %parallel_loop3A_126 : vector<16xf32>
        %parallel_loop3A_128 = arith.constant 3 : i32
        %parallel_loop3A_129 = arith.addi %parallel_loop3A_93, %parallel_loop3A_128 : i32
        %parallel_loop3A_130 = arith.index_cast %parallel_loop3A_129 : i32 to index
        %parallel_loop3A_131 = arith.constant 0 : index
        %parallel_loop3A_132 = tpu.vector_load %arg10[%parallel_loop3A_130, %parallel_loop3A_131] {strides = array<i32>} : memref<208x256xf32, #tpu.memory_space<vmem>>, vector<16xf32>,
        %parallel_loop3A_133 = arith.mulf %parallel_loop3A_107, %parallel_loop3A_132 : vector<16xf32>
        %parallel_loop3A_134 = arith.addf %parallel_loop3A_127, %parallel_loop3A_133 : vector<16xf32>
        %parallel_loop3A_135 = arith.addf %parallel_loop3A_121, %parallel_loop3A_134 : vector<16xf32>
        %parallel_loop3A_136 = arith.constant 0 : i32
        %parallel_loop3A_137 = arith.addi %parallel_loop3A_110, %parallel_loop3A_136 : i32
        %parallel_loop3A_138 = arith.index_cast %parallel_loop3A_137 : i32 to index
        %parallel_loop3A_139 = tpu.vector_load %arg12[%parallel_loop3A_138] {strides = array<i32>} : memref<12544xf32, #tpu.memory_space<vmem>>, vector<16xf32>,
        tpu.vector_store %arg12[%parallel_loop3A_138], %parallel_loop3A_135 {strides = array<i32>} : memref<12544xf32, #tpu.memory_space<vmem>>, vector<16xf32>,
        %parallel_loop3A_140 = arith.index_cast %parallel_loop3A_93 : i32 to index
        %parallel_loop3A_141 = arith.constant 16 : index
        %parallel_loop3A_142 = tpu.vector_load %arg10[%parallel_loop3A_140, %parallel_loop3A_141] {strides = array<i32>} : memref<208x256xf32, #tpu.memory_space<vmem>>, vector<16xf32>,
        %parallel_loop3A_143 = arith.mulf %parallel_loop3A_95, %parallel_loop3A_142 : vector<16xf32>
        %parallel_loop3A_144 = arith.constant 1 : i32
        %parallel_loop3A_145 = arith.addi %parallel_loop3A_93, %parallel_loop3A_144 : i32
        %parallel_loop3A_146 = arith.index_cast %parallel_loop3A_145 : i32 to index
        %parallel_loop3A_147 = arith.constant 16 : index
        %parallel_loop3A_148 = tpu.vector_load %arg10[%parallel_loop3A_146, %parallel_loop3A_147] {strides = array<i32>} : memref<208x256xf32, #tpu.memory_space<vmem>>, vector<16xf32>,
        %parallel_loop3A_149 = arith.mulf %parallel_loop3A_99, %parallel_loop3A_148 : vector<16xf32>
        %parallel_loop3A_150 = arith.addf %parallel_loop3A_143, %parallel_loop3A_149 : vector<16xf32>
        %parallel_loop3A_151 = arith.constant 2 : i32
        %parallel_loop3A_152 = arith.addi %parallel_loop3A_93, %parallel_loop3A_151 : i32
        %parallel_loop3A_153 = arith.index_cast %parallel_loop3A_152 : i32 to index
        %parallel_loop3A_154 = arith.constant 16 : index
        %parallel_loop3A_155 = tpu.vector_load %arg10[%parallel_loop3A_153, %parallel_loop3A_154] {strides = array<i32>} : memref<208x256xf32, #tpu.memory_space<vmem>>, vector<16xf32>,
        %parallel_loop3A_156 = arith.mulf %parallel_loop3A_103, %parallel_loop3A_155 : vector<16xf32>
        %parallel_loop3A_157 = arith.constant 3 : i32
        %parallel_loop3A_158 = arith.addi %parallel_loop3A_93, %parallel_loop3A_157 : i32
        %parallel_loop3A_159 = arith.index_cast %parallel_loop3A_158 : i32 to index
        %parallel_loop3A_160 = arith.constant 16 : index
        %parallel_loop3A_161 = tpu.vector_load %arg10[%parallel_loop3A_159, %parallel_loop3A_160] {strides = array<i32>} : memref<208x256xf32, #tpu.memory_space<vmem>>, vector<16xf32>,
        %parallel_loop3A_162 = arith.mulf %parallel_loop3A_107, %parallel_loop3A_161 : vector<16xf32>
        %parallel_loop3A_163 = arith.addf %parallel_loop3A_156, %parallel_loop3A_162 : vector<16xf32>
        %parallel_loop3A_164 = arith.addf %parallel_loop3A_150, %parallel_loop3A_163 : vector<16xf32>
        %parallel_loop3A_165 = arith.constant 16 : i32
        %parallel_loop3A_166 = arith.addi %parallel_loop3A_110, %parallel_loop3A_165 : i32
        %parallel_loop3A_167 = arith.index_cast %parallel_loop3A_166 : i32 to index
        %parallel_loop3A_168 = tpu.vector_load %arg12[%parallel_loop3A_167] {strides = array<i32>} : memref<12544xf32, #tpu.memory_space<vmem>>, vector<16xf32>,
        tpu.vector_store %arg12[%parallel_loop3A_167], %parallel_loop3A_164 {strides = array<i32>} : memref<12544xf32, #tpu.memory_space<vmem>>, vector<16xf32>,
        %parallel_loop3A_169 = arith.index_cast %parallel_loop3A_93 : i32 to index
        %parallel_loop3A_170 = arith.constant 32 : index
        %parallel_loop3A_171 = tpu.vector_load %arg10[%parallel_loop3A_169, %parallel_loop3A_170] {strides = array<i32>} : memref<208x256xf32, #tpu.memory_space<vmem>>, vector<16xf32>,
        %parallel_loop3A_172 = arith.mulf %parallel_loop3A_95, %parallel_loop3A_171 : vector<16xf32>
        %parallel_loop3A_173 = arith.constant 1 : i32
        %parallel_loop3A_174 = arith.addi %parallel_loop3A_93, %parallel_loop3A_173 : i32
        %parallel_loop3A_175 = arith.index_cast %parallel_loop3A_174 : i32 to index
        %parallel_loop3A_176 = arith.constant 32 : index
        %parallel_loop3A_177 = tpu.vector_load %arg10[%parallel_loop3A_175, %parallel_loop3A_176] {strides = array<i32>} : memref<208x256xf32, #tpu.memory_space<vmem>>, vector<16xf32>,
        %parallel_loop3A_178 = arith.mulf %parallel_loop3A_99, %parallel_loop3A_177 : vector<16xf32>
        %parallel_loop3A_179 = arith.addf %parallel_loop3A_172, %parallel_loop3A_178 : vector<16xf32>
        %parallel_loop3A_180 = arith.constant 2 : i32
        %parallel_loop3A_181 = arith.addi %parallel_loop3A_93, %parallel_loop3A_180 : i32
        %parallel_loop3A_182 = arith.index_cast %parallel_loop3A_181 : i32 to index
        %parallel_loop3A_183 = arith.constant 32 : index
        %parallel_loop3A_184 = tpu.vector_load %arg10[%parallel_loop3A_182, %parallel_loop3A_183] {strides = array<i32>} : memref<208x256xf32, #tpu.memory_space<vmem>>, vector<16xf32>,
        %parallel_loop3A_185 = arith.mulf %parallel_loop3A_103, %parallel_loop3A_184 : vector<16xf32>
        %parallel_loop3A_186 = arith.constant 3 : i32
        %parallel_loop3A_187 = arith.addi %parallel_loop3A_93, %parallel_loop3A_186 : i32
        %parallel_loop3A_188 = arith.index_cast %parallel_loop3A_187 : i32 to index
        %parallel_loop3A_189 = arith.constant 32 : index
        %parallel_loop3A_190 = tpu.vector_load %arg10[%parallel_loop3A_188, %parallel_loop3A_189] {strides = array<i32>} : memref<208x256xf32, #tpu.memory_space<vmem>>, vector<16xf32>,
        %parallel_loop3A_191 = arith.mulf %parallel_loop3A_107, %parallel_loop3A_190 : vector<16xf32>
        %parallel_loop3A_192 = arith.addf %parallel_loop3A_185, %parallel_loop3A_191 : vector<16xf32>
        %parallel_loop3A_193 = arith.addf %parallel_loop3A_179, %parallel_loop3A_192 : vector<16xf32>
        %parallel_loop3A_194 = arith.constant 32 : i32
        %parallel_loop3A_195 = arith.addi %parallel_loop3A_110, %parallel_loop3A_194 : i32
        %parallel_loop3A_196 = arith.index_cast %parallel_loop3A_195 : i32 to index
        %parallel_loop3A_197 = tpu.vector_load %arg12[%parallel_loop3A_196] {strides = array<i32>} : memref<12544xf32, #tpu.memory_space<vmem>>, vector<16xf32>,
        tpu.vector_store %arg12[%parallel_loop3A_196], %parallel_loop3A_193 {strides = array<i32>} : memref<12544xf32, #tpu.memory_space<vmem>>, vector<16xf32>,
        %parallel_loop3A_198 = arith.index_cast %parallel_loop3A_93 : i32 to index
        %parallel_loop3A_199 = arith.constant 48 : index
        %parallel_loop3A_200 = tpu.vector_load %arg10[%parallel_loop3A_198, %parallel_loop3A_199] {strides = array<i32>} : memref<208x256xf32, #tpu.memory_space<vmem>>, vector<16xf32>,
        %parallel_loop3A_201 = arith.mulf %parallel_loop3A_95, %parallel_loop3A_200 : vector<16xf32>
        %parallel_loop3A_202 = arith.constant 1 : i32
        %parallel_loop3A_203 = arith.addi %parallel_loop3A_93, %parallel_loop3A_202 : i32
        %parallel_loop3A_204 = arith.index_cast %parallel_loop3A_203 : i32 to index
        %parallel_loop3A_205 = arith.constant 48 : index
        %parallel_loop3A_206 = tpu.vector_load %arg10[%parallel_loop3A_204, %parallel_loop3A_205] {strides = array<i32>} : memref<208x256xf32, #tpu.memory_space<vmem>>, vector<16xf32>,
        %parallel_loop3A_207 = arith.mulf %parallel_loop3A_99, %parallel_loop3A_206 : vector<16xf32>
        %parallel_loop3A_208 = arith.addf %parallel_loop3A_201, %parallel_loop3A_207 : vector<16xf32>
        %parallel_loop3A_209 = arith.constant 2 : i32
        %parallel_loop3A_210 = arith.addi %parallel_loop3A_93, %parallel_loop3A_209 : i32
        %parallel_loop3A_211 = arith.index_cast %parallel_loop3A_210 : i32 to index
        %parallel_loop3A_212 = arith.constant 48 : index
        %parallel_loop3A_213 = tpu.vector_load %arg10[%parallel_loop3A_211, %parallel_loop3A_212] {strides = array<i32>} : memref<208x256xf32, #tpu.memory_space<vmem>>, vector<16xf32>,
        %parallel_loop3A_214 = arith.mulf %parallel_loop3A_103, %parallel_loop3A_213 : vector<16xf32>
        %parallel_loop3A_215 = arith.constant 3 : i32
        %parallel_loop3A_216 = arith.addi %parallel_loop3A_93, %parallel_loop3A_215 : i32
        %parallel_loop3A_217 = arith.index_cast %parallel_loop3A_216 : i32 to index
        %parallel_loop3A_218 = arith.constant 48 : index
        %parallel_loop3A_219 = tpu.vector_load %arg10[%parallel_loop3A_217, %parallel_loop3A_218] {strides = array<i32>} : memref<208x256xf32, #tpu.memory_space<vmem>>, vector<16xf32>,
        %parallel_loop3A_220 = arith.mulf %parallel_loop3A_107, %parallel_loop3A_219 : vector<16xf32>
        %parallel_loop3A_221 = arith.addf %parallel_loop3A_214, %parallel_loop3A_220 : vector<16xf32>
        %parallel_loop3A_222 = arith.addf %parallel_loop3A_208, %parallel_loop3A_221 : vector<16xf32>
        %parallel_loop3A_223 = arith.constant 48 : i32
        %parallel_loop3A_224 = arith.addi %parallel_loop3A_110, %parallel_loop3A_223 : i32
        %parallel_loop3A_225 = arith.index_cast %parallel_loop3A_224 : i32 to index
        %parallel_loop3A_226 = tpu.vector_load %arg12[%parallel_loop3A_225] {strides = array<i32>} : memref<12544xf32, #tpu.memory_space<vmem>>, vector<16xf32>,
        tpu.vector_store %arg12[%parallel_loop3A_225], %parallel_loop3A_222 {strides = array<i32>} : memref<12544xf32, #tpu.memory_space<vmem>>, vector<16xf32>,
        %parallel_loop3A_227 = arith.index_cast %parallel_loop3A_93 : i32 to index
        %parallel_loop3A_228 = arith.constant 64 : index
        %parallel_loop3A_229 = tpu.vector_load %arg10[%parallel_loop3A_227, %parallel_loop3A_228] {strides = array<i32>} : memref<208x256xf32, #tpu.memory_space<vmem>>, vector<16xf32>,
        %parallel_loop3A_230 = arith.mulf %parallel_loop3A_95, %parallel_loop3A_229 : vector<16xf32>
        %parallel_loop3A_231 = arith.constant 1 : i32
        %parallel_loop3A_232 = arith.addi %parallel_loop3A_93, %parallel_loop3A_231 : i32
        %parallel_loop3A_233 = arith.index_cast %parallel_loop3A_232 : i32 to index
        %parallel_loop3A_234 = arith.constant 64 : index
        %parallel_loop3A_235 = tpu.vector_load %arg10[%parallel_loop3A_233, %parallel_loop3A_234] {strides = array<i32>} : memref<208x256xf32, #tpu.memory_space<vmem>>, vector<16xf32>,
        %parallel_loop3A_236 = arith.mulf %parallel_loop3A_99, %parallel_loop3A_235 : vector<16xf32>
        %parallel_loop3A_237 = arith.addf %parallel_loop3A_230, %parallel_loop3A_236 : vector<16xf32>
        %parallel_loop3A_238 = arith.constant 2 : i32
        %parallel_loop3A_239 = arith.addi %parallel_loop3A_93, %parallel_loop3A_238 : i32
        %parallel_loop3A_240 = arith.index_cast %parallel_loop3A_239 : i32 to index
        %parallel_loop3A_241 = arith.constant 64 : index
        %parallel_loop3A_242 = tpu.vector_load %arg10[%parallel_loop3A_240, %parallel_loop3A_241] {strides = array<i32>} : memref<208x256xf32, #tpu.memory_space<vmem>>, vector<16xf32>,
        %parallel_loop3A_243 = arith.mulf %parallel_loop3A_103, %parallel_loop3A_242 : vector<16xf32>
        %parallel_loop3A_244 = arith.constant 3 : i32
        %parallel_loop3A_245 = arith.addi %parallel_loop3A_93, %parallel_loop3A_244 : i32
        %parallel_loop3A_246 = arith.index_cast %parallel_loop3A_245 : i32 to index
        %parallel_loop3A_247 = arith.constant 64 : index
        %parallel_loop3A_248 = tpu.vector_load %arg10[%parallel_loop3A_246, %parallel_loop3A_247] {strides = array<i32>} : memref<208x256xf32, #tpu.memory_space<vmem>>, vector<16xf32>,
        %parallel_loop3A_249 = arith.mulf %parallel_loop3A_107, %parallel_loop3A_248 : vector<16xf32>
        %parallel_loop3A_250 = arith.addf %parallel_loop3A_243, %parallel_loop3A_249 : vector<16xf32>
        %parallel_loop3A_251 = arith.addf %parallel_loop3A_237, %parallel_loop3A_250 : vector<16xf32>
        %parallel_loop3A_252 = arith.constant 64 : i32
        %parallel_loop3A_253 = arith.addi %parallel_loop3A_110, %parallel_loop3A_252 : i32
        %parallel_loop3A_254 = arith.index_cast %parallel_loop3A_253 : i32 to index
        %parallel_loop3A_255 = tpu.vector_load %arg12[%parallel_loop3A_254] {strides = array<i32>} : memref<12544xf32, #tpu.memory_space<vmem>>, vector<16xf32>,
        tpu.vector_store %arg12[%parallel_loop3A_254], %parallel_loop3A_251 {strides = array<i32>} : memref<12544xf32, #tpu.memory_space<vmem>>, vector<16xf32>,
        %parallel_loop3A_256 = arith.index_cast %parallel_loop3A_93 : i32 to index
        %parallel_loop3A_257 = arith.constant 80 : index
        %parallel_loop3A_258 = tpu.vector_load %arg10[%parallel_loop3A_256, %parallel_loop3A_257] {strides = array<i32>} : memref<208x256xf32, #tpu.memory_space<vmem>>, vector<16xf32>,
        %parallel_loop3A_259 = arith.mulf %parallel_loop3A_95, %parallel_loop3A_258 : vector<16xf32>
        %parallel_loop3A_260 = arith.constant 1 : i32
        %parallel_loop3A_261 = arith.addi %parallel_loop3A_93, %parallel_loop3A_260 : i32
        %parallel_loop3A_262 = arith.index_cast %parallel_loop3A_261 : i32 to index
        %parallel_loop3A_263 = arith.constant 80 : index
        %parallel_loop3A_264 = tpu.vector_load %arg10[%parallel_loop3A_262, %parallel_loop3A_263] {strides = array<i32>} : memref<208x256xf32, #tpu.memory_space<vmem>>, vector<16xf32>,
        %parallel_loop3A_265 = arith.mulf %parallel_loop3A_99, %parallel_loop3A_264 : vector<16xf32>
        %parallel_loop3A_266 = arith.addf %parallel_loop3A_259, %parallel_loop3A_265 : vector<16xf32>
        %parallel_loop3A_267 = arith.constant 2 : i32
        %parallel_loop3A_268 = arith.addi %parallel_loop3A_93, %parallel_loop3A_267 : i32
        %parallel_loop3A_269 = arith.index_cast %parallel_loop3A_268 : i32 to index
        %parallel_loop3A_270 = arith.constant 80 : index
        %parallel_loop3A_271 = tpu.vector_load %arg10[%parallel_loop3A_269, %parallel_loop3A_270] {strides = array<i32>} : memref<208x256xf32, #tpu.memory_space<vmem>>, vector<16xf32>,
        %parallel_loop3A_272 = arith.mulf %parallel_loop3A_103, %parallel_loop3A_271 : vector<16xf32>
        %parallel_loop3A_273 = arith.constant 3 : i32
        %parallel_loop3A_274 = arith.addi %parallel_loop3A_93, %parallel_loop3A_273 : i32
        %parallel_loop3A_275 = arith.index_cast %parallel_loop3A_274 : i32 to index
        %parallel_loop3A_276 = arith.constant 80 : index
        %parallel_loop3A_277 = tpu.vector_load %arg10[%parallel_loop3A_275, %parallel_loop3A_276] {strides = array<i32>} : memref<208x256xf32, #tpu.memory_space<vmem>>, vector<16xf32>,
        %parallel_loop3A_278 = arith.mulf %parallel_loop3A_107, %parallel_loop3A_277 : vector<16xf32>
        %parallel_loop3A_279 = arith.addf %parallel_loop3A_272, %parallel_loop3A_278 : vector<16xf32>
        %parallel_loop3A_280 = arith.addf %parallel_loop3A_266, %parallel_loop3A_279 : vector<16xf32>
        %parallel_loop3A_281 = arith.constant 80 : i32
        %parallel_loop3A_282 = arith.addi %parallel_loop3A_110, %parallel_loop3A_281 : i32
        %parallel_loop3A_283 = arith.index_cast %parallel_loop3A_282 : i32 to index
        %parallel_loop3A_284 = tpu.vector_load %arg12[%parallel_loop3A_283] {strides = array<i32>} : memref<12544xf32, #tpu.memory_space<vmem>>, vector<16xf32>,
        tpu.vector_store %arg12[%parallel_loop3A_283], %parallel_loop3A_280 {strides = array<i32>} : memref<12544xf32, #tpu.memory_space<vmem>>, vector<16xf32>,
        %parallel_loop3A_285 = arith.index_cast %parallel_loop3A_93 : i32 to index
        %parallel_loop3A_286 = arith.constant 96 : index
        %parallel_loop3A_287 = tpu.vector_load %arg10[%parallel_loop3A_285, %parallel_loop3A_286] {strides = array<i32>} : memref<208x256xf32, #tpu.memory_space<vmem>>, vector<16xf32>,
        %parallel_loop3A_288 = arith.mulf %parallel_loop3A_95, %parallel_loop3A_287 : vector<16xf32>
        %parallel_loop3A_289 = arith.constant 1 : i32
        %parallel_loop3A_290 = arith.addi %parallel_loop3A_93, %parallel_loop3A_289 : i32
        %parallel_loop3A_291 = arith.index_cast %parallel_loop3A_290 : i32 to index
        %parallel_loop3A_292 = arith.constant 96 : index
        %parallel_loop3A_293 = tpu.vector_load %arg10[%parallel_loop3A_291, %parallel_loop3A_292] {strides = array<i32>} : memref<208x256xf32, #tpu.memory_space<vmem>>, vector<16xf32>,
        %parallel_loop3A_294 = arith.mulf %parallel_loop3A_99, %parallel_loop3A_293 : vector<16xf32>
        %parallel_loop3A_295 = arith.addf %parallel_loop3A_288, %parallel_loop3A_294 : vector<16xf32>
        %parallel_loop3A_296 = arith.constant 2 : i32
        %parallel_loop3A_297 = arith.addi %parallel_loop3A_93, %parallel_loop3A_296 : i32
        %parallel_loop3A_298 = arith.index_cast %parallel_loop3A_297 : i32 to index
        %parallel_loop3A_299 = arith.constant 96 : index
        %parallel_loop3A_300 = tpu.vector_load %arg10[%parallel_loop3A_298, %parallel_loop3A_299] {strides = array<i32>} : memref<208x256xf32, #tpu.memory_space<vmem>>, vector<16xf32>,
        %parallel_loop3A_301 = arith.mulf %parallel_loop3A_103, %parallel_loop3A_300 : vector<16xf32>
        %parallel_loop3A_302 = arith.constant 3 : i32
        %parallel_loop3A_303 = arith.addi %parallel_loop3A_93, %parallel_loop3A_302 : i32
        %parallel_loop3A_304 = arith.index_cast %parallel_loop3A_303 : i32 to index
        %parallel_loop3A_305 = arith.constant 96 : index
        %parallel_loop3A_306 = tpu.vector_load %arg10[%parallel_loop3A_304, %parallel_loop3A_305] {strides = array<i32>} : memref<208x256xf32, #tpu.memory_space<vmem>>, vector<16xf32>,
        %parallel_loop3A_307 = arith.mulf %parallel_loop3A_107, %parallel_loop3A_306 : vector<16xf32>
        %parallel_loop3A_308 = arith.addf %parallel_loop3A_301, %parallel_loop3A_307 : vector<16xf32>
        %parallel_loop3A_309 = arith.addf %parallel_loop3A_295, %parallel_loop3A_308 : vector<16xf32>
        %parallel_loop3A_310 = arith.constant 96 : i32
        %parallel_loop3A_311 = arith.addi %parallel_loop3A_110, %parallel_loop3A_310 : i32
        %parallel_loop3A_312 = arith.index_cast %parallel_loop3A_311 : i32 to index
        %parallel_loop3A_313 = tpu.vector_load %arg12[%parallel_loop3A_312] {strides = array<i32>} : memref<12544xf32, #tpu.memory_space<vmem>>, vector<16xf32>,
        tpu.vector_store %arg12[%parallel_loop3A_312], %parallel_loop3A_309 {strides = array<i32>} : memref<12544xf32, #tpu.memory_space<vmem>>, vector<16xf32>,
        %parallel_loop3A_314 = arith.index_cast %parallel_loop3A_93 : i32 to index
        %parallel_loop3A_315 = arith.constant 112 : index
        %parallel_loop3A_316 = tpu.vector_load %arg10[%parallel_loop3A_314, %parallel_loop3A_315] {strides = array<i32>} : memref<208x256xf32, #tpu.memory_space<vmem>>, vector<16xf32>,
        %parallel_loop3A_317 = arith.mulf %parallel_loop3A_95, %parallel_loop3A_316 : vector<16xf32>
        %parallel_loop3A_318 = arith.constant 1 : i32
        %parallel_loop3A_319 = arith.addi %parallel_loop3A_93, %parallel_loop3A_318 : i32
        %parallel_loop3A_320 = arith.index_cast %parallel_loop3A_319 : i32 to index
        %parallel_loop3A_321 = arith.constant 112 : index
        %parallel_loop3A_322 = tpu.vector_load %arg10[%parallel_loop3A_320, %parallel_loop3A_321] {strides = array<i32>} : memref<208x256xf32, #tpu.memory_space<vmem>>, vector<16xf32>,
        %parallel_loop3A_323 = arith.mulf %parallel_loop3A_99, %parallel_loop3A_322 : vector<16xf32>
        %parallel_loop3A_324 = arith.addf %parallel_loop3A_317, %parallel_loop3A_323 : vector<16xf32>
        %parallel_loop3A_325 = arith.constant 2 : i32
        %parallel_loop3A_326 = arith.addi %parallel_loop3A_93, %parallel_loop3A_325 : i32
        %parallel_loop3A_327 = arith.index_cast %parallel_loop3A_326 : i32 to index
        %parallel_loop3A_328 = arith.constant 112 : index
        %parallel_loop3A_329 = tpu.vector_load %arg10[%parallel_loop3A_327, %parallel_loop3A_328] {strides = array<i32>} : memref<208x256xf32, #tpu.memory_space<vmem>>, vector<16xf32>,
        %parallel_loop3A_330 = arith.mulf %parallel_loop3A_103, %parallel_loop3A_329 : vector<16xf32>
        %parallel_loop3A_331 = arith.constant 3 : i32
        %parallel_loop3A_332 = arith.addi %parallel_loop3A_93, %parallel_loop3A_331 : i32
        %parallel_loop3A_333 = arith.index_cast %parallel_loop3A_332 : i32 to index
        %parallel_loop3A_334 = arith.constant 112 : index
        %parallel_loop3A_335 = tpu.vector_load %arg10[%parallel_loop3A_333, %parallel_loop3A_334] {strides = array<i32>} : memref<208x256xf32, #tpu.memory_space<vmem>>, vector<16xf32>,
        %parallel_loop3A_336 = arith.mulf %parallel_loop3A_107, %parallel_loop3A_335 : vector<16xf32>
        %parallel_loop3A_337 = arith.addf %parallel_loop3A_330, %parallel_loop3A_336 : vector<16xf32>
        %parallel_loop3A_338 = arith.addf %parallel_loop3A_324, %parallel_loop3A_337 : vector<16xf32>
        %parallel_loop3A_339 = arith.constant 112 : i32
        %parallel_loop3A_340 = arith.addi %parallel_loop3A_110, %parallel_loop3A_339 : i32
        %parallel_loop3A_341 = arith.index_cast %parallel_loop3A_340 : i32 to index
        %parallel_loop3A_342 = tpu.vector_load %arg12[%parallel_loop3A_341] {strides = array<i32>} : memref<12544xf32, #tpu.memory_space<vmem>>, vector<16xf32>,
        tpu.vector_store %arg12[%parallel_loop3A_341], %parallel_loop3A_338 {strides = array<i32>} : memref<12544xf32, #tpu.memory_space<vmem>>, vector<16xf32>,
        %parallel_loop3A_343 = arith.index_cast %parallel_loop3A_93 : i32 to index
        %parallel_loop3A_344 = arith.constant 128 : index
        %parallel_loop3A_345 = tpu.vector_load %arg10[%parallel_loop3A_343, %parallel_loop3A_344] {strides = array<i32>} : memref<208x256xf32, #tpu.memory_space<vmem>>, vector<16xf32>,
        %parallel_loop3A_346 = arith.mulf %parallel_loop3A_95, %parallel_loop3A_345 : vector<16xf32>
        %parallel_loop3A_347 = arith.constant 1 : i32
        %parallel_loop3A_348 = arith.addi %parallel_loop3A_93, %parallel_loop3A_347 : i32
        %parallel_loop3A_349 = arith.index_cast %parallel_loop3A_348 : i32 to index
        %parallel_loop3A_350 = arith.constant 128 : index
        %parallel_loop3A_351 = tpu.vector_load %arg10[%parallel_loop3A_349, %parallel_loop3A_350] {strides = array<i32>} : memref<208x256xf32, #tpu.memory_space<vmem>>, vector<16xf32>,
        %parallel_loop3A_352 = arith.mulf %parallel_loop3A_99, %parallel_loop3A_351 : vector<16xf32>
        %parallel_loop3A_353 = arith.addf %parallel_loop3A_346, %parallel_loop3A_352 : vector<16xf32>
        %parallel_loop3A_354 = arith.constant 2 : i32
        %parallel_loop3A_355 = arith.addi %parallel_loop3A_93, %parallel_loop3A_354 : i32
        %parallel_loop3A_356 = arith.index_cast %parallel_loop3A_355 : i32 to index
        %parallel_loop3A_357 = arith.constant 128 : index
        %parallel_loop3A_358 = tpu.vector_load %arg10[%parallel_loop3A_356, %parallel_loop3A_357] {strides = array<i32>} : memref<208x256xf32, #tpu.memory_space<vmem>>, vector<16xf32>,
        %parallel_loop3A_359 = arith.mulf %parallel_loop3A_103, %parallel_loop3A_358 : vector<16xf32>
        %parallel_loop3A_360 = arith.constant 3 : i32
        %parallel_loop3A_361 = arith.addi %parallel_loop3A_93, %parallel_loop3A_360 : i32
        %parallel_loop3A_362 = arith.index_cast %parallel_loop3A_361 : i32 to index
        %parallel_loop3A_363 = arith.constant 128 : index
        %parallel_loop3A_364 = tpu.vector_load %arg10[%parallel_loop3A_362, %parallel_loop3A_363] {strides = array<i32>} : memref<208x256xf32, #tpu.memory_space<vmem>>, vector<16xf32>,
        %parallel_loop3A_365 = arith.mulf %parallel_loop3A_107, %parallel_loop3A_364 : vector<16xf32>
        %parallel_loop3A_366 = arith.addf %parallel_loop3A_359, %parallel_loop3A_365 : vector<16xf32>
        %parallel_loop3A_367 = arith.addf %parallel_loop3A_353, %parallel_loop3A_366 : vector<16xf32>
        %parallel_loop3A_368 = arith.constant 128 : i32
        %parallel_loop3A_369 = arith.addi %parallel_loop3A_110, %parallel_loop3A_368 : i32
        %parallel_loop3A_370 = arith.index_cast %parallel_loop3A_369 : i32 to index
        %parallel_loop3A_371 = tpu.vector_load %arg12[%parallel_loop3A_370] {strides = array<i32>} : memref<12544xf32, #tpu.memory_space<vmem>>, vector<16xf32>,
        tpu.vector_store %arg12[%parallel_loop3A_370], %parallel_loop3A_367 {strides = array<i32>} : memref<12544xf32, #tpu.memory_space<vmem>>, vector<16xf32>,
        %parallel_loop3A_372 = arith.index_cast %parallel_loop3A_93 : i32 to index
        %parallel_loop3A_373 = arith.constant 144 : index
        %parallel_loop3A_374 = tpu.vector_load %arg10[%parallel_loop3A_372, %parallel_loop3A_373] {strides = array<i32>} : memref<208x256xf32, #tpu.memory_space<vmem>>, vector<16xf32>,
        %parallel_loop3A_375 = arith.mulf %parallel_loop3A_95, %parallel_loop3A_374 : vector<16xf32>
        %parallel_loop3A_376 = arith.constant 1 : i32
        %parallel_loop3A_377 = arith.addi %parallel_loop3A_93, %parallel_loop3A_376 : i32
        %parallel_loop3A_378 = arith.index_cast %parallel_loop3A_377 : i32 to index
        %parallel_loop3A_379 = arith.constant 144 : index
        %parallel_loop3A_380 = tpu.vector_load %arg10[%parallel_loop3A_378, %parallel_loop3A_379] {strides = array<i32>} : memref<208x256xf32, #tpu.memory_space<vmem>>, vector<16xf32>,
        %parallel_loop3A_381 = arith.mulf %parallel_loop3A_99, %parallel_loop3A_380 : vector<16xf32>
        %parallel_loop3A_382 = arith.addf %parallel_loop3A_375, %parallel_loop3A_381 : vector<16xf32>
        %parallel_loop3A_383 = arith.constant 2 : i32
        %parallel_loop3A_384 = arith.addi %parallel_loop3A_93, %parallel_loop3A_383 : i32
        %parallel_loop3A_385 = arith.index_cast %parallel_loop3A_384 : i32 to index
        %parallel_loop3A_386 = arith.constant 144 : index
        %parallel_loop3A_387 = tpu.vector_load %arg10[%parallel_loop3A_385, %parallel_loop3A_386] {strides = array<i32>} : memref<208x256xf32, #tpu.memory_space<vmem>>, vector<16xf32>,
        %parallel_loop3A_388 = arith.mulf %parallel_loop3A_103, %parallel_loop3A_387 : vector<16xf32>
        %parallel_loop3A_389 = arith.constant 3 : i32
        %parallel_loop3A_390 = arith.addi %parallel_loop3A_93, %parallel_loop3A_389 : i32
        %parallel_loop3A_391 = arith.index_cast %parallel_loop3A_390 : i32 to index
        %parallel_loop3A_392 = arith.constant 144 : index
        %parallel_loop3A_393 = tpu.vector_load %arg10[%parallel_loop3A_391, %parallel_loop3A_392] {strides = array<i32>} : memref<208x256xf32, #tpu.memory_space<vmem>>, vector<16xf32>,
        %parallel_loop3A_394 = arith.mulf %parallel_loop3A_107, %parallel_loop3A_393 : vector<16xf32>
        %parallel_loop3A_395 = arith.addf %parallel_loop3A_388, %parallel_loop3A_394 : vector<16xf32>
        %parallel_loop3A_396 = arith.addf %parallel_loop3A_382, %parallel_loop3A_395 : vector<16xf32>
        %parallel_loop3A_397 = arith.constant 144 : i32
        %parallel_loop3A_398 = arith.addi %parallel_loop3A_110, %parallel_loop3A_397 : i32
        %parallel_loop3A_399 = arith.index_cast %parallel_loop3A_398 : i32 to index
        %parallel_loop3A_400 = tpu.vector_load %arg12[%parallel_loop3A_399] {strides = array<i32>} : memref<12544xf32, #tpu.memory_space<vmem>>, vector<16xf32>,
        tpu.vector_store %arg12[%parallel_loop3A_399], %parallel_loop3A_396 {strides = array<i32>} : memref<12544xf32, #tpu.memory_space<vmem>>, vector<16xf32>,
        %parallel_loop3A_401 = arith.index_cast %parallel_loop3A_93 : i32 to index
        %parallel_loop3A_402 = arith.constant 160 : index
        %parallel_loop3A_403 = tpu.vector_load %arg10[%parallel_loop3A_401, %parallel_loop3A_402] {strides = array<i32>} : memref<208x256xf32, #tpu.memory_space<vmem>>, vector<16xf32>,
        %parallel_loop3A_404 = arith.mulf %parallel_loop3A_95, %parallel_loop3A_403 : vector<16xf32>
        %parallel_loop3A_405 = arith.constant 1 : i32
        %parallel_loop3A_406 = arith.addi %parallel_loop3A_93, %parallel_loop3A_405 : i32
        %parallel_loop3A_407 = arith.index_cast %parallel_loop3A_406 : i32 to index
        %parallel_loop3A_408 = arith.constant 160 : index
        %parallel_loop3A_409 = tpu.vector_load %arg10[%parallel_loop3A_407, %parallel_loop3A_408] {strides = array<i32>} : memref<208x256xf32, #tpu.memory_space<vmem>>, vector<16xf32>,
        %parallel_loop3A_410 = arith.mulf %parallel_loop3A_99, %parallel_loop3A_409 : vector<16xf32>
        %parallel_loop3A_411 = arith.addf %parallel_loop3A_404, %parallel_loop3A_410 : vector<16xf32>
        %parallel_loop3A_412 = arith.constant 2 : i32
        %parallel_loop3A_413 = arith.addi %parallel_loop3A_93, %parallel_loop3A_412 : i32
        %parallel_loop3A_414 = arith.index_cast %parallel_loop3A_413 : i32 to index
        %parallel_loop3A_415 = arith.constant 160 : index
        %parallel_loop3A_416 = tpu.vector_load %arg10[%parallel_loop3A_414, %parallel_loop3A_415] {strides = array<i32>} : memref<208x256xf32, #tpu.memory_space<vmem>>, vector<16xf32>,
        %parallel_loop3A_417 = arith.mulf %parallel_loop3A_103, %parallel_loop3A_416 : vector<16xf32>
        %parallel_loop3A_418 = arith.constant 3 : i32
        %parallel_loop3A_419 = arith.addi %parallel_loop3A_93, %parallel_loop3A_418 : i32
        %parallel_loop3A_420 = arith.index_cast %parallel_loop3A_419 : i32 to index
        %parallel_loop3A_421 = arith.constant 160 : index
        %parallel_loop3A_422 = tpu.vector_load %arg10[%parallel_loop3A_420, %parallel_loop3A_421] {strides = array<i32>} : memref<208x256xf32, #tpu.memory_space<vmem>>, vector<16xf32>,
        %parallel_loop3A_423 = arith.mulf %parallel_loop3A_107, %parallel_loop3A_422 : vector<16xf32>
        %parallel_loop3A_424 = arith.addf %parallel_loop3A_417, %parallel_loop3A_423 : vector<16xf32>
        %parallel_loop3A_425 = arith.addf %parallel_loop3A_411, %parallel_loop3A_424 : vector<16xf32>
        %parallel_loop3A_426 = arith.constant 160 : i32
        %parallel_loop3A_427 = arith.addi %parallel_loop3A_110, %parallel_loop3A_426 : i32
        %parallel_loop3A_428 = arith.index_cast %parallel_loop3A_427 : i32 to index
        %parallel_loop3A_429 = tpu.vector_load %arg12[%parallel_loop3A_428] {strides = array<i32>} : memref<12544xf32, #tpu.memory_space<vmem>>, vector<16xf32>,
        tpu.vector_store %arg12[%parallel_loop3A_428], %parallel_loop3A_425 {strides = array<i32>} : memref<12544xf32, #tpu.memory_space<vmem>>, vector<16xf32>,
        %parallel_loop3A_430 = arith.index_cast %parallel_loop3A_93 : i32 to index
        %parallel_loop3A_431 = arith.constant 176 : index
        %parallel_loop3A_432 = tpu.vector_load %arg10[%parallel_loop3A_430, %parallel_loop3A_431] {strides = array<i32>} : memref<208x256xf32, #tpu.memory_space<vmem>>, vector<16xf32>,
        %parallel_loop3A_433 = arith.mulf %parallel_loop3A_95, %parallel_loop3A_432 : vector<16xf32>
        %parallel_loop3A_434 = arith.constant 1 : i32
        %parallel_loop3A_435 = arith.addi %parallel_loop3A_93, %parallel_loop3A_434 : i32
        %parallel_loop3A_436 = arith.index_cast %parallel_loop3A_435 : i32 to index
        %parallel_loop3A_437 = arith.constant 176 : index
        %parallel_loop3A_438 = tpu.vector_load %arg10[%parallel_loop3A_436, %parallel_loop3A_437] {strides = array<i32>} : memref<208x256xf32, #tpu.memory_space<vmem>>, vector<16xf32>,
        %parallel_loop3A_439 = arith.mulf %parallel_loop3A_99, %parallel_loop3A_438 : vector<16xf32>
        %parallel_loop3A_440 = arith.addf %parallel_loop3A_433, %parallel_loop3A_439 : vector<16xf32>
        %parallel_loop3A_441 = arith.constant 2 : i32
        %parallel_loop3A_442 = arith.addi %parallel_loop3A_93, %parallel_loop3A_441 : i32
        %parallel_loop3A_443 = arith.index_cast %parallel_loop3A_442 : i32 to index
        %parallel_loop3A_444 = arith.constant 176 : index
        %parallel_loop3A_445 = tpu.vector_load %arg10[%parallel_loop3A_443, %parallel_loop3A_444] {strides = array<i32>} : memref<208x256xf32, #tpu.memory_space<vmem>>, vector<16xf32>,
        %parallel_loop3A_446 = arith.mulf %parallel_loop3A_103, %parallel_loop3A_445 : vector<16xf32>
        %parallel_loop3A_447 = arith.constant 3 : i32
        %parallel_loop3A_448 = arith.addi %parallel_loop3A_93, %parallel_loop3A_447 : i32
        %parallel_loop3A_449 = arith.index_cast %parallel_loop3A_448 : i32 to index
        %parallel_loop3A_450 = arith.constant 176 : index
        %parallel_loop3A_451 = tpu.vector_load %arg10[%parallel_loop3A_449, %parallel_loop3A_450] {strides = array<i32>} : memref<208x256xf32, #tpu.memory_space<vmem>>, vector<16xf32>,
        %parallel_loop3A_452 = arith.mulf %parallel_loop3A_107, %parallel_loop3A_451 : vector<16xf32>
        %parallel_loop3A_453 = arith.addf %parallel_loop3A_446, %parallel_loop3A_452 : vector<16xf32>
        %parallel_loop3A_454 = arith.addf %parallel_loop3A_440, %parallel_loop3A_453 : vector<16xf32>
        %parallel_loop3A_455 = arith.constant 176 : i32
        %parallel_loop3A_456 = arith.addi %parallel_loop3A_110, %parallel_loop3A_455 : i32
        %parallel_loop3A_457 = arith.index_cast %parallel_loop3A_456 : i32 to index
        %parallel_loop3A_458 = tpu.vector_load %arg12[%parallel_loop3A_457] {strides = array<i32>} : memref<12544xf32, #tpu.memory_space<vmem>>, vector<16xf32>,
        tpu.vector_store %arg12[%parallel_loop3A_457], %parallel_loop3A_454 {strides = array<i32>} : memref<12544xf32, #tpu.memory_space<vmem>>, vector<16xf32>,
        %parallel_loop3A_459 = arith.index_cast %parallel_loop3A_93 : i32 to index
        %parallel_loop3A_460 = arith.constant 192 : index
        %parallel_loop3A_461 = tpu.vector_load %arg10[%parallel_loop3A_459, %parallel_loop3A_460] {strides = array<i32>} : memref<208x256xf32, #tpu.memory_space<vmem>>, vector<16xf32>,
        %parallel_loop3A_462 = arith.mulf %parallel_loop3A_95, %parallel_loop3A_461 : vector<16xf32>
        %parallel_loop3A_463 = arith.constant 1 : i32
        %parallel_loop3A_464 = arith.addi %parallel_loop3A_93, %parallel_loop3A_463 : i32
        %parallel_loop3A_465 = arith.index_cast %parallel_loop3A_464 : i32 to index
        %parallel_loop3A_466 = arith.constant 192 : index
        %parallel_loop3A_467 = tpu.vector_load %arg10[%parallel_loop3A_465, %parallel_loop3A_466] {strides = array<i32>} : memref<208x256xf32, #tpu.memory_space<vmem>>, vector<16xf32>,
        %parallel_loop3A_468 = arith.mulf %parallel_loop3A_99, %parallel_loop3A_467 : vector<16xf32>
        %parallel_loop3A_469 = arith.addf %parallel_loop3A_462, %parallel_loop3A_468 : vector<16xf32>
        %parallel_loop3A_470 = arith.constant 2 : i32
        %parallel_loop3A_471 = arith.addi %parallel_loop3A_93, %parallel_loop3A_470 : i32
        %parallel_loop3A_472 = arith.index_cast %parallel_loop3A_471 : i32 to index
        %parallel_loop3A_473 = arith.constant 192 : index
        %parallel_loop3A_474 = tpu.vector_load %arg10[%parallel_loop3A_472, %parallel_loop3A_473] {strides = array<i32>} : memref<208x256xf32, #tpu.memory_space<vmem>>, vector<16xf32>,
        %parallel_loop3A_475 = arith.mulf %parallel_loop3A_103, %parallel_loop3A_474 : vector<16xf32>
        %parallel_loop3A_476 = arith.constant 3 : i32
        %parallel_loop3A_477 = arith.addi %parallel_loop3A_93, %parallel_loop3A_476 : i32
        %parallel_loop3A_478 = arith.index_cast %parallel_loop3A_477 : i32 to index
        %parallel_loop3A_479 = arith.constant 192 : index
        %parallel_loop3A_480 = tpu.vector_load %arg10[%parallel_loop3A_478, %parallel_loop3A_479] {strides = array<i32>} : memref<208x256xf32, #tpu.memory_space<vmem>>, vector<16xf32>,
        %parallel_loop3A_481 = arith.mulf %parallel_loop3A_107, %parallel_loop3A_480 : vector<16xf32>
        %parallel_loop3A_482 = arith.addf %parallel_loop3A_475, %parallel_loop3A_481 : vector<16xf32>
        %parallel_loop3A_483 = arith.addf %parallel_loop3A_469, %parallel_loop3A_482 : vector<16xf32>
        %parallel_loop3A_484 = arith.constant 192 : i32
        %parallel_loop3A_485 = arith.addi %parallel_loop3A_110, %parallel_loop3A_484 : i32
        %parallel_loop3A_486 = arith.index_cast %parallel_loop3A_485 : i32 to index
        %parallel_loop3A_487 = tpu.vector_load %arg12[%parallel_loop3A_486] {strides = array<i32>} : memref<12544xf32, #tpu.memory_space<vmem>>, vector<16xf32>,
        tpu.vector_store %arg12[%parallel_loop3A_486], %parallel_loop3A_483 {strides = array<i32>} : memref<12544xf32, #tpu.memory_space<vmem>>, vector<16xf32>,
        %parallel_loop3A_488 = arith.index_cast %parallel_loop3A_93 : i32 to index
        %parallel_loop3A_489 = arith.constant 208 : index
        %parallel_loop3A_490 = tpu.vector_load %arg10[%parallel_loop3A_488, %parallel_loop3A_489] {strides = array<i32>} : memref<208x256xf32, #tpu.memory_space<vmem>>, vector<16xf32>,
        %parallel_loop3A_491 = arith.mulf %parallel_loop3A_95, %parallel_loop3A_490 : vector<16xf32>
        %parallel_loop3A_492 = arith.constant 1 : i32
        %parallel_loop3A_493 = arith.addi %parallel_loop3A_93, %parallel_loop3A_492 : i32
        %parallel_loop3A_494 = arith.index_cast %parallel_loop3A_493 : i32 to index
        %parallel_loop3A_495 = arith.constant 208 : index
        %parallel_loop3A_496 = tpu.vector_load %arg10[%parallel_loop3A_494, %parallel_loop3A_495] {strides = array<i32>} : memref<208x256xf32, #tpu.memory_space<vmem>>, vector<16xf32>,
        %parallel_loop3A_497 = arith.mulf %parallel_loop3A_99, %parallel_loop3A_496 : vector<16xf32>
        %parallel_loop3A_498 = arith.addf %parallel_loop3A_491, %parallel_loop3A_497 : vector<16xf32>
        %parallel_loop3A_499 = arith.constant 2 : i32
        %parallel_loop3A_500 = arith.addi %parallel_loop3A_93, %parallel_loop3A_499 : i32
        %parallel_loop3A_501 = arith.index_cast %parallel_loop3A_500 : i32 to index
        %parallel_loop3A_502 = arith.constant 208 : index
        %parallel_loop3A_503 = tpu.vector_load %arg10[%parallel_loop3A_501, %parallel_loop3A_502] {strides = array<i32>} : memref<208x256xf32, #tpu.memory_space<vmem>>, vector<16xf32>,
        %parallel_loop3A_504 = arith.mulf %parallel_loop3A_103, %parallel_loop3A_503 : vector<16xf32>
        %parallel_loop3A_505 = arith.constant 3 : i32
        %parallel_loop3A_506 = arith.addi %parallel_loop3A_93, %parallel_loop3A_505 : i32
        %parallel_loop3A_507 = arith.index_cast %parallel_loop3A_506 : i32 to index
        %parallel_loop3A_508 = arith.constant 208 : index
        %parallel_loop3A_509 = tpu.vector_load %arg10[%parallel_loop3A_507, %parallel_loop3A_508] {strides = array<i32>} : memref<208x256xf32, #tpu.memory_space<vmem>>, vector<16xf32>,
        %parallel_loop3A_510 = arith.mulf %parallel_loop3A_107, %parallel_loop3A_509 : vector<16xf32>
        %parallel_loop3A_511 = arith.addf %parallel_loop3A_504, %parallel_loop3A_510 : vector<16xf32>
        %parallel_loop3A_512 = arith.addf %parallel_loop3A_498, %parallel_loop3A_511 : vector<16xf32>
        %parallel_loop3A_513 = arith.constant 208 : i32
        %parallel_loop3A_514 = arith.addi %parallel_loop3A_110, %parallel_loop3A_513 : i32
        %parallel_loop3A_515 = arith.index_cast %parallel_loop3A_514 : i32 to index
        %parallel_loop3A_516 = tpu.vector_load %arg12[%parallel_loop3A_515] {strides = array<i32>} : memref<12544xf32, #tpu.memory_space<vmem>>, vector<16xf32>,
        tpu.vector_store %arg12[%parallel_loop3A_515], %parallel_loop3A_512 {strides = array<i32>} : memref<12544xf32, #tpu.memory_space<vmem>>, vector<16xf32>,
        %parallel_loop3A_517 = arith.index_cast %parallel_loop3A_93 : i32 to index
        %parallel_loop3A_518 = arith.constant 224 : index
        %parallel_loop3A_519 = tpu.vector_load %arg10[%parallel_loop3A_517, %parallel_loop3A_518] {strides = array<i32>} : memref<208x256xf32, #tpu.memory_space<vmem>>, vector<16xf32>,
        %parallel_loop3A_520 = arith.mulf %parallel_loop3A_95, %parallel_loop3A_519 : vector<16xf32>
        %parallel_loop3A_521 = arith.constant 1 : i32
        %parallel_loop3A_522 = arith.addi %parallel_loop3A_93, %parallel_loop3A_521 : i32
        %parallel_loop3A_523 = arith.index_cast %parallel_loop3A_522 : i32 to index
        %parallel_loop3A_524 = arith.constant 224 : index
        %parallel_loop3A_525 = tpu.vector_load %arg10[%parallel_loop3A_523, %parallel_loop3A_524] {strides = array<i32>} : memref<208x256xf32, #tpu.memory_space<vmem>>, vector<16xf32>,
        %parallel_loop3A_526 = arith.mulf %parallel_loop3A_99, %parallel_loop3A_525 : vector<16xf32>
        %parallel_loop3A_527 = arith.addf %parallel_loop3A_520, %parallel_loop3A_526 : vector<16xf32>
        %parallel_loop3A_528 = arith.constant 2 : i32
        %parallel_loop3A_529 = arith.addi %parallel_loop3A_93, %parallel_loop3A_528 : i32
        %parallel_loop3A_530 = arith.index_cast %parallel_loop3A_529 : i32 to index
        %parallel_loop3A_531 = arith.constant 224 : index
        %parallel_loop3A_532 = tpu.vector_load %arg10[%parallel_loop3A_530, %parallel_loop3A_531] {strides = array<i32>} : memref<208x256xf32, #tpu.memory_space<vmem>>, vector<16xf32>,
        %parallel_loop3A_533 = arith.mulf %parallel_loop3A_103, %parallel_loop3A_532 : vector<16xf32>
        %parallel_loop3A_534 = arith.constant 3 : i32
        %parallel_loop3A_535 = arith.addi %parallel_loop3A_93, %parallel_loop3A_534 : i32
        %parallel_loop3A_536 = arith.index_cast %parallel_loop3A_535 : i32 to index
        %parallel_loop3A_537 = arith.constant 224 : index
        %parallel_loop3A_538 = tpu.vector_load %arg10[%parallel_loop3A_536, %parallel_loop3A_537] {strides = array<i32>} : memref<208x256xf32, #tpu.memory_space<vmem>>, vector<16xf32>,
        %parallel_loop3A_539 = arith.mulf %parallel_loop3A_107, %parallel_loop3A_538 : vector<16xf32>
        %parallel_loop3A_540 = arith.addf %parallel_loop3A_533, %parallel_loop3A_539 : vector<16xf32>
        %parallel_loop3A_541 = arith.addf %parallel_loop3A_527, %parallel_loop3A_540 : vector<16xf32>
        %parallel_loop3A_542 = arith.constant 224 : i32
        %parallel_loop3A_543 = arith.addi %parallel_loop3A_110, %parallel_loop3A_542 : i32
        %parallel_loop3A_544 = arith.index_cast %parallel_loop3A_543 : i32 to index
        %parallel_loop3A_545 = tpu.vector_load %arg12[%parallel_loop3A_544] {strides = array<i32>} : memref<12544xf32, #tpu.memory_space<vmem>>, vector<16xf32>,
        tpu.vector_store %arg12[%parallel_loop3A_544], %parallel_loop3A_541 {strides = array<i32>} : memref<12544xf32, #tpu.memory_space<vmem>>, vector<16xf32>,
        %parallel_loop3A_546 = arith.index_cast %parallel_loop3A_93 : i32 to index
        %parallel_loop3A_547 = arith.constant 240 : index
        %parallel_loop3A_548 = tpu.vector_load %arg10[%parallel_loop3A_546, %parallel_loop3A_547] {strides = array<i32>} : memref<208x256xf32, #tpu.memory_space<vmem>>, vector<16xf32>,
        %parallel_loop3A_549 = arith.mulf %parallel_loop3A_95, %parallel_loop3A_548 : vector<16xf32>
        %parallel_loop3A_550 = arith.constant 1 : i32
        %parallel_loop3A_551 = arith.addi %parallel_loop3A_93, %parallel_loop3A_550 : i32
        %parallel_loop3A_552 = arith.index_cast %parallel_loop3A_551 : i32 to index
        %parallel_loop3A_553 = arith.constant 240 : index
        %parallel_loop3A_554 = tpu.vector_load %arg10[%parallel_loop3A_552, %parallel_loop3A_553] {strides = array<i32>} : memref<208x256xf32, #tpu.memory_space<vmem>>, vector<16xf32>,
        %parallel_loop3A_555 = arith.mulf %parallel_loop3A_99, %parallel_loop3A_554 : vector<16xf32>
        %parallel_loop3A_556 = arith.addf %parallel_loop3A_549, %parallel_loop3A_555 : vector<16xf32>
        %parallel_loop3A_557 = arith.constant 2 : i32
        %parallel_loop3A_558 = arith.addi %parallel_loop3A_93, %parallel_loop3A_557 : i32
        %parallel_loop3A_559 = arith.index_cast %parallel_loop3A_558 : i32 to index
        %parallel_loop3A_560 = arith.constant 240 : index
        %parallel_loop3A_561 = tpu.vector_load %arg10[%parallel_loop3A_559, %parallel_loop3A_560] {strides = array<i32>} : memref<208x256xf32, #tpu.memory_space<vmem>>, vector<16xf32>,
        %parallel_loop3A_562 = arith.mulf %parallel_loop3A_103, %parallel_loop3A_561 : vector<16xf32>
        %parallel_loop3A_563 = arith.constant 3 : i32
        %parallel_loop3A_564 = arith.addi %parallel_loop3A_93, %parallel_loop3A_563 : i32
        %parallel_loop3A_565 = arith.index_cast %parallel_loop3A_564 : i32 to index
        %parallel_loop3A_566 = arith.constant 240 : index
        %parallel_loop3A_567 = tpu.vector_load %arg10[%parallel_loop3A_565, %parallel_loop3A_566] {strides = array<i32>} : memref<208x256xf32, #tpu.memory_space<vmem>>, vector<16xf32>,
        %parallel_loop3A_568 = arith.mulf %parallel_loop3A_107, %parallel_loop3A_567 : vector<16xf32>
        %parallel_loop3A_569 = arith.addf %parallel_loop3A_562, %parallel_loop3A_568 : vector<16xf32>
        %parallel_loop3A_570 = arith.addf %parallel_loop3A_556, %parallel_loop3A_569 : vector<16xf32>
        %parallel_loop3A_571 = arith.constant 240 : i32
        %parallel_loop3A_572 = arith.addi %parallel_loop3A_110, %parallel_loop3A_571 : i32
        %parallel_loop3A_573 = arith.index_cast %parallel_loop3A_572 : i32 to index
        %parallel_loop3A_574 = tpu.vector_load %arg12[%parallel_loop3A_573] {strides = array<i32>} : memref<12544xf32, #tpu.memory_space<vmem>>, vector<16xf32>,
        tpu.vector_store %arg12[%parallel_loop3A_573], %parallel_loop3A_570 {strides = array<i32>} : memref<12544xf32, #tpu.memory_space<vmem>>, vector<16xf32>,
      } {sc.loop_unroll_factor = 4 : i64, sc.parallel_access}
      %mul3A_53 = arith.constant 12544 : i32
      %mul3A_54 = arith.muli %add3A_30, %mul3A_53 : i32
      %multiple_of3A_55 = tpu.assume_multiple %mul3A_54, 16 : i32
      "tpu.region"() ({
        %run_scoped3A = tpu.sem_alloc : memref<!tpu.dma_semaphore, #tpu.memory_space<semaphore_mem>>
        %dma_start3A_91 = tpu.memref_slice %arg5[%multiple_of3A_55] : memref<12845056xf32, #tpu.memory_space<hbm>> -> memref<12544xf32, #tpu.memory_space<hbm>>
        %dma_start3A_92 = tpu.memref_slice %arg5[%multiple_of3A_55] : memref<12845056xf32, #tpu.memory_space<hbm>> -> memref<12544xf32, #tpu.memory_space<hbm>>
        tpu.enqueue_dma source(%arg12 : memref<12544xf32, #tpu.memory_space<vmem>>) target(%dma_start3A_92 : memref<12544xf32, #tpu.memory_space<hbm>>) target_semaphore(%run_scoped3A : memref<!tpu.dma_semaphore, #tpu.memory_space<semaphore_mem>>)
        %dma_wait3A_93 = tpu.memref_slice %arg5[%multiple_of3A_55] : memref<12845056xf32, #tpu.memory_space<hbm>> -> memref<12544xf32, #tpu.memory_space<hbm>>
        %dma_wait3A_94 = tpu.memref_slice %arg5[%multiple_of3A_55] : memref<12845056xf32, #tpu.memory_space<hbm>> -> memref<12544xf32, #tpu.memory_space<hbm>>
        tpu.wait_dma2 semaphore(%run_scoped3A : memref<!tpu.dma_semaphore, #tpu.memory_space<semaphore_mem>>) src(%arg12 : memref<12544xf32, #tpu.memory_space<vmem>>) dst(%dma_wait3A_94 : memref<12544xf32, #tpu.memory_space<hbm>>)
        tpu.yield
      }) : () -> ()
      %mul3A_56 = arith.constant 2 : i32
      %mul3A_57 = arith.muli %mul3A_56, %scan3A_25 : i32
      %add3A_58 = arith.addi %mul3A_2, %mul3A_57 : i32
      %add3A_59 = arith.constant 1 : i32
      %add3A_60 = arith.addi %add3A_58, %add3A_59 : i32
      %add3A_61 = arith.constant 1 : i32
      %add3A_62 = arith.addi %add3A_60, %add3A_61 : i32
      %add3A_63 = arith.constant 32 : i32
      %add3A_64 = arith.addi %mul3A_2, %add3A_63 : i32
      %lt3A_65 = arith.cmpi slt, %add3A_62, %add3A_64 : i32
      %convert_element_type3A_66 = arith.extui %lt3A_65 : i1 to i32
      %cond3A_67 = arith.constant 0 : i32
      %cond3A_68 = arith.cmpi ne, %convert_element_type3A_66, %cond3A_67 : i32
      scf.if %cond3A_68 {
        %mul3A_91 = arith.constant 256 : i32
        %mul3A_92 = arith.muli %add3A_62, %mul3A_91 : i32
        %multiple_of3A_93 = tpu.assume_multiple %mul3A_92, 256 : i32
        "tpu.region"() ({
          %run_scoped3A = tpu.sem_alloc : memref<!tpu.dma_semaphore, #tpu.memory_space<semaphore_mem>>
          %dma_start3A_110 = tpu.memref_slice %arg3[%multiple_of3A_93] : memref<262144xi32, #tpu.memory_space<hbm>> -> memref<256xi32, #tpu.memory_space<hbm>>
          %dma_start3A_111 = tpu.memref_slice %arg3[%multiple_of3A_93] : memref<262144xi32, #tpu.memory_space<hbm>> -> memref<256xi32, #tpu.memory_space<hbm>>
          tpu.enqueue_dma source(%dma_start3A_111 : memref<256xi32, #tpu.memory_space<hbm>>) target(%arg6 : memref<256xi32, #tpu.memory_space<vmem>>) target_semaphore(%run_scoped3A : memref<!tpu.dma_semaphore, #tpu.memory_space<semaphore_mem>>)
          %dma_wait3A_112 = tpu.memref_slice %arg3[%multiple_of3A_93] : memref<262144xi32, #tpu.memory_space<hbm>> -> memref<256xi32, #tpu.memory_space<hbm>>
          %dma_wait3A_113 = tpu.memref_slice %arg3[%multiple_of3A_93] : memref<262144xi32, #tpu.memory_space<hbm>> -> memref<256xi32, #tpu.memory_space<hbm>>
          tpu.wait_dma2 semaphore(%run_scoped3A : memref<!tpu.dma_semaphore, #tpu.memory_space<semaphore_mem>>) src(%dma_wait3A_113 : memref<256xi32, #tpu.memory_space<hbm>>) dst(%arg6 : memref<256xi32, #tpu.memory_space<vmem>>)
          tpu.yield
        }) : () -> ()
        "tpu.region"() ({
          %run_scoped3A = tpu.sem_alloc : memref<!tpu.dma_semaphore, #tpu.memory_space<semaphore_mem>>
          %dma_start3A_110 = tpu.memref_slice %arg4[%multiple_of3A_93] : memref<262144xf32, #tpu.memory_space<hbm>> -> memref<256xf32, #tpu.memory_space<hbm>>
          %dma_start3A_111 = tpu.memref_slice %arg4[%multiple_of3A_93] : memref<262144xf32, #tpu.memory_space<hbm>> -> memref<256xf32, #tpu.memory_space<hbm>>
          tpu.enqueue_dma source(%dma_start3A_111 : memref<256xf32, #tpu.memory_space<hbm>>) target(%arg8 : memref<256xf32, #tpu.memory_space<vmem>>) target_semaphore(%run_scoped3A : memref<!tpu.dma_semaphore, #tpu.memory_space<semaphore_mem>>)
          %dma_wait3A_112 = tpu.memref_slice %arg4[%multiple_of3A_93] : memref<262144xf32, #tpu.memory_space<hbm>> -> memref<256xf32, #tpu.memory_space<hbm>>
          %dma_wait3A_113 = tpu.memref_slice %arg4[%multiple_of3A_93] : memref<262144xf32, #tpu.memory_space<hbm>> -> memref<256xf32, #tpu.memory_space<hbm>>
          tpu.wait_dma2 semaphore(%run_scoped3A : memref<!tpu.dma_semaphore, #tpu.memory_space<semaphore_mem>>) src(%dma_wait3A_113 : memref<256xf32, #tpu.memory_space<hbm>>) dst(%arg8 : memref<256xf32, #tpu.memory_space<vmem>>)
          tpu.yield
        }) : () -> ()
        %dma_start3A_94 = arith.constant 0 : i32
        %dma_start3A_95 = arith.constant 0 : i32
        %dma_start3A_96 = tpu.memref_slice %arg10[%dma_start3A_94, %dma_start3A_95] : memref<208x256xf32, #tpu.memory_space<vmem>> -> memref<104x256xf32, #tpu.memory_space<vmem>>
        %dma_start3A_97 = arith.constant 0 : i32
        %dma_start3A_98 = tpu.memref_slice %arg6[%dma_start3A_97] : memref<256xi32, #tpu.memory_space<vmem>> -> memref<104xi32, #tpu.memory_space<vmem>>
        %dma_start3A_99 = arith.constant 0 : i32
        %dma_start3A_100 = arith.constant 0 : i32
        %dma_start3A_101 = tpu.memref_slice %arg2[%dma_start3A_99, %dma_start3A_100] : memref<43520x256xf32, #tpu.memory_space<hbm>> -> memref<43520x256xf32, #tpu.memory_space<hbm>>
        tpu.enqueue_indirect_dma source(%dma_start3A_101 : memref<43520x256xf32, #tpu.memory_space<hbm>>) target(%dma_start3A_96 : memref<104x256xf32, #tpu.memory_space<vmem>>) offsets(%dma_start3A_98 : memref<104xi32, #tpu.memory_space<vmem>>) semaphore(%arg13 : memref<!tpu.dma_semaphore, #tpu.memory_space<semaphore_mem>>)
        %dma_start3A_102 = arith.constant 104 : i32
        %dma_start3A_103 = arith.constant 0 : i32
        %dma_start3A_104 = tpu.memref_slice %arg10[%dma_start3A_102, %dma_start3A_103] : memref<208x256xf32, #tpu.memory_space<vmem>> -> memref<104x256xf32, #tpu.memory_space<vmem>>
        %dma_start3A_105 = arith.constant 104 : i32
        %dma_start3A_106 = tpu.memref_slice %arg6[%dma_start3A_105] : memref<256xi32, #tpu.memory_space<vmem>> -> memref<104xi32, #tpu.memory_space<vmem>>
        %dma_start3A_107 = arith.constant 0 : i32
        %dma_start3A_108 = arith.constant 0 : i32
        %dma_start3A_109 = tpu.memref_slice %arg2[%dma_start3A_107, %dma_start3A_108] : memref<43520x256xf32, #tpu.memory_space<hbm>> -> memref<43520x256xf32, #tpu.memory_space<hbm>>
        tpu.enqueue_indirect_dma source(%dma_start3A_109 : memref<43520x256xf32, #tpu.memory_space<hbm>>) target(%dma_start3A_104 : memref<104x256xf32, #tpu.memory_space<vmem>>) offsets(%dma_start3A_106 : memref<104xi32, #tpu.memory_space<vmem>>) semaphore(%arg13 : memref<!tpu.dma_semaphore, #tpu.memory_space<semaphore_mem>>)
      } else {
      }
      %dma_wait3A_69 = arith.constant 0 : i32
      %dma_wait3A_70 = arith.constant 0 : i32
      %dma_wait3A_71 = tpu.memref_slice %arg11[%dma_wait3A_69, %dma_wait3A_70] : memref<208x256xf32, #tpu.memory_space<vmem>> -> memref<104x256xf32, #tpu.memory_space<vmem>>
      %dma_wait3A_72 = arith.constant 0 : i32
      %dma_wait3A_73 = tpu.memref_slice %arg7[%dma_wait3A_72] : memref<256xi32, #tpu.memory_space<vmem>> -> memref<104xi32, #tpu.memory_space<vmem>>
      %dma_wait3A_74 = arith.constant 0 : i32
      %dma_wait3A_75 = arith.constant 0 : i32
      %dma_wait3A_76 = tpu.memref_slice %arg2[%dma_wait3A_74, %dma_wait3A_75] : memref<43520x256xf32, #tpu.memory_space<hbm>> -> memref<43520x256xf32, #tpu.memory_space<hbm>>
      tpu.wait_indirect_dma semaphore(%arg14 : memref<!tpu.dma_semaphore, #tpu.memory_space<semaphore_mem>>) src(%dma_wait3A_76 : memref<43520x256xf32, #tpu.memory_space<hbm>>) dst(%dma_wait3A_71 : memref<104x256xf32, #tpu.memory_space<vmem>>)
      %dma_wait3A_77 = arith.constant 104 : i32
      %dma_wait3A_78 = arith.constant 0 : i32
      %dma_wait3A_79 = tpu.memref_slice %arg11[%dma_wait3A_77, %dma_wait3A_78] : memref<208x256xf32, #tpu.memory_space<vmem>> -> memref<104x256xf32, #tpu.memory_space<vmem>>
      %dma_wait3A_80 = arith.constant 104 : i32
      %dma_wait3A_81 = tpu.memref_slice %arg7[%dma_wait3A_80] : memref<256xi32, #tpu.memory_space<vmem>> -> memref<104xi32, #tpu.memory_space<vmem>>
      %dma_wait3A_82 = arith.constant 0 : i32
      %dma_wait3A_83 = arith.constant 0 : i32
      %dma_wait3A_84 = tpu.memref_slice %arg2[%dma_wait3A_82, %dma_wait3A_83] : memref<43520x256xf32, #tpu.memory_space<hbm>> -> memref<43520x256xf32, #tpu.memory_space<hbm>>
      tpu.wait_indirect_dma semaphore(%arg14 : memref<!tpu.dma_semaphore, #tpu.memory_space<semaphore_mem>>) src(%dma_wait3A_84 : memref<43520x256xf32, #tpu.memory_space<hbm>>) dst(%dma_wait3A_79 : memref<104x256xf32, #tpu.memory_space<vmem>>)
      %parallel_loop3A_85 = arith.constant 0 : i32
      %parallel_loop3A_86 = arith.constant 49 : i32
      %parallel_loop3A_87 = arith.constant 1 : i32
      scf.for %parallel_loop3A_91 = %parallel_loop3A_85 to %parallel_loop3A_86 step %parallel_loop3A_87  : i32 {
        %parallel_loop3A_92 = arith.constant 4 : i32
        %parallel_loop3A_93 = arith.muli %parallel_loop3A_91, %parallel_loop3A_92 : i32
        %parallel_loop3A_94 = vector.broadcast %parallel_loop3A_93 : i32 to vector<16xi32>
        %parallel_loop3A_95 = tpu.vector_load_idx %arg9[%parallel_loop3A_94] : memref<256xf32, #tpu.memory_space<vmem>>[vector<16xi32>], vector<16xf32>,
        %parallel_loop3A_96 = arith.constant 1 : i32
        %parallel_loop3A_97 = vector.broadcast %parallel_loop3A_96 : i32 to vector<16xi32>
        %parallel_loop3A_98 = arith.addi %parallel_loop3A_94, %parallel_loop3A_97 : vector<16xi32>
        %parallel_loop3A_99 = tpu.vector_load_idx %arg9[%parallel_loop3A_98] : memref<256xf32, #tpu.memory_space<vmem>>[vector<16xi32>], vector<16xf32>,
        %parallel_loop3A_100 = arith.constant 2 : i32
        %parallel_loop3A_101 = vector.broadcast %parallel_loop3A_100 : i32 to vector<16xi32>
        %parallel_loop3A_102 = arith.addi %parallel_loop3A_94, %parallel_loop3A_101 : vector<16xi32>
        %parallel_loop3A_103 = tpu.vector_load_idx %arg9[%parallel_loop3A_102] : memref<256xf32, #tpu.memory_space<vmem>>[vector<16xi32>], vector<16xf32>,
        %parallel_loop3A_104 = arith.constant 3 : i32
        %parallel_loop3A_105 = vector.broadcast %parallel_loop3A_104 : i32 to vector<16xi32>
        %parallel_loop3A_106 = arith.addi %parallel_loop3A_94, %parallel_loop3A_105 : vector<16xi32>
        %parallel_loop3A_107 = tpu.vector_load_idx %arg9[%parallel_loop3A_106] : memref<256xf32, #tpu.memory_space<vmem>>[vector<16xi32>], vector<16xf32>,
        %parallel_loop3A_108 = arith.constant 256 : i32
        %parallel_loop3A_109 = arith.muli %parallel_loop3A_91, %parallel_loop3A_108 : i32
        %parallel_loop3A_110 = tpu.assume_multiple %parallel_loop3A_109, 16 : i32
        %parallel_loop3A_111 = arith.index_cast %parallel_loop3A_93 : i32 to index
        %parallel_loop3A_112 = arith.constant 0 : index
        %parallel_loop3A_113 = tpu.vector_load %arg11[%parallel_loop3A_111, %parallel_loop3A_112] {strides = array<i32>} : memref<208x256xf32, #tpu.memory_space<vmem>>, vector<16xf32>,
        %parallel_loop3A_114 = arith.mulf %parallel_loop3A_95, %parallel_loop3A_113 : vector<16xf32>
        %parallel_loop3A_115 = arith.constant 1 : i32
        %parallel_loop3A_116 = arith.addi %parallel_loop3A_93, %parallel_loop3A_115 : i32
        %parallel_loop3A_117 = arith.index_cast %parallel_loop3A_116 : i32 to index
        %parallel_loop3A_118 = arith.constant 0 : index
        %parallel_loop3A_119 = tpu.vector_load %arg11[%parallel_loop3A_117, %parallel_loop3A_118] {strides = array<i32>} : memref<208x256xf32, #tpu.memory_space<vmem>>, vector<16xf32>,
        %parallel_loop3A_120 = arith.mulf %parallel_loop3A_99, %parallel_loop3A_119 : vector<16xf32>
        %parallel_loop3A_121 = arith.addf %parallel_loop3A_114, %parallel_loop3A_120 : vector<16xf32>
        %parallel_loop3A_122 = arith.constant 2 : i32
        %parallel_loop3A_123 = arith.addi %parallel_loop3A_93, %parallel_loop3A_122 : i32
        %parallel_loop3A_124 = arith.index_cast %parallel_loop3A_123 : i32 to index
        %parallel_loop3A_125 = arith.constant 0 : index
        %parallel_loop3A_126 = tpu.vector_load %arg11[%parallel_loop3A_124, %parallel_loop3A_125] {strides = array<i32>} : memref<208x256xf32, #tpu.memory_space<vmem>>, vector<16xf32>,
        %parallel_loop3A_127 = arith.mulf %parallel_loop3A_103, %parallel_loop3A_126 : vector<16xf32>
        %parallel_loop3A_128 = arith.constant 3 : i32
        %parallel_loop3A_129 = arith.addi %parallel_loop3A_93, %parallel_loop3A_128 : i32
        %parallel_loop3A_130 = arith.index_cast %parallel_loop3A_129 : i32 to index
        %parallel_loop3A_131 = arith.constant 0 : index
        %parallel_loop3A_132 = tpu.vector_load %arg11[%parallel_loop3A_130, %parallel_loop3A_131] {strides = array<i32>} : memref<208x256xf32, #tpu.memory_space<vmem>>, vector<16xf32>,
        %parallel_loop3A_133 = arith.mulf %parallel_loop3A_107, %parallel_loop3A_132 : vector<16xf32>
        %parallel_loop3A_134 = arith.addf %parallel_loop3A_127, %parallel_loop3A_133 : vector<16xf32>
        %parallel_loop3A_135 = arith.addf %parallel_loop3A_121, %parallel_loop3A_134 : vector<16xf32>
        %parallel_loop3A_136 = arith.constant 0 : i32
        %parallel_loop3A_137 = arith.addi %parallel_loop3A_110, %parallel_loop3A_136 : i32
        %parallel_loop3A_138 = arith.index_cast %parallel_loop3A_137 : i32 to index
        %parallel_loop3A_139 = tpu.vector_load %arg12[%parallel_loop3A_138] {strides = array<i32>} : memref<12544xf32, #tpu.memory_space<vmem>>, vector<16xf32>,
        tpu.vector_store %arg12[%parallel_loop3A_138], %parallel_loop3A_135 {strides = array<i32>} : memref<12544xf32, #tpu.memory_space<vmem>>, vector<16xf32>,
        %parallel_loop3A_140 = arith.index_cast %parallel_loop3A_93 : i32 to index
        %parallel_loop3A_141 = arith.constant 16 : index
        %parallel_loop3A_142 = tpu.vector_load %arg11[%parallel_loop3A_140, %parallel_loop3A_141] {strides = array<i32>} : memref<208x256xf32, #tpu.memory_space<vmem>>, vector<16xf32>,
        %parallel_loop3A_143 = arith.mulf %parallel_loop3A_95, %parallel_loop3A_142 : vector<16xf32>
        %parallel_loop3A_144 = arith.constant 1 : i32
        %parallel_loop3A_145 = arith.addi %parallel_loop3A_93, %parallel_loop3A_144 : i32
        %parallel_loop3A_146 = arith.index_cast %parallel_loop3A_145 : i32 to index
        %parallel_loop3A_147 = arith.constant 16 : index
        %parallel_loop3A_148 = tpu.vector_load %arg11[%parallel_loop3A_146, %parallel_loop3A_147] {strides = array<i32>} : memref<208x256xf32, #tpu.memory_space<vmem>>, vector<16xf32>,
        %parallel_loop3A_149 = arith.mulf %parallel_loop3A_99, %parallel_loop3A_148 : vector<16xf32>
        %parallel_loop3A_150 = arith.addf %parallel_loop3A_143, %parallel_loop3A_149 : vector<16xf32>
        %parallel_loop3A_151 = arith.constant 2 : i32
        %parallel_loop3A_152 = arith.addi %parallel_loop3A_93, %parallel_loop3A_151 : i32
        %parallel_loop3A_153 = arith.index_cast %parallel_loop3A_152 : i32 to index
        %parallel_loop3A_154 = arith.constant 16 : index
        %parallel_loop3A_155 = tpu.vector_load %arg11[%parallel_loop3A_153, %parallel_loop3A_154] {strides = array<i32>} : memref<208x256xf32, #tpu.memory_space<vmem>>, vector<16xf32>,
        %parallel_loop3A_156 = arith.mulf %parallel_loop3A_103, %parallel_loop3A_155 : vector<16xf32>
        %parallel_loop3A_157 = arith.constant 3 : i32
        %parallel_loop3A_158 = arith.addi %parallel_loop3A_93, %parallel_loop3A_157 : i32
        %parallel_loop3A_159 = arith.index_cast %parallel_loop3A_158 : i32 to index
        %parallel_loop3A_160 = arith.constant 16 : index
        %parallel_loop3A_161 = tpu.vector_load %arg11[%parallel_loop3A_159, %parallel_loop3A_160] {strides = array<i32>} : memref<208x256xf32, #tpu.memory_space<vmem>>, vector<16xf32>,
        %parallel_loop3A_162 = arith.mulf %parallel_loop3A_107, %parallel_loop3A_161 : vector<16xf32>
        %parallel_loop3A_163 = arith.addf %parallel_loop3A_156, %parallel_loop3A_162 : vector<16xf32>
        %parallel_loop3A_164 = arith.addf %parallel_loop3A_150, %parallel_loop3A_163 : vector<16xf32>
        %parallel_loop3A_165 = arith.constant 16 : i32
        %parallel_loop3A_166 = arith.addi %parallel_loop3A_110, %parallel_loop3A_165 : i32
        %parallel_loop3A_167 = arith.index_cast %parallel_loop3A_166 : i32 to index
        %parallel_loop3A_168 = tpu.vector_load %arg12[%parallel_loop3A_167] {strides = array<i32>} : memref<12544xf32, #tpu.memory_space<vmem>>, vector<16xf32>,
        tpu.vector_store %arg12[%parallel_loop3A_167], %parallel_loop3A_164 {strides = array<i32>} : memref<12544xf32, #tpu.memory_space<vmem>>, vector<16xf32>,
        %parallel_loop3A_169 = arith.index_cast %parallel_loop3A_93 : i32 to index
        %parallel_loop3A_170 = arith.constant 32 : index
        %parallel_loop3A_171 = tpu.vector_load %arg11[%parallel_loop3A_169, %parallel_loop3A_170] {strides = array<i32>} : memref<208x256xf32, #tpu.memory_space<vmem>>, vector<16xf32>,
        %parallel_loop3A_172 = arith.mulf %parallel_loop3A_95, %parallel_loop3A_171 : vector<16xf32>
        %parallel_loop3A_173 = arith.constant 1 : i32
        %parallel_loop3A_174 = arith.addi %parallel_loop3A_93, %parallel_loop3A_173 : i32
        %parallel_loop3A_175 = arith.index_cast %parallel_loop3A_174 : i32 to index
        %parallel_loop3A_176 = arith.constant 32 : index
        %parallel_loop3A_177 = tpu.vector_load %arg11[%parallel_loop3A_175, %parallel_loop3A_176] {strides = array<i32>} : memref<208x256xf32, #tpu.memory_space<vmem>>, vector<16xf32>,
        %parallel_loop3A_178 = arith.mulf %parallel_loop3A_99, %parallel_loop3A_177 : vector<16xf32>
        %parallel_loop3A_179 = arith.addf %parallel_loop3A_172, %parallel_loop3A_178 : vector<16xf32>
        %parallel_loop3A_180 = arith.constant 2 : i32
        %parallel_loop3A_181 = arith.addi %parallel_loop3A_93, %parallel_loop3A_180 : i32
        %parallel_loop3A_182 = arith.index_cast %parallel_loop3A_181 : i32 to index
        %parallel_loop3A_183 = arith.constant 32 : index
        %parallel_loop3A_184 = tpu.vector_load %arg11[%parallel_loop3A_182, %parallel_loop3A_183] {strides = array<i32>} : memref<208x256xf32, #tpu.memory_space<vmem>>, vector<16xf32>,
        %parallel_loop3A_185 = arith.mulf %parallel_loop3A_103, %parallel_loop3A_184 : vector<16xf32>
        %parallel_loop3A_186 = arith.constant 3 : i32
        %parallel_loop3A_187 = arith.addi %parallel_loop3A_93, %parallel_loop3A_186 : i32
        %parallel_loop3A_188 = arith.index_cast %parallel_loop3A_187 : i32 to index
        %parallel_loop3A_189 = arith.constant 32 : index
        %parallel_loop3A_190 = tpu.vector_load %arg11[%parallel_loop3A_188, %parallel_loop3A_189] {strides = array<i32>} : memref<208x256xf32, #tpu.memory_space<vmem>>, vector<16xf32>,
        %parallel_loop3A_191 = arith.mulf %parallel_loop3A_107, %parallel_loop3A_190 : vector<16xf32>
        %parallel_loop3A_192 = arith.addf %parallel_loop3A_185, %parallel_loop3A_191 : vector<16xf32>
        %parallel_loop3A_193 = arith.addf %parallel_loop3A_179, %parallel_loop3A_192 : vector<16xf32>
        %parallel_loop3A_194 = arith.constant 32 : i32
        %parallel_loop3A_195 = arith.addi %parallel_loop3A_110, %parallel_loop3A_194 : i32
        %parallel_loop3A_196 = arith.index_cast %parallel_loop3A_195 : i32 to index
        %parallel_loop3A_197 = tpu.vector_load %arg12[%parallel_loop3A_196] {strides = array<i32>} : memref<12544xf32, #tpu.memory_space<vmem>>, vector<16xf32>,
        tpu.vector_store %arg12[%parallel_loop3A_196], %parallel_loop3A_193 {strides = array<i32>} : memref<12544xf32, #tpu.memory_space<vmem>>, vector<16xf32>,
        %parallel_loop3A_198 = arith.index_cast %parallel_loop3A_93 : i32 to index
        %parallel_loop3A_199 = arith.constant 48 : index
        %parallel_loop3A_200 = tpu.vector_load %arg11[%parallel_loop3A_198, %parallel_loop3A_199] {strides = array<i32>} : memref<208x256xf32, #tpu.memory_space<vmem>>, vector<16xf32>,
        %parallel_loop3A_201 = arith.mulf %parallel_loop3A_95, %parallel_loop3A_200 : vector<16xf32>
        %parallel_loop3A_202 = arith.constant 1 : i32
        %parallel_loop3A_203 = arith.addi %parallel_loop3A_93, %parallel_loop3A_202 : i32
        %parallel_loop3A_204 = arith.index_cast %parallel_loop3A_203 : i32 to index
        %parallel_loop3A_205 = arith.constant 48 : index
        %parallel_loop3A_206 = tpu.vector_load %arg11[%parallel_loop3A_204, %parallel_loop3A_205] {strides = array<i32>} : memref<208x256xf32, #tpu.memory_space<vmem>>, vector<16xf32>,
        %parallel_loop3A_207 = arith.mulf %parallel_loop3A_99, %parallel_loop3A_206 : vector<16xf32>
        %parallel_loop3A_208 = arith.addf %parallel_loop3A_201, %parallel_loop3A_207 : vector<16xf32>
        %parallel_loop3A_209 = arith.constant 2 : i32
        %parallel_loop3A_210 = arith.addi %parallel_loop3A_93, %parallel_loop3A_209 : i32
        %parallel_loop3A_211 = arith.index_cast %parallel_loop3A_210 : i32 to index
        %parallel_loop3A_212 = arith.constant 48 : index
        %parallel_loop3A_213 = tpu.vector_load %arg11[%parallel_loop3A_211, %parallel_loop3A_212] {strides = array<i32>} : memref<208x256xf32, #tpu.memory_space<vmem>>, vector<16xf32>,
        %parallel_loop3A_214 = arith.mulf %parallel_loop3A_103, %parallel_loop3A_213 : vector<16xf32>
        %parallel_loop3A_215 = arith.constant 3 : i32
        %parallel_loop3A_216 = arith.addi %parallel_loop3A_93, %parallel_loop3A_215 : i32
        %parallel_loop3A_217 = arith.index_cast %parallel_loop3A_216 : i32 to index
        %parallel_loop3A_218 = arith.constant 48 : index
        %parallel_loop3A_219 = tpu.vector_load %arg11[%parallel_loop3A_217, %parallel_loop3A_218] {strides = array<i32>} : memref<208x256xf32, #tpu.memory_space<vmem>>, vector<16xf32>,
        %parallel_loop3A_220 = arith.mulf %parallel_loop3A_107, %parallel_loop3A_219 : vector<16xf32>
        %parallel_loop3A_221 = arith.addf %parallel_loop3A_214, %parallel_loop3A_220 : vector<16xf32>
        %parallel_loop3A_222 = arith.addf %parallel_loop3A_208, %parallel_loop3A_221 : vector<16xf32>
        %parallel_loop3A_223 = arith.constant 48 : i32
        %parallel_loop3A_224 = arith.addi %parallel_loop3A_110, %parallel_loop3A_223 : i32
        %parallel_loop3A_225 = arith.index_cast %parallel_loop3A_224 : i32 to index
        %parallel_loop3A_226 = tpu.vector_load %arg12[%parallel_loop3A_225] {strides = array<i32>} : memref<12544xf32, #tpu.memory_space<vmem>>, vector<16xf32>,
        tpu.vector_store %arg12[%parallel_loop3A_225], %parallel_loop3A_222 {strides = array<i32>} : memref<12544xf32, #tpu.memory_space<vmem>>, vector<16xf32>,
        %parallel_loop3A_227 = arith.index_cast %parallel_loop3A_93 : i32 to index
        %parallel_loop3A_228 = arith.constant 64 : index
        %parallel_loop3A_229 = tpu.vector_load %arg11[%parallel_loop3A_227, %parallel_loop3A_228] {strides = array<i32>} : memref<208x256xf32, #tpu.memory_space<vmem>>, vector<16xf32>,
        %parallel_loop3A_230 = arith.mulf %parallel_loop3A_95, %parallel_loop3A_229 : vector<16xf32>
        %parallel_loop3A_231 = arith.constant 1 : i32
        %parallel_loop3A_232 = arith.addi %parallel_loop3A_93, %parallel_loop3A_231 : i32
        %parallel_loop3A_233 = arith.index_cast %parallel_loop3A_232 : i32 to index
        %parallel_loop3A_234 = arith.constant 64 : index
        %parallel_loop3A_235 = tpu.vector_load %arg11[%parallel_loop3A_233, %parallel_loop3A_234] {strides = array<i32>} : memref<208x256xf32, #tpu.memory_space<vmem>>, vector<16xf32>,
        %parallel_loop3A_236 = arith.mulf %parallel_loop3A_99, %parallel_loop3A_235 : vector<16xf32>
        %parallel_loop3A_237 = arith.addf %parallel_loop3A_230, %parallel_loop3A_236 : vector<16xf32>
        %parallel_loop3A_238 = arith.constant 2 : i32
        %parallel_loop3A_239 = arith.addi %parallel_loop3A_93, %parallel_loop3A_238 : i32
        %parallel_loop3A_240 = arith.index_cast %parallel_loop3A_239 : i32 to index
        %parallel_loop3A_241 = arith.constant 64 : index
        %parallel_loop3A_242 = tpu.vector_load %arg11[%parallel_loop3A_240, %parallel_loop3A_241] {strides = array<i32>} : memref<208x256xf32, #tpu.memory_space<vmem>>, vector<16xf32>,
        %parallel_loop3A_243 = arith.mulf %parallel_loop3A_103, %parallel_loop3A_242 : vector<16xf32>
        %parallel_loop3A_244 = arith.constant 3 : i32
        %parallel_loop3A_245 = arith.addi %parallel_loop3A_93, %parallel_loop3A_244 : i32
        %parallel_loop3A_246 = arith.index_cast %parallel_loop3A_245 : i32 to index
        %parallel_loop3A_247 = arith.constant 64 : index
        %parallel_loop3A_248 = tpu.vector_load %arg11[%parallel_loop3A_246, %parallel_loop3A_247] {strides = array<i32>} : memref<208x256xf32, #tpu.memory_space<vmem>>, vector<16xf32>,
        %parallel_loop3A_249 = arith.mulf %parallel_loop3A_107, %parallel_loop3A_248 : vector<16xf32>
        %parallel_loop3A_250 = arith.addf %parallel_loop3A_243, %parallel_loop3A_249 : vector<16xf32>
        %parallel_loop3A_251 = arith.addf %parallel_loop3A_237, %parallel_loop3A_250 : vector<16xf32>
        %parallel_loop3A_252 = arith.constant 64 : i32
        %parallel_loop3A_253 = arith.addi %parallel_loop3A_110, %parallel_loop3A_252 : i32
        %parallel_loop3A_254 = arith.index_cast %parallel_loop3A_253 : i32 to index
        %parallel_loop3A_255 = tpu.vector_load %arg12[%parallel_loop3A_254] {strides = array<i32>} : memref<12544xf32, #tpu.memory_space<vmem>>, vector<16xf32>,
        tpu.vector_store %arg12[%parallel_loop3A_254], %parallel_loop3A_251 {strides = array<i32>} : memref<12544xf32, #tpu.memory_space<vmem>>, vector<16xf32>,
        %parallel_loop3A_256 = arith.index_cast %parallel_loop3A_93 : i32 to index
        %parallel_loop3A_257 = arith.constant 80 : index
        %parallel_loop3A_258 = tpu.vector_load %arg11[%parallel_loop3A_256, %parallel_loop3A_257] {strides = array<i32>} : memref<208x256xf32, #tpu.memory_space<vmem>>, vector<16xf32>,
        %parallel_loop3A_259 = arith.mulf %parallel_loop3A_95, %parallel_loop3A_258 : vector<16xf32>
        %parallel_loop3A_260 = arith.constant 1 : i32
        %parallel_loop3A_261 = arith.addi %parallel_loop3A_93, %parallel_loop3A_260 : i32
        %parallel_loop3A_262 = arith.index_cast %parallel_loop3A_261 : i32 to index
        %parallel_loop3A_263 = arith.constant 80 : index
        %parallel_loop3A_264 = tpu.vector_load %arg11[%parallel_loop3A_262, %parallel_loop3A_263] {strides = array<i32>} : memref<208x256xf32, #tpu.memory_space<vmem>>, vector<16xf32>,
        %parallel_loop3A_265 = arith.mulf %parallel_loop3A_99, %parallel_loop3A_264 : vector<16xf32>
        %parallel_loop3A_266 = arith.addf %parallel_loop3A_259, %parallel_loop3A_265 : vector<16xf32>
        %parallel_loop3A_267 = arith.constant 2 : i32
        %parallel_loop3A_268 = arith.addi %parallel_loop3A_93, %parallel_loop3A_267 : i32
        %parallel_loop3A_269 = arith.index_cast %parallel_loop3A_268 : i32 to index
        %parallel_loop3A_270 = arith.constant 80 : index
        %parallel_loop3A_271 = tpu.vector_load %arg11[%parallel_loop3A_269, %parallel_loop3A_270] {strides = array<i32>} : memref<208x256xf32, #tpu.memory_space<vmem>>, vector<16xf32>,
        %parallel_loop3A_272 = arith.mulf %parallel_loop3A_103, %parallel_loop3A_271 : vector<16xf32>
        %parallel_loop3A_273 = arith.constant 3 : i32
        %parallel_loop3A_274 = arith.addi %parallel_loop3A_93, %parallel_loop3A_273 : i32
        %parallel_loop3A_275 = arith.index_cast %parallel_loop3A_274 : i32 to index
        %parallel_loop3A_276 = arith.constant 80 : index
        %parallel_loop3A_277 = tpu.vector_load %arg11[%parallel_loop3A_275, %parallel_loop3A_276] {strides = array<i32>} : memref<208x256xf32, #tpu.memory_space<vmem>>, vector<16xf32>,
        %parallel_loop3A_278 = arith.mulf %parallel_loop3A_107, %parallel_loop3A_277 : vector<16xf32>
        %parallel_loop3A_279 = arith.addf %parallel_loop3A_272, %parallel_loop3A_278 : vector<16xf32>
        %parallel_loop3A_280 = arith.addf %parallel_loop3A_266, %parallel_loop3A_279 : vector<16xf32>
        %parallel_loop3A_281 = arith.constant 80 : i32
        %parallel_loop3A_282 = arith.addi %parallel_loop3A_110, %parallel_loop3A_281 : i32
        %parallel_loop3A_283 = arith.index_cast %parallel_loop3A_282 : i32 to index
        %parallel_loop3A_284 = tpu.vector_load %arg12[%parallel_loop3A_283] {strides = array<i32>} : memref<12544xf32, #tpu.memory_space<vmem>>, vector<16xf32>,
        tpu.vector_store %arg12[%parallel_loop3A_283], %parallel_loop3A_280 {strides = array<i32>} : memref<12544xf32, #tpu.memory_space<vmem>>, vector<16xf32>,
        %parallel_loop3A_285 = arith.index_cast %parallel_loop3A_93 : i32 to index
        %parallel_loop3A_286 = arith.constant 96 : index
        %parallel_loop3A_287 = tpu.vector_load %arg11[%parallel_loop3A_285, %parallel_loop3A_286] {strides = array<i32>} : memref<208x256xf32, #tpu.memory_space<vmem>>, vector<16xf32>,
        %parallel_loop3A_288 = arith.mulf %parallel_loop3A_95, %parallel_loop3A_287 : vector<16xf32>
        %parallel_loop3A_289 = arith.constant 1 : i32
        %parallel_loop3A_290 = arith.addi %parallel_loop3A_93, %parallel_loop3A_289 : i32
        %parallel_loop3A_291 = arith.index_cast %parallel_loop3A_290 : i32 to index
        %parallel_loop3A_292 = arith.constant 96 : index
        %parallel_loop3A_293 = tpu.vector_load %arg11[%parallel_loop3A_291, %parallel_loop3A_292] {strides = array<i32>} : memref<208x256xf32, #tpu.memory_space<vmem>>, vector<16xf32>,
        %parallel_loop3A_294 = arith.mulf %parallel_loop3A_99, %parallel_loop3A_293 : vector<16xf32>
        %parallel_loop3A_295 = arith.addf %parallel_loop3A_288, %parallel_loop3A_294 : vector<16xf32>
        %parallel_loop3A_296 = arith.constant 2 : i32
        %parallel_loop3A_297 = arith.addi %parallel_loop3A_93, %parallel_loop3A_296 : i32
        %parallel_loop3A_298 = arith.index_cast %parallel_loop3A_297 : i32 to index
        %parallel_loop3A_299 = arith.constant 96 : index
        %parallel_loop3A_300 = tpu.vector_load %arg11[%parallel_loop3A_298, %parallel_loop3A_299] {strides = array<i32>} : memref<208x256xf32, #tpu.memory_space<vmem>>, vector<16xf32>,
        %parallel_loop3A_301 = arith.mulf %parallel_loop3A_103, %parallel_loop3A_300 : vector<16xf32>
        %parallel_loop3A_302 = arith.constant 3 : i32
        %parallel_loop3A_303 = arith.addi %parallel_loop3A_93, %parallel_loop3A_302 : i32
        %parallel_loop3A_304 = arith.index_cast %parallel_loop3A_303 : i32 to index
        %parallel_loop3A_305 = arith.constant 96 : index
        %parallel_loop3A_306 = tpu.vector_load %arg11[%parallel_loop3A_304, %parallel_loop3A_305] {strides = array<i32>} : memref<208x256xf32, #tpu.memory_space<vmem>>, vector<16xf32>,
        %parallel_loop3A_307 = arith.mulf %parallel_loop3A_107, %parallel_loop3A_306 : vector<16xf32>
        %parallel_loop3A_308 = arith.addf %parallel_loop3A_301, %parallel_loop3A_307 : vector<16xf32>
        %parallel_loop3A_309 = arith.addf %parallel_loop3A_295, %parallel_loop3A_308 : vector<16xf32>
        %parallel_loop3A_310 = arith.constant 96 : i32
        %parallel_loop3A_311 = arith.addi %parallel_loop3A_110, %parallel_loop3A_310 : i32
        %parallel_loop3A_312 = arith.index_cast %parallel_loop3A_311 : i32 to index
        %parallel_loop3A_313 = tpu.vector_load %arg12[%parallel_loop3A_312] {strides = array<i32>} : memref<12544xf32, #tpu.memory_space<vmem>>, vector<16xf32>,
        tpu.vector_store %arg12[%parallel_loop3A_312], %parallel_loop3A_309 {strides = array<i32>} : memref<12544xf32, #tpu.memory_space<vmem>>, vector<16xf32>,
        %parallel_loop3A_314 = arith.index_cast %parallel_loop3A_93 : i32 to index
        %parallel_loop3A_315 = arith.constant 112 : index
        %parallel_loop3A_316 = tpu.vector_load %arg11[%parallel_loop3A_314, %parallel_loop3A_315] {strides = array<i32>} : memref<208x256xf32, #tpu.memory_space<vmem>>, vector<16xf32>,
        %parallel_loop3A_317 = arith.mulf %parallel_loop3A_95, %parallel_loop3A_316 : vector<16xf32>
        %parallel_loop3A_318 = arith.constant 1 : i32
        %parallel_loop3A_319 = arith.addi %parallel_loop3A_93, %parallel_loop3A_318 : i32
        %parallel_loop3A_320 = arith.index_cast %parallel_loop3A_319 : i32 to index
        %parallel_loop3A_321 = arith.constant 112 : index
        %parallel_loop3A_322 = tpu.vector_load %arg11[%parallel_loop3A_320, %parallel_loop3A_321] {strides = array<i32>} : memref<208x256xf32, #tpu.memory_space<vmem>>, vector<16xf32>,
        %parallel_loop3A_323 = arith.mulf %parallel_loop3A_99, %parallel_loop3A_322 : vector<16xf32>
        %parallel_loop3A_324 = arith.addf %parallel_loop3A_317, %parallel_loop3A_323 : vector<16xf32>
        %parallel_loop3A_325 = arith.constant 2 : i32
        %parallel_loop3A_326 = arith.addi %parallel_loop3A_93, %parallel_loop3A_325 : i32
        %parallel_loop3A_327 = arith.index_cast %parallel_loop3A_326 : i32 to index
        %parallel_loop3A_328 = arith.constant 112 : index
        %parallel_loop3A_329 = tpu.vector_load %arg11[%parallel_loop3A_327, %parallel_loop3A_328] {strides = array<i32>} : memref<208x256xf32, #tpu.memory_space<vmem>>, vector<16xf32>,
        %parallel_loop3A_330 = arith.mulf %parallel_loop3A_103, %parallel_loop3A_329 : vector<16xf32>
        %parallel_loop3A_331 = arith.constant 3 : i32
        %parallel_loop3A_332 = arith.addi %parallel_loop3A_93, %parallel_loop3A_331 : i32
        %parallel_loop3A_333 = arith.index_cast %parallel_loop3A_332 : i32 to index
        %parallel_loop3A_334 = arith.constant 112 : index
        %parallel_loop3A_335 = tpu.vector_load %arg11[%parallel_loop3A_333, %parallel_loop3A_334] {strides = array<i32>} : memref<208x256xf32, #tpu.memory_space<vmem>>, vector<16xf32>,
        %parallel_loop3A_336 = arith.mulf %parallel_loop3A_107, %parallel_loop3A_335 : vector<16xf32>
        %parallel_loop3A_337 = arith.addf %parallel_loop3A_330, %parallel_loop3A_336 : vector<16xf32>
        %parallel_loop3A_338 = arith.addf %parallel_loop3A_324, %parallel_loop3A_337 : vector<16xf32>
        %parallel_loop3A_339 = arith.constant 112 : i32
        %parallel_loop3A_340 = arith.addi %parallel_loop3A_110, %parallel_loop3A_339 : i32
        %parallel_loop3A_341 = arith.index_cast %parallel_loop3A_340 : i32 to index
        %parallel_loop3A_342 = tpu.vector_load %arg12[%parallel_loop3A_341] {strides = array<i32>} : memref<12544xf32, #tpu.memory_space<vmem>>, vector<16xf32>,
        tpu.vector_store %arg12[%parallel_loop3A_341], %parallel_loop3A_338 {strides = array<i32>} : memref<12544xf32, #tpu.memory_space<vmem>>, vector<16xf32>,
        %parallel_loop3A_343 = arith.index_cast %parallel_loop3A_93 : i32 to index
        %parallel_loop3A_344 = arith.constant 128 : index
        %parallel_loop3A_345 = tpu.vector_load %arg11[%parallel_loop3A_343, %parallel_loop3A_344] {strides = array<i32>} : memref<208x256xf32, #tpu.memory_space<vmem>>, vector<16xf32>,
        %parallel_loop3A_346 = arith.mulf %parallel_loop3A_95, %parallel_loop3A_345 : vector<16xf32>
        %parallel_loop3A_347 = arith.constant 1 : i32
        %parallel_loop3A_348 = arith.addi %parallel_loop3A_93, %parallel_loop3A_347 : i32
        %parallel_loop3A_349 = arith.index_cast %parallel_loop3A_348 : i32 to index
        %parallel_loop3A_350 = arith.constant 128 : index
        %parallel_loop3A_351 = tpu.vector_load %arg11[%parallel_loop3A_349, %parallel_loop3A_350] {strides = array<i32>} : memref<208x256xf32, #tpu.memory_space<vmem>>, vector<16xf32>,
        %parallel_loop3A_352 = arith.mulf %parallel_loop3A_99, %parallel_loop3A_351 : vector<16xf32>
        %parallel_loop3A_353 = arith.addf %parallel_loop3A_346, %parallel_loop3A_352 : vector<16xf32>
        %parallel_loop3A_354 = arith.constant 2 : i32
        %parallel_loop3A_355 = arith.addi %parallel_loop3A_93, %parallel_loop3A_354 : i32
        %parallel_loop3A_356 = arith.index_cast %parallel_loop3A_355 : i32 to index
        %parallel_loop3A_357 = arith.constant 128 : index
        %parallel_loop3A_358 = tpu.vector_load %arg11[%parallel_loop3A_356, %parallel_loop3A_357] {strides = array<i32>} : memref<208x256xf32, #tpu.memory_space<vmem>>, vector<16xf32>,
        %parallel_loop3A_359 = arith.mulf %parallel_loop3A_103, %parallel_loop3A_358 : vector<16xf32>
        %parallel_loop3A_360 = arith.constant 3 : i32
        %parallel_loop3A_361 = arith.addi %parallel_loop3A_93, %parallel_loop3A_360 : i32
        %parallel_loop3A_362 = arith.index_cast %parallel_loop3A_361 : i32 to index
        %parallel_loop3A_363 = arith.constant 128 : index
        %parallel_loop3A_364 = tpu.vector_load %arg11[%parallel_loop3A_362, %parallel_loop3A_363] {strides = array<i32>} : memref<208x256xf32, #tpu.memory_space<vmem>>, vector<16xf32>,
        %parallel_loop3A_365 = arith.mulf %parallel_loop3A_107, %parallel_loop3A_364 : vector<16xf32>
        %parallel_loop3A_366 = arith.addf %parallel_loop3A_359, %parallel_loop3A_365 : vector<16xf32>
        %parallel_loop3A_367 = arith.addf %parallel_loop3A_353, %parallel_loop3A_366 : vector<16xf32>
        %parallel_loop3A_368 = arith.constant 128 : i32
        %parallel_loop3A_369 = arith.addi %parallel_loop3A_110, %parallel_loop3A_368 : i32
        %parallel_loop3A_370 = arith.index_cast %parallel_loop3A_369 : i32 to index
        %parallel_loop3A_371 = tpu.vector_load %arg12[%parallel_loop3A_370] {strides = array<i32>} : memref<12544xf32, #tpu.memory_space<vmem>>, vector<16xf32>,
        tpu.vector_store %arg12[%parallel_loop3A_370], %parallel_loop3A_367 {strides = array<i32>} : memref<12544xf32, #tpu.memory_space<vmem>>, vector<16xf32>,
        %parallel_loop3A_372 = arith.index_cast %parallel_loop3A_93 : i32 to index
        %parallel_loop3A_373 = arith.constant 144 : index
        %parallel_loop3A_374 = tpu.vector_load %arg11[%parallel_loop3A_372, %parallel_loop3A_373] {strides = array<i32>} : memref<208x256xf32, #tpu.memory_space<vmem>>, vector<16xf32>,
        %parallel_loop3A_375 = arith.mulf %parallel_loop3A_95, %parallel_loop3A_374 : vector<16xf32>
        %parallel_loop3A_376 = arith.constant 1 : i32
        %parallel_loop3A_377 = arith.addi %parallel_loop3A_93, %parallel_loop3A_376 : i32
        %parallel_loop3A_378 = arith.index_cast %parallel_loop3A_377 : i32 to index
        %parallel_loop3A_379 = arith.constant 144 : index
        %parallel_loop3A_380 = tpu.vector_load %arg11[%parallel_loop3A_378, %parallel_loop3A_379] {strides = array<i32>} : memref<208x256xf32, #tpu.memory_space<vmem>>, vector<16xf32>,
        %parallel_loop3A_381 = arith.mulf %parallel_loop3A_99, %parallel_loop3A_380 : vector<16xf32>
        %parallel_loop3A_382 = arith.addf %parallel_loop3A_375, %parallel_loop3A_381 : vector<16xf32>
        %parallel_loop3A_383 = arith.constant 2 : i32
        %parallel_loop3A_384 = arith.addi %parallel_loop3A_93, %parallel_loop3A_383 : i32
        %parallel_loop3A_385 = arith.index_cast %parallel_loop3A_384 : i32 to index
        %parallel_loop3A_386 = arith.constant 144 : index
        %parallel_loop3A_387 = tpu.vector_load %arg11[%parallel_loop3A_385, %parallel_loop3A_386] {strides = array<i32>} : memref<208x256xf32, #tpu.memory_space<vmem>>, vector<16xf32>,
        %parallel_loop3A_388 = arith.mulf %parallel_loop3A_103, %parallel_loop3A_387 : vector<16xf32>
        %parallel_loop3A_389 = arith.constant 3 : i32
        %parallel_loop3A_390 = arith.addi %parallel_loop3A_93, %parallel_loop3A_389 : i32
        %parallel_loop3A_391 = arith.index_cast %parallel_loop3A_390 : i32 to index
        %parallel_loop3A_392 = arith.constant 144 : index
        %parallel_loop3A_393 = tpu.vector_load %arg11[%parallel_loop3A_391, %parallel_loop3A_392] {strides = array<i32>} : memref<208x256xf32, #tpu.memory_space<vmem>>, vector<16xf32>,
        %parallel_loop3A_394 = arith.mulf %parallel_loop3A_107, %parallel_loop3A_393 : vector<16xf32>
        %parallel_loop3A_395 = arith.addf %parallel_loop3A_388, %parallel_loop3A_394 : vector<16xf32>
        %parallel_loop3A_396 = arith.addf %parallel_loop3A_382, %parallel_loop3A_395 : vector<16xf32>
        %parallel_loop3A_397 = arith.constant 144 : i32
        %parallel_loop3A_398 = arith.addi %parallel_loop3A_110, %parallel_loop3A_397 : i32
        %parallel_loop3A_399 = arith.index_cast %parallel_loop3A_398 : i32 to index
        %parallel_loop3A_400 = tpu.vector_load %arg12[%parallel_loop3A_399] {strides = array<i32>} : memref<12544xf32, #tpu.memory_space<vmem>>, vector<16xf32>,
        tpu.vector_store %arg12[%parallel_loop3A_399], %parallel_loop3A_396 {strides = array<i32>} : memref<12544xf32, #tpu.memory_space<vmem>>, vector<16xf32>,
        %parallel_loop3A_401 = arith.index_cast %parallel_loop3A_93 : i32 to index
        %parallel_loop3A_402 = arith.constant 160 : index
        %parallel_loop3A_403 = tpu.vector_load %arg11[%parallel_loop3A_401, %parallel_loop3A_402] {strides = array<i32>} : memref<208x256xf32, #tpu.memory_space<vmem>>, vector<16xf32>,
        %parallel_loop3A_404 = arith.mulf %parallel_loop3A_95, %parallel_loop3A_403 : vector<16xf32>
        %parallel_loop3A_405 = arith.constant 1 : i32
        %parallel_loop3A_406 = arith.addi %parallel_loop3A_93, %parallel_loop3A_405 : i32
        %parallel_loop3A_407 = arith.index_cast %parallel_loop3A_406 : i32 to index
        %parallel_loop3A_408 = arith.constant 160 : index
        %parallel_loop3A_409 = tpu.vector_load %arg11[%parallel_loop3A_407, %parallel_loop3A_408] {strides = array<i32>} : memref<208x256xf32, #tpu.memory_space<vmem>>, vector<16xf32>,
        %parallel_loop3A_410 = arith.mulf %parallel_loop3A_99, %parallel_loop3A_409 : vector<16xf32>
        %parallel_loop3A_411 = arith.addf %parallel_loop3A_404, %parallel_loop3A_410 : vector<16xf32>
        %parallel_loop3A_412 = arith.constant 2 : i32
        %parallel_loop3A_413 = arith.addi %parallel_loop3A_93, %parallel_loop3A_412 : i32
        %parallel_loop3A_414 = arith.index_cast %parallel_loop3A_413 : i32 to index
        %parallel_loop3A_415 = arith.constant 160 : index
        %parallel_loop3A_416 = tpu.vector_load %arg11[%parallel_loop3A_414, %parallel_loop3A_415] {strides = array<i32>} : memref<208x256xf32, #tpu.memory_space<vmem>>, vector<16xf32>,
        %parallel_loop3A_417 = arith.mulf %parallel_loop3A_103, %parallel_loop3A_416 : vector<16xf32>
        %parallel_loop3A_418 = arith.constant 3 : i32
        %parallel_loop3A_419 = arith.addi %parallel_loop3A_93, %parallel_loop3A_418 : i32
        %parallel_loop3A_420 = arith.index_cast %parallel_loop3A_419 : i32 to index
        %parallel_loop3A_421 = arith.constant 160 : index
        %parallel_loop3A_422 = tpu.vector_load %arg11[%parallel_loop3A_420, %parallel_loop3A_421] {strides = array<i32>} : memref<208x256xf32, #tpu.memory_space<vmem>>, vector<16xf32>,
        %parallel_loop3A_423 = arith.mulf %parallel_loop3A_107, %parallel_loop3A_422 : vector<16xf32>
        %parallel_loop3A_424 = arith.addf %parallel_loop3A_417, %parallel_loop3A_423 : vector<16xf32>
        %parallel_loop3A_425 = arith.addf %parallel_loop3A_411, %parallel_loop3A_424 : vector<16xf32>
        %parallel_loop3A_426 = arith.constant 160 : i32
        %parallel_loop3A_427 = arith.addi %parallel_loop3A_110, %parallel_loop3A_426 : i32
        %parallel_loop3A_428 = arith.index_cast %parallel_loop3A_427 : i32 to index
        %parallel_loop3A_429 = tpu.vector_load %arg12[%parallel_loop3A_428] {strides = array<i32>} : memref<12544xf32, #tpu.memory_space<vmem>>, vector<16xf32>,
        tpu.vector_store %arg12[%parallel_loop3A_428], %parallel_loop3A_425 {strides = array<i32>} : memref<12544xf32, #tpu.memory_space<vmem>>, vector<16xf32>,
        %parallel_loop3A_430 = arith.index_cast %parallel_loop3A_93 : i32 to index
        %parallel_loop3A_431 = arith.constant 176 : index
        %parallel_loop3A_432 = tpu.vector_load %arg11[%parallel_loop3A_430, %parallel_loop3A_431] {strides = array<i32>} : memref<208x256xf32, #tpu.memory_space<vmem>>, vector<16xf32>,
        %parallel_loop3A_433 = arith.mulf %parallel_loop3A_95, %parallel_loop3A_432 : vector<16xf32>
        %parallel_loop3A_434 = arith.constant 1 : i32
        %parallel_loop3A_435 = arith.addi %parallel_loop3A_93, %parallel_loop3A_434 : i32
        %parallel_loop3A_436 = arith.index_cast %parallel_loop3A_435 : i32 to index
        %parallel_loop3A_437 = arith.constant 176 : index
        %parallel_loop3A_438 = tpu.vector_load %arg11[%parallel_loop3A_436, %parallel_loop3A_437] {strides = array<i32>} : memref<208x256xf32, #tpu.memory_space<vmem>>, vector<16xf32>,
        %parallel_loop3A_439 = arith.mulf %parallel_loop3A_99, %parallel_loop3A_438 : vector<16xf32>
        %parallel_loop3A_440 = arith.addf %parallel_loop3A_433, %parallel_loop3A_439 : vector<16xf32>
        %parallel_loop3A_441 = arith.constant 2 : i32
        %parallel_loop3A_442 = arith.addi %parallel_loop3A_93, %parallel_loop3A_441 : i32
        %parallel_loop3A_443 = arith.index_cast %parallel_loop3A_442 : i32 to index
        %parallel_loop3A_444 = arith.constant 176 : index
        %parallel_loop3A_445 = tpu.vector_load %arg11[%parallel_loop3A_443, %parallel_loop3A_444] {strides = array<i32>} : memref<208x256xf32, #tpu.memory_space<vmem>>, vector<16xf32>,
        %parallel_loop3A_446 = arith.mulf %parallel_loop3A_103, %parallel_loop3A_445 : vector<16xf32>
        %parallel_loop3A_447 = arith.constant 3 : i32
        %parallel_loop3A_448 = arith.addi %parallel_loop3A_93, %parallel_loop3A_447 : i32
        %parallel_loop3A_449 = arith.index_cast %parallel_loop3A_448 : i32 to index
        %parallel_loop3A_450 = arith.constant 176 : index
        %parallel_loop3A_451 = tpu.vector_load %arg11[%parallel_loop3A_449, %parallel_loop3A_450] {strides = array<i32>} : memref<208x256xf32, #tpu.memory_space<vmem>>, vector<16xf32>,
        %parallel_loop3A_452 = arith.mulf %parallel_loop3A_107, %parallel_loop3A_451 : vector<16xf32>
        %parallel_loop3A_453 = arith.addf %parallel_loop3A_446, %parallel_loop3A_452 : vector<16xf32>
        %parallel_loop3A_454 = arith.addf %parallel_loop3A_440, %parallel_loop3A_453 : vector<16xf32>
        %parallel_loop3A_455 = arith.constant 176 : i32
        %parallel_loop3A_456 = arith.addi %parallel_loop3A_110, %parallel_loop3A_455 : i32
        %parallel_loop3A_457 = arith.index_cast %parallel_loop3A_456 : i32 to index
        %parallel_loop3A_458 = tpu.vector_load %arg12[%parallel_loop3A_457] {strides = array<i32>} : memref<12544xf32, #tpu.memory_space<vmem>>, vector<16xf32>,
        tpu.vector_store %arg12[%parallel_loop3A_457], %parallel_loop3A_454 {strides = array<i32>} : memref<12544xf32, #tpu.memory_space<vmem>>, vector<16xf32>,
        %parallel_loop3A_459 = arith.index_cast %parallel_loop3A_93 : i32 to index
        %parallel_loop3A_460 = arith.constant 192 : index
        %parallel_loop3A_461 = tpu.vector_load %arg11[%parallel_loop3A_459, %parallel_loop3A_460] {strides = array<i32>} : memref<208x256xf32, #tpu.memory_space<vmem>>, vector<16xf32>,
        %parallel_loop3A_462 = arith.mulf %parallel_loop3A_95, %parallel_loop3A_461 : vector<16xf32>
        %parallel_loop3A_463 = arith.constant 1 : i32
        %parallel_loop3A_464 = arith.addi %parallel_loop3A_93, %parallel_loop3A_463 : i32
        %parallel_loop3A_465 = arith.index_cast %parallel_loop3A_464 : i32 to index
        %parallel_loop3A_466 = arith.constant 192 : index
        %parallel_loop3A_467 = tpu.vector_load %arg11[%parallel_loop3A_465, %parallel_loop3A_466] {strides = array<i32>} : memref<208x256xf32, #tpu.memory_space<vmem>>, vector<16xf32>,
        %parallel_loop3A_468 = arith.mulf %parallel_loop3A_99, %parallel_loop3A_467 : vector<16xf32>
        %parallel_loop3A_469 = arith.addf %parallel_loop3A_462, %parallel_loop3A_468 : vector<16xf32>
        %parallel_loop3A_470 = arith.constant 2 : i32
        %parallel_loop3A_471 = arith.addi %parallel_loop3A_93, %parallel_loop3A_470 : i32
        %parallel_loop3A_472 = arith.index_cast %parallel_loop3A_471 : i32 to index
        %parallel_loop3A_473 = arith.constant 192 : index
        %parallel_loop3A_474 = tpu.vector_load %arg11[%parallel_loop3A_472, %parallel_loop3A_473] {strides = array<i32>} : memref<208x256xf32, #tpu.memory_space<vmem>>, vector<16xf32>,
        %parallel_loop3A_475 = arith.mulf %parallel_loop3A_103, %parallel_loop3A_474 : vector<16xf32>
        %parallel_loop3A_476 = arith.constant 3 : i32
        %parallel_loop3A_477 = arith.addi %parallel_loop3A_93, %parallel_loop3A_476 : i32
        %parallel_loop3A_478 = arith.index_cast %parallel_loop3A_477 : i32 to index
        %parallel_loop3A_479 = arith.constant 192 : index
        %parallel_loop3A_480 = tpu.vector_load %arg11[%parallel_loop3A_478, %parallel_loop3A_479] {strides = array<i32>} : memref<208x256xf32, #tpu.memory_space<vmem>>, vector<16xf32>,
        %parallel_loop3A_481 = arith.mulf %parallel_loop3A_107, %parallel_loop3A_480 : vector<16xf32>
        %parallel_loop3A_482 = arith.addf %parallel_loop3A_475, %parallel_loop3A_481 : vector<16xf32>
        %parallel_loop3A_483 = arith.addf %parallel_loop3A_469, %parallel_loop3A_482 : vector<16xf32>
        %parallel_loop3A_484 = arith.constant 192 : i32
        %parallel_loop3A_485 = arith.addi %parallel_loop3A_110, %parallel_loop3A_484 : i32
        %parallel_loop3A_486 = arith.index_cast %parallel_loop3A_485 : i32 to index
        %parallel_loop3A_487 = tpu.vector_load %arg12[%parallel_loop3A_486] {strides = array<i32>} : memref<12544xf32, #tpu.memory_space<vmem>>, vector<16xf32>,
        tpu.vector_store %arg12[%parallel_loop3A_486], %parallel_loop3A_483 {strides = array<i32>} : memref<12544xf32, #tpu.memory_space<vmem>>, vector<16xf32>,
        %parallel_loop3A_488 = arith.index_cast %parallel_loop3A_93 : i32 to index
        %parallel_loop3A_489 = arith.constant 208 : index
        %parallel_loop3A_490 = tpu.vector_load %arg11[%parallel_loop3A_488, %parallel_loop3A_489] {strides = array<i32>} : memref<208x256xf32, #tpu.memory_space<vmem>>, vector<16xf32>,
        %parallel_loop3A_491 = arith.mulf %parallel_loop3A_95, %parallel_loop3A_490 : vector<16xf32>
        %parallel_loop3A_492 = arith.constant 1 : i32
        %parallel_loop3A_493 = arith.addi %parallel_loop3A_93, %parallel_loop3A_492 : i32
        %parallel_loop3A_494 = arith.index_cast %parallel_loop3A_493 : i32 to index
        %parallel_loop3A_495 = arith.constant 208 : index
        %parallel_loop3A_496 = tpu.vector_load %arg11[%parallel_loop3A_494, %parallel_loop3A_495] {strides = array<i32>} : memref<208x256xf32, #tpu.memory_space<vmem>>, vector<16xf32>,
        %parallel_loop3A_497 = arith.mulf %parallel_loop3A_99, %parallel_loop3A_496 : vector<16xf32>
        %parallel_loop3A_498 = arith.addf %parallel_loop3A_491, %parallel_loop3A_497 : vector<16xf32>
        %parallel_loop3A_499 = arith.constant 2 : i32
        %parallel_loop3A_500 = arith.addi %parallel_loop3A_93, %parallel_loop3A_499 : i32
        %parallel_loop3A_501 = arith.index_cast %parallel_loop3A_500 : i32 to index
        %parallel_loop3A_502 = arith.constant 208 : index
        %parallel_loop3A_503 = tpu.vector_load %arg11[%parallel_loop3A_501, %parallel_loop3A_502] {strides = array<i32>} : memref<208x256xf32, #tpu.memory_space<vmem>>, vector<16xf32>,
        %parallel_loop3A_504 = arith.mulf %parallel_loop3A_103, %parallel_loop3A_503 : vector<16xf32>
        %parallel_loop3A_505 = arith.constant 3 : i32
        %parallel_loop3A_506 = arith.addi %parallel_loop3A_93, %parallel_loop3A_505 : i32
        %parallel_loop3A_507 = arith.index_cast %parallel_loop3A_506 : i32 to index
        %parallel_loop3A_508 = arith.constant 208 : index
        %parallel_loop3A_509 = tpu.vector_load %arg11[%parallel_loop3A_507, %parallel_loop3A_508] {strides = array<i32>} : memref<208x256xf32, #tpu.memory_space<vmem>>, vector<16xf32>,
        %parallel_loop3A_510 = arith.mulf %parallel_loop3A_107, %parallel_loop3A_509 : vector<16xf32>
        %parallel_loop3A_511 = arith.addf %parallel_loop3A_504, %parallel_loop3A_510 : vector<16xf32>
        %parallel_loop3A_512 = arith.addf %parallel_loop3A_498, %parallel_loop3A_511 : vector<16xf32>
        %parallel_loop3A_513 = arith.constant 208 : i32
        %parallel_loop3A_514 = arith.addi %parallel_loop3A_110, %parallel_loop3A_513 : i32
        %parallel_loop3A_515 = arith.index_cast %parallel_loop3A_514 : i32 to index
        %parallel_loop3A_516 = tpu.vector_load %arg12[%parallel_loop3A_515] {strides = array<i32>} : memref<12544xf32, #tpu.memory_space<vmem>>, vector<16xf32>,
        tpu.vector_store %arg12[%parallel_loop3A_515], %parallel_loop3A_512 {strides = array<i32>} : memref<12544xf32, #tpu.memory_space<vmem>>, vector<16xf32>,
        %parallel_loop3A_517 = arith.index_cast %parallel_loop3A_93 : i32 to index
        %parallel_loop3A_518 = arith.constant 224 : index
        %parallel_loop3A_519 = tpu.vector_load %arg11[%parallel_loop3A_517, %parallel_loop3A_518] {strides = array<i32>} : memref<208x256xf32, #tpu.memory_space<vmem>>, vector<16xf32>,
        %parallel_loop3A_520 = arith.mulf %parallel_loop3A_95, %parallel_loop3A_519 : vector<16xf32>
        %parallel_loop3A_521 = arith.constant 1 : i32
        %parallel_loop3A_522 = arith.addi %parallel_loop3A_93, %parallel_loop3A_521 : i32
        %parallel_loop3A_523 = arith.index_cast %parallel_loop3A_522 : i32 to index
        %parallel_loop3A_524 = arith.constant 224 : index
        %parallel_loop3A_525 = tpu.vector_load %arg11[%parallel_loop3A_523, %parallel_loop3A_524] {strides = array<i32>} : memref<208x256xf32, #tpu.memory_space<vmem>>, vector<16xf32>,
        %parallel_loop3A_526 = arith.mulf %parallel_loop3A_99, %parallel_loop3A_525 : vector<16xf32>
        %parallel_loop3A_527 = arith.addf %parallel_loop3A_520, %parallel_loop3A_526 : vector<16xf32>
        %parallel_loop3A_528 = arith.constant 2 : i32
        %parallel_loop3A_529 = arith.addi %parallel_loop3A_93, %parallel_loop3A_528 : i32
        %parallel_loop3A_530 = arith.index_cast %parallel_loop3A_529 : i32 to index
        %parallel_loop3A_531 = arith.constant 224 : index
        %parallel_loop3A_532 = tpu.vector_load %arg11[%parallel_loop3A_530, %parallel_loop3A_531] {strides = array<i32>} : memref<208x256xf32, #tpu.memory_space<vmem>>, vector<16xf32>,
        %parallel_loop3A_533 = arith.mulf %parallel_loop3A_103, %parallel_loop3A_532 : vector<16xf32>
        %parallel_loop3A_534 = arith.constant 3 : i32
        %parallel_loop3A_535 = arith.addi %parallel_loop3A_93, %parallel_loop3A_534 : i32
        %parallel_loop3A_536 = arith.index_cast %parallel_loop3A_535 : i32 to index
        %parallel_loop3A_537 = arith.constant 224 : index
        %parallel_loop3A_538 = tpu.vector_load %arg11[%parallel_loop3A_536, %parallel_loop3A_537] {strides = array<i32>} : memref<208x256xf32, #tpu.memory_space<vmem>>, vector<16xf32>,
        %parallel_loop3A_539 = arith.mulf %parallel_loop3A_107, %parallel_loop3A_538 : vector<16xf32>
        %parallel_loop3A_540 = arith.addf %parallel_loop3A_533, %parallel_loop3A_539 : vector<16xf32>
        %parallel_loop3A_541 = arith.addf %parallel_loop3A_527, %parallel_loop3A_540 : vector<16xf32>
        %parallel_loop3A_542 = arith.constant 224 : i32
        %parallel_loop3A_543 = arith.addi %parallel_loop3A_110, %parallel_loop3A_542 : i32
        %parallel_loop3A_544 = arith.index_cast %parallel_loop3A_543 : i32 to index
        %parallel_loop3A_545 = tpu.vector_load %arg12[%parallel_loop3A_544] {strides = array<i32>} : memref<12544xf32, #tpu.memory_space<vmem>>, vector<16xf32>,
        tpu.vector_store %arg12[%parallel_loop3A_544], %parallel_loop3A_541 {strides = array<i32>} : memref<12544xf32, #tpu.memory_space<vmem>>, vector<16xf32>,
        %parallel_loop3A_546 = arith.index_cast %parallel_loop3A_93 : i32 to index
        %parallel_loop3A_547 = arith.constant 240 : index
        %parallel_loop3A_548 = tpu.vector_load %arg11[%parallel_loop3A_546, %parallel_loop3A_547] {strides = array<i32>} : memref<208x256xf32, #tpu.memory_space<vmem>>, vector<16xf32>,
        %parallel_loop3A_549 = arith.mulf %parallel_loop3A_95, %parallel_loop3A_548 : vector<16xf32>
        %parallel_loop3A_550 = arith.constant 1 : i32
        %parallel_loop3A_551 = arith.addi %parallel_loop3A_93, %parallel_loop3A_550 : i32
        %parallel_loop3A_552 = arith.index_cast %parallel_loop3A_551 : i32 to index
        %parallel_loop3A_553 = arith.constant 240 : index
        %parallel_loop3A_554 = tpu.vector_load %arg11[%parallel_loop3A_552, %parallel_loop3A_553] {strides = array<i32>} : memref<208x256xf32, #tpu.memory_space<vmem>>, vector<16xf32>,
        %parallel_loop3A_555 = arith.mulf %parallel_loop3A_99, %parallel_loop3A_554 : vector<16xf32>
        %parallel_loop3A_556 = arith.addf %parallel_loop3A_549, %parallel_loop3A_555 : vector<16xf32>
        %parallel_loop3A_557 = arith.constant 2 : i32
        %parallel_loop3A_558 = arith.addi %parallel_loop3A_93, %parallel_loop3A_557 : i32
        %parallel_loop3A_559 = arith.index_cast %parallel_loop3A_558 : i32 to index
        %parallel_loop3A_560 = arith.constant 240 : index
        %parallel_loop3A_561 = tpu.vector_load %arg11[%parallel_loop3A_559, %parallel_loop3A_560] {strides = array<i32>} : memref<208x256xf32, #tpu.memory_space<vmem>>, vector<16xf32>,
        %parallel_loop3A_562 = arith.mulf %parallel_loop3A_103, %parallel_loop3A_561 : vector<16xf32>
        %parallel_loop3A_563 = arith.constant 3 : i32
        %parallel_loop3A_564 = arith.addi %parallel_loop3A_93, %parallel_loop3A_563 : i32
        %parallel_loop3A_565 = arith.index_cast %parallel_loop3A_564 : i32 to index
        %parallel_loop3A_566 = arith.constant 240 : index
        %parallel_loop3A_567 = tpu.vector_load %arg11[%parallel_loop3A_565, %parallel_loop3A_566] {strides = array<i32>} : memref<208x256xf32, #tpu.memory_space<vmem>>, vector<16xf32>,
        %parallel_loop3A_568 = arith.mulf %parallel_loop3A_107, %parallel_loop3A_567 : vector<16xf32>
        %parallel_loop3A_569 = arith.addf %parallel_loop3A_562, %parallel_loop3A_568 : vector<16xf32>
        %parallel_loop3A_570 = arith.addf %parallel_loop3A_556, %parallel_loop3A_569 : vector<16xf32>
        %parallel_loop3A_571 = arith.constant 240 : i32
        %parallel_loop3A_572 = arith.addi %parallel_loop3A_110, %parallel_loop3A_571 : i32
        %parallel_loop3A_573 = arith.index_cast %parallel_loop3A_572 : i32 to index
        %parallel_loop3A_574 = tpu.vector_load %arg12[%parallel_loop3A_573] {strides = array<i32>} : memref<12544xf32, #tpu.memory_space<vmem>>, vector<16xf32>,
        tpu.vector_store %arg12[%parallel_loop3A_573], %parallel_loop3A_570 {strides = array<i32>} : memref<12544xf32, #tpu.memory_space<vmem>>, vector<16xf32>,
      } {sc.loop_unroll_factor = 4 : i64, sc.parallel_access}
      %mul3A_88 = arith.constant 12544 : i32
      %mul3A_89 = arith.muli %add3A_60, %mul3A_88 : i32
      %multiple_of3A_90 = tpu.assume_multiple %mul3A_89, 16 : i32
      "tpu.region"() ({
        %run_scoped3A = tpu.sem_alloc : memref<!tpu.dma_semaphore, #tpu.memory_space<semaphore_mem>>
        %dma_start3A_91 = tpu.memref_slice %arg5[%multiple_of3A_90] : memref<12845056xf32, #tpu.memory_space<hbm>> -> memref<12544xf32, #tpu.memory_space<hbm>>
        %dma_start3A_92 = tpu.memref_slice %arg5[%multiple_of3A_90] : memref<12845056xf32, #tpu.memory_space<hbm>> -> memref<12544xf32, #tpu.memory_space<hbm>>
        tpu.enqueue_dma source(%arg12 : memref<12544xf32, #tpu.memory_space<vmem>>) target(%dma_start3A_92 : memref<12544xf32, #tpu.memory_space<hbm>>) target_semaphore(%run_scoped3A : memref<!tpu.dma_semaphore, #tpu.memory_space<semaphore_mem>>)
        %dma_wait3A_93 = tpu.memref_slice %arg5[%multiple_of3A_90] : memref<12845056xf32, #tpu.memory_space<hbm>> -> memref<12544xf32, #tpu.memory_space<hbm>>
        %dma_wait3A_94 = tpu.memref_slice %arg5[%multiple_of3A_90] : memref<12845056xf32, #tpu.memory_space<hbm>> -> memref<12544xf32, #tpu.memory_space<hbm>>
        tpu.wait_dma2 semaphore(%run_scoped3A : memref<!tpu.dma_semaphore, #tpu.memory_space<semaphore_mem>>) src(%arg12 : memref<12544xf32, #tpu.memory_space<vmem>>) dst(%dma_wait3A_94 : memref<12544xf32, #tpu.memory_space<hbm>>)
        tpu.yield
      }) : () -> ()
    }
    %scan3A_24 = arith.constant 16 : i32
    return
  }
}

module attributes {stable_mosaic.version = 14 : i64} {
  func.func @_tc_index_body(%arg0: memref<1024x1xf32, #tpu.memory_space<vmem>>, %arg1: memref<1024x1xf32, #tpu.memory_space<vmem>>, %arg2: memref<1024x1xf32, #tpu.memory_space<vmem>>, %arg3: memref<1024x1xf32, #tpu.memory_space<vmem>>, %arg4: memref<1024x1xf32, #tpu.memory_space<vmem>>, %arg5: memref<2x11xf32, #tpu.memory_space<smem>>, %arg6: memref<1024x256xi32, #tpu.memory_space<vmem>>, %arg7: memref<1024x256xf32, #tpu.memory_space<vmem>>) attributes {dimension_semantics = [], scalar_prefetch = 0 : i64, scratch_operands = 0 : i64, tpu.core_type = #tpu.core_type<tc>} {
    %iota3A = tpu.iota {dimensions = array<i32: 1>} : vector<1x256xi32>
    %shift_right_arithmetic3A = arith.constant 2 : i32
    %shift_right_arithmetic3A_0 = vector.broadcast %shift_right_arithmetic3A : i32 to vector<1x256xi32>
    %shift_right_arithmetic3A_1 = arith.shrsi %iota3A, %shift_right_arithmetic3A_0 : vector<1x256xi32>
    %shift_right_arithmetic3A_2 = arith.constant 1 : i32
    %shift_right_arithmetic3A_3 = vector.broadcast %shift_right_arithmetic3A_2 : i32 to vector<1x256xi32>
    %shift_right_arithmetic3A_4 = arith.shrsi %iota3A, %shift_right_arithmetic3A_3 : vector<1x256xi32>
    %and3A = arith.constant 1 : i32
    %and3A_5 = vector.broadcast %and3A : i32 to vector<1x256xi32>
    %and3A_6 = arith.andi %shift_right_arithmetic3A_4, %and3A_5 : vector<1x256xi32>
    %convert_element_type3A = arith.sitofp %and3A_6 : vector<1x256xi32> to vector<1x256xf32>
    %and3A_7 = arith.constant 1 : i32
    %and3A_8 = vector.broadcast %and3A_7 : i32 to vector<1x256xi32>
    %and3A_9 = arith.andi %iota3A, %and3A_8 : vector<1x256xi32>
    %convert_element_type3A_10 = arith.sitofp %and3A_9 : vector<1x256xi32> to vector<1x256xf32>
    %convert_element_type3A_11 = arith.sitofp %shift_right_arithmetic3A_1 : vector<1x256xi32> to vector<1x256xf32>
    %mul3A = arith.constant 0.142857149 : f32
    %mul3A_12 = vector.broadcast %mul3A : f32 to vector<1x256xf32>
    %mul3A_13 = arith.mulf %convert_element_type3A_11, %mul3A_12 : vector<1x256xf32>
    %floor3A = math.floor %mul3A_13 : vector<1x256xf32>
    %convert_element_type3A_14 = arith.sitofp %shift_right_arithmetic3A_1 : vector<1x256xi32> to vector<1x256xf32>
    %mul3A_15 = arith.constant 7.000000e+00 : f32
    %mul3A_16 = vector.broadcast %mul3A_15 : f32 to vector<1x256xf32>
    %mul3A_17 = arith.mulf %mul3A_16, %floor3A : vector<1x256xf32>
    %sub3A = arith.subf %convert_element_type3A_14, %mul3A_17 : vector<1x256xf32>
    %mul3A_18 = arith.constant 0.166666672 : f32
    %mul3A_19 = vector.broadcast %mul3A_18 : f32 to vector<1x256xf32>
    %mul3A_20 = arith.mulf %floor3A, %mul3A_19 : vector<1x256xf32>
    %mul3A_21 = arith.constant 0.166666672 : f32
    %mul3A_22 = vector.broadcast %mul3A_21 : f32 to vector<1x256xf32>
    %mul3A_23 = arith.mulf %sub3A, %mul3A_22 : vector<1x256xf32>
    %get3A = arith.constant 0 : index
    %get3A_24 = arith.constant 0 : index
    %get3A_25 = vector.load %arg0[%get3A, %get3A_24] : memref<1024x1xf32, #tpu.memory_space<vmem>>, vector<1024x1xf32>
    %get3A_26 = arith.constant 0 : index
    %get3A_27 = arith.constant 0 : index
    %get3A_28 = vector.load %arg1[%get3A_26, %get3A_27] : memref<1024x1xf32, #tpu.memory_space<vmem>>, vector<1024x1xf32>
    %get3A_29 = arith.constant 0 : index
    %get3A_30 = arith.constant 0 : index
    %get3A_31 = vector.load %arg2[%get3A_29, %get3A_30] : memref<1024x1xf32, #tpu.memory_space<vmem>>, vector<1024x1xf32>
    %get3A_32 = arith.constant 0 : index
    %get3A_33 = arith.constant 0 : index
    %get3A_34 = vector.load %arg3[%get3A_32, %get3A_33] : memref<1024x1xf32, #tpu.memory_space<vmem>>, vector<1024x1xf32>
    %get3A_35 = arith.constant 0 : index
    %get3A_36 = arith.constant 0 : index
    %get3A_37 = vector.load %arg4[%get3A_35, %get3A_36] : memref<1024x1xf32, #tpu.memory_space<vmem>>, vector<1024x1xf32>
    %convert_element_type3A_38 = arith.fptosi %get3A_37 : vector<1024x1xf32> to vector<1024x1xi32>
    %get3A_39 = arith.constant 0 : index
    %get3A_40 = arith.constant 7 : index
    %get3A_41 = memref.load %arg5[%get3A_39, %get3A_40] : memref<2x11xf32, #tpu.memory_space<smem>>
    %get3A_42 = arith.constant 0 : index
    %get3A_43 = arith.constant 8 : index
    %get3A_44 = memref.load %arg5[%get3A_42, %get3A_43] : memref<2x11xf32, #tpu.memory_space<smem>>
    %mul3A_45 = arith.mulf %get3A_41, %get3A_44 : f32
    %sub3A_46 = arith.subf %get3A_31, %get3A_25 : vector<1024x1xf32>
    %max3A = arith.constant 0.000000e+00 : f32
    %max3A_47 = vector.broadcast %max3A : f32 to vector<1024x1xf32>
    %max3A_48 = arith.maximumf %max3A_47, %sub3A_46 : vector<1024x1xf32>
    %sub3A_49 = arith.subf %get3A_34, %get3A_28 : vector<1024x1xf32>
    %max3A_50 = arith.constant 0.000000e+00 : f32
    %max3A_51 = vector.broadcast %max3A_50 : f32 to vector<1024x1xf32>
    %max3A_52 = arith.maximumf %max3A_51, %sub3A_49 : vector<1024x1xf32>
    %mul3A_53 = arith.mulf %max3A_48, %max3A_52 : vector<1024x1xf32>
    %mul3A_54 = vector.broadcast %mul3A_45 : f32 to vector<1024x1xf32>
    %mul3A_55 = arith.mulf %mul3A_53, %mul3A_54 : vector<1024x1xf32>
    %sqrt3A = math.sqrt %mul3A_55 : vector<1024x1xf32>
    %div3A = arith.constant 2.240000e+02 : f32
    %div3A_56 = vector.broadcast %div3A : f32 to vector<1024x1xf32>
    %div3A_57 = arith.divf %sqrt3A, %div3A_56 : vector<1024x1xf32>
    %log3A = math.log %div3A_57 : vector<1024x1xf32>
    %div3A_58 = arith.constant 0.693147182 : f32
    %div3A_59 = vector.broadcast %div3A_58 : f32 to vector<1024x1xf32>
    %div3A_60 = arith.divf %log3A, %div3A_59 : vector<1024x1xf32>
    %round3A = math.roundeven %div3A_60 : vector<1024x1xf32>
    %add3A = arith.constant 4.000000e+00 : f32
    %add3A_61 = vector.broadcast %add3A : f32 to vector<1024x1xf32>
    %add3A_62 = arith.addf %add3A_61, %round3A : vector<1024x1xf32>
    %max3A_63 = arith.constant 2.000000e+00 : f32
    %max3A_64 = vector.broadcast %max3A_63 : f32 to vector<1024x1xf32>
    %max3A_65 = arith.maximumf %max3A_64, %add3A_62 : vector<1024x1xf32>
    %min3A = arith.constant 5.000000e+00 : f32
    %min3A_66 = vector.broadcast %min3A : f32 to vector<1024x1xf32>
    %min3A_67 = arith.minimumf %min3A_66, %max3A_65 : vector<1024x1xf32>
    %convert_element_type3A_68 = arith.fptosi %min3A_67 : vector<1024x1xf32> to vector<1024x1xi32>
    %eq3A = arith.constant 2 : i32
    %eq3A_69 = vector.broadcast %eq3A : i32 to vector<1024x1xi32>
    %eq3A_70 = arith.cmpi eq, %convert_element_type3A_68, %eq3A_69 : vector<1024x1xi32>
    %eq3A_71 = arith.constant 3 : i32
    %eq3A_72 = vector.broadcast %eq3A_71 : i32 to vector<1024x1xi32>
    %eq3A_73 = arith.cmpi eq, %convert_element_type3A_68, %eq3A_72 : vector<1024x1xi32>
    %eq3A_74 = arith.constant 4 : i32
    %eq3A_75 = vector.broadcast %eq3A_74 : i32 to vector<1024x1xi32>
    %eq3A_76 = arith.cmpi eq, %convert_element_type3A_68, %eq3A_75 : vector<1024x1xi32>
    %jit3A = arith.constant 3.100000e+01 : f32
    %jit3A_77 = arith.constant 1.500000e+01 : f32
    %broadcast_in_dim3A = vector.broadcast %jit3A : f32 to vector<1024x1xf32>
    %broadcast_in_dim3A_78 = vector.broadcast %jit3A_77 : f32 to vector<1024x1xf32>
    %select_n3A = arith.select %eq3A_76, %broadcast_in_dim3A, %broadcast_in_dim3A_78 : vector<1024x1xi1>, vector<1024x1xf32>
    %jit3A_79 = arith.constant 6.300000e+01 : f32
    %broadcast_in_dim3A_80 = vector.broadcast %jit3A_79 : f32 to vector<1024x1xf32>
    %select_n3A_81 = arith.select %eq3A_73, %broadcast_in_dim3A_80, %select_n3A : vector<1024x1xi1>, vector<1024x1xf32>
    %jit3A_82 = arith.constant 1.270000e+02 : f32
    %broadcast_in_dim3A_83 = vector.broadcast %jit3A_82 : f32 to vector<1024x1xf32>
    %select_n3A_84 = arith.select %eq3A_70, %broadcast_in_dim3A_83, %select_n3A_81 : vector<1024x1xi1>, vector<1024x1xf32>
    %eq3A_85 = arith.constant 2 : i32
    %eq3A_86 = vector.broadcast %eq3A_85 : i32 to vector<1024x1xi32>
    %eq3A_87 = arith.cmpi eq, %convert_element_type3A_68, %eq3A_86 : vector<1024x1xi32>
    %eq3A_88 = arith.constant 3 : i32
    %eq3A_89 = vector.broadcast %eq3A_88 : i32 to vector<1024x1xi32>
    %eq3A_90 = arith.cmpi eq, %convert_element_type3A_68, %eq3A_89 : vector<1024x1xi32>
    %eq3A_91 = arith.constant 4 : i32
    %eq3A_92 = vector.broadcast %eq3A_91 : i32 to vector<1024x1xi32>
    %eq3A_93 = arith.cmpi eq, %convert_element_type3A_68, %eq3A_92 : vector<1024x1xi32>
    %jit3A_94 = arith.constant 32 : i32
    %jit3A_95 = arith.constant 16 : i32
    %broadcast_in_dim3A_96 = vector.broadcast %jit3A_94 : i32 to vector<1024x1xi32>
    %broadcast_in_dim3A_97 = vector.broadcast %jit3A_95 : i32 to vector<1024x1xi32>
    %select_n3A_98 = arith.select %eq3A_93, %broadcast_in_dim3A_96, %broadcast_in_dim3A_97 : vector<1024x1xi1>, vector<1024x1xi32>
    %jit3A_99 = arith.constant 64 : i32
    %broadcast_in_dim3A_100 = vector.broadcast %jit3A_99 : i32 to vector<1024x1xi32>
    %select_n3A_101 = arith.select %eq3A_90, %broadcast_in_dim3A_100, %select_n3A_98 : vector<1024x1xi1>, vector<1024x1xi32>
    %jit3A_102 = arith.constant 128 : i32
    %broadcast_in_dim3A_103 = vector.broadcast %jit3A_102 : i32 to vector<1024x1xi32>
    %select_n3A_104 = arith.select %eq3A_87, %broadcast_in_dim3A_103, %select_n3A_101 : vector<1024x1xi1>, vector<1024x1xi32>
    %mul3A_105 = arith.muli %select_n3A_104, %select_n3A_104 : vector<1024x1xi32>
    %eq3A_106 = arith.constant 2 : i32
    %eq3A_107 = vector.broadcast %eq3A_106 : i32 to vector<1024x1xi32>
    %eq3A_108 = arith.cmpi eq, %convert_element_type3A_68, %eq3A_107 : vector<1024x1xi32>
    %eq3A_109 = arith.constant 3 : i32
    %eq3A_110 = vector.broadcast %eq3A_109 : i32 to vector<1024x1xi32>
    %eq3A_111 = arith.cmpi eq, %convert_element_type3A_68, %eq3A_110 : vector<1024x1xi32>
    %eq3A_112 = arith.constant 4 : i32
    %eq3A_113 = vector.broadcast %eq3A_112 : i32 to vector<1024x1xi32>
    %eq3A_114 = arith.cmpi eq, %convert_element_type3A_68, %eq3A_113 : vector<1024x1xi32>
    %jit3A_115 = arith.constant 40960 : i32
    %jit3A_116 = arith.constant 43008 : i32
    %broadcast_in_dim3A_117 = vector.broadcast %jit3A_115 : i32 to vector<1024x1xi32>
    %broadcast_in_dim3A_118 = vector.broadcast %jit3A_116 : i32 to vector<1024x1xi32>
    %select_n3A_119 = arith.select %eq3A_114, %broadcast_in_dim3A_117, %broadcast_in_dim3A_118 : vector<1024x1xi1>, vector<1024x1xi32>
    %jit3A_120 = arith.constant 32768 : i32
    %broadcast_in_dim3A_121 = vector.broadcast %jit3A_120 : i32 to vector<1024x1xi32>
    %select_n3A_122 = arith.select %eq3A_111, %broadcast_in_dim3A_121, %select_n3A_119 : vector<1024x1xi1>, vector<1024x1xi32>
    %jit3A_123 = arith.constant 0 : i32
    %broadcast_in_dim3A_124 = vector.broadcast %jit3A_123 : i32 to vector<1024x1xi32>
    %select_n3A_125 = arith.select %eq3A_108, %broadcast_in_dim3A_124, %select_n3A_122 : vector<1024x1xi1>, vector<1024x1xi32>
    %mul3A_126 = arith.muli %convert_element_type3A_38, %mul3A_105 : vector<1024x1xi32>
    %add3A_127 = arith.addi %select_n3A_125, %mul3A_126 : vector<1024x1xi32>
    %mul3A_128 = arith.mulf %get3A_25, %select_n3A_84 : vector<1024x1xf32>
    %sub3A_129 = arith.subf %get3A_31, %get3A_25 : vector<1024x1xf32>
    %mul3A_130 = arith.mulf %sub3A_129, %select_n3A_84 : vector<1024x1xf32>
    %mul3A_131 = vector.broadcast %mul3A_20 : vector<1x256xf32> to vector<1024x256xf32>
    %mul3A_132 = vector.broadcast %mul3A_130 : vector<1024x1xf32> to vector<1024x256xf32>
    %mul3A_133 = arith.mulf %mul3A_131, %mul3A_132 : vector<1024x256xf32>
    %add3A_134 = vector.broadcast %mul3A_128 : vector<1024x1xf32> to vector<1024x256xf32>
    %add3A_135 = arith.addf %add3A_134, %mul3A_133 : vector<1024x256xf32>
    %mul3A_136 = arith.mulf %get3A_28, %select_n3A_84 : vector<1024x1xf32>
    %sub3A_137 = arith.subf %get3A_34, %get3A_28 : vector<1024x1xf32>
    %mul3A_138 = arith.mulf %sub3A_137, %select_n3A_84 : vector<1024x1xf32>
    %mul3A_139 = vector.broadcast %mul3A_23 : vector<1x256xf32> to vector<1024x256xf32>
    %mul3A_140 = vector.broadcast %mul3A_138 : vector<1024x1xf32> to vector<1024x256xf32>
    %mul3A_141 = arith.mulf %mul3A_139, %mul3A_140 : vector<1024x256xf32>
    %add3A_142 = vector.broadcast %mul3A_136 : vector<1024x1xf32> to vector<1024x256xf32>
    %add3A_143 = arith.addf %add3A_142, %mul3A_141 : vector<1024x256xf32>
    %floor3A_144 = math.floor %add3A_135 : vector<1024x256xf32>
    %floor3A_145 = math.floor %add3A_143 : vector<1024x256xf32>
    %sub3A_146 = arith.subf %add3A_135, %floor3A_144 : vector<1024x256xf32>
    %sub3A_147 = arith.subf %add3A_143, %floor3A_145 : vector<1024x256xf32>
    %add3A_148 = vector.broadcast %convert_element_type3A : vector<1x256xf32> to vector<1024x256xf32>
    %add3A_149 = arith.addf %floor3A_144, %add3A_148 : vector<1024x256xf32>
    %jit3A_150 = arith.constant 0.000000e+00 : f32
    %max3A_151 = vector.broadcast %jit3A_150 : f32 to vector<1024x256xf32>
    %max3A_152 = arith.maximumf %max3A_151, %add3A_149 : vector<1024x256xf32>
    %min3A_153 = vector.broadcast %select_n3A_84 : vector<1024x1xf32> to vector<1024x256xf32>
    %min3A_154 = arith.minimumf %min3A_153, %max3A_152 : vector<1024x256xf32>
    %convert_element_type3A_155 = arith.fptosi %min3A_154 : vector<1024x256xf32> to vector<1024x256xi32>
    %add3A_156 = vector.broadcast %convert_element_type3A_10 : vector<1x256xf32> to vector<1024x256xf32>
    %add3A_157 = arith.addf %floor3A_145, %add3A_156 : vector<1024x256xf32>
    %jit3A_158 = arith.constant 0.000000e+00 : f32
    %max3A_159 = vector.broadcast %jit3A_158 : f32 to vector<1024x256xf32>
    %max3A_160 = arith.maximumf %max3A_159, %add3A_157 : vector<1024x256xf32>
    %min3A_161 = vector.broadcast %select_n3A_84 : vector<1024x1xf32> to vector<1024x256xf32>
    %min3A_162 = arith.minimumf %min3A_161, %max3A_160 : vector<1024x256xf32>
    %convert_element_type3A_163 = arith.fptosi %min3A_162 : vector<1024x256xf32> to vector<1024x256xi32>
    %ge3A = arith.constant 0.000000e+00 : f32
    %ge3A_164 = vector.broadcast %ge3A : f32 to vector<1024x256xf32>
    %ge3A_165 = arith.cmpf oge, %add3A_135, %ge3A_164 : vector<1024x256xf32>
    %le3A = vector.broadcast %select_n3A_84 : vector<1024x1xf32> to vector<1024x256xf32>
    %le3A_166 = arith.cmpf ole, %add3A_135, %le3A : vector<1024x256xf32>
    %and3A_167 = arith.andi %ge3A_165, %le3A_166 : vector<1024x256xi1>
    %ge3A_168 = arith.constant 0.000000e+00 : f32
    %ge3A_169 = vector.broadcast %ge3A_168 : f32 to vector<1024x256xf32>
    %ge3A_170 = arith.cmpf oge, %add3A_143, %ge3A_169 : vector<1024x256xf32>
    %and3A_171 = arith.andi %and3A_167, %ge3A_170 : vector<1024x256xi1>
    %le3A_172 = vector.broadcast %select_n3A_84 : vector<1024x1xf32> to vector<1024x256xf32>
    %le3A_173 = arith.cmpf ole, %add3A_143, %le3A_172 : vector<1024x256xf32>
    %and3A_174 = arith.andi %and3A_171, %le3A_173 : vector<1024x256xi1>
    %eq3A_175 = arith.constant 1.000000e+00 : f32
    %eq3A_176 = vector.broadcast %eq3A_175 : f32 to vector<1x256xf32>
    %eq3A_177 = arith.cmpf oeq, %convert_element_type3A, %eq3A_176 : vector<1x256xf32>
    %sub3A_178 = arith.constant 1.000000e+00 : f32
    %sub3A_179 = vector.broadcast %sub3A_178 : f32 to vector<1024x256xf32>
    %sub3A_180 = arith.subf %sub3A_179, %sub3A_146 : vector<1024x256xf32>
    %broadcast_in_dim3A_181 = vector.shape_cast %eq3A_177 : vector<1x256xi1> to vector<1x256xi1>
    %broadcast_in_dim3A_182 = vector.broadcast %broadcast_in_dim3A_181 : vector<1x256xi1> to vector<1024x256xi1>
    %select_n3A_183 = arith.select %broadcast_in_dim3A_182, %sub3A_146, %sub3A_180 : vector<1024x256xi1>, vector<1024x256xf32>
    %eq3A_184 = arith.constant 1.000000e+00 : f32
    %eq3A_185 = vector.broadcast %eq3A_184 : f32 to vector<1x256xf32>
    %eq3A_186 = arith.cmpf oeq, %convert_element_type3A_10, %eq3A_185 : vector<1x256xf32>
    %sub3A_187 = arith.constant 1.000000e+00 : f32
    %sub3A_188 = vector.broadcast %sub3A_187 : f32 to vector<1024x256xf32>
    %sub3A_189 = arith.subf %sub3A_188, %sub3A_147 : vector<1024x256xf32>
    %broadcast_in_dim3A_190 = vector.shape_cast %eq3A_186 : vector<1x256xi1> to vector<1x256xi1>
    %broadcast_in_dim3A_191 = vector.broadcast %broadcast_in_dim3A_190 : vector<1x256xi1> to vector<1024x256xi1>
    %select_n3A_192 = arith.select %broadcast_in_dim3A_191, %sub3A_147, %sub3A_189 : vector<1024x256xi1>, vector<1024x256xf32>
    %mul3A_193 = arith.mulf %select_n3A_183, %select_n3A_192 : vector<1024x256xf32>
    %lt3A = arith.constant 196 : i32
    %lt3A_194 = vector.broadcast %lt3A : i32 to vector<1x256xi32>
    %lt3A_195 = arith.cmpi slt, %iota3A, %lt3A_194 : vector<1x256xi32>
    %and3A_196 = vector.broadcast %lt3A_195 : vector<1x256xi1> to vector<1024x256xi1>
    %and3A_197 = arith.andi %and3A_174, %and3A_196 : vector<1024x256xi1>
    %jit3A_198 = arith.constant 0.000000e+00 : f32
    %broadcast_in_dim3A_199 = vector.broadcast %jit3A_198 : f32 to vector<1024x256xf32>
    %select_n3A_200 = arith.select %and3A_197, %mul3A_193, %broadcast_in_dim3A_199 : vector<1024x256xi1>, vector<1024x256xf32>
    %lt3A_201 = arith.constant 196 : i32
    %lt3A_202 = vector.broadcast %lt3A_201 : i32 to vector<1x256xi32>
    %lt3A_203 = arith.cmpi slt, %iota3A, %lt3A_202 : vector<1x256xi32>
    %mul3A_204 = vector.broadcast %select_n3A_104 : vector<1024x1xi32> to vector<1024x256xi32>
    %mul3A_205 = arith.muli %convert_element_type3A_155, %mul3A_204 : vector<1024x256xi32>
    %add3A_206 = vector.broadcast %add3A_127 : vector<1024x1xi32> to vector<1024x256xi32>
    %add3A_207 = arith.addi %add3A_206, %mul3A_205 : vector<1024x256xi32>
    %add3A_208 = arith.addi %add3A_207, %convert_element_type3A_163 : vector<1024x256xi32>
    %jit3A_209 = arith.constant 0 : i32
    %broadcast_in_dim3A_210 = vector.shape_cast %lt3A_203 : vector<1x256xi1> to vector<1x256xi1>
    %broadcast_in_dim3A_211 = vector.broadcast %broadcast_in_dim3A_210 : vector<1x256xi1> to vector<1024x256xi1>
    %broadcast_in_dim3A_212 = vector.broadcast %jit3A_209 : i32 to vector<1024x256xi32>
    %select_n3A_213 = arith.select %broadcast_in_dim3A_211, %add3A_208, %broadcast_in_dim3A_212 : vector<1024x256xi1>, vector<1024x256xi32>
    %swap3A = arith.constant 0 : index
    %swap3A_214 = arith.constant 0 : index
    %swap3A_215 = vector.load %arg6[%swap3A, %swap3A_214] : memref<1024x256xi32, #tpu.memory_space<vmem>>, vector<1024x256xi32>
    tpu.vector_store %arg6[%swap3A, %swap3A_214], %select_n3A_213 {strides = array<i32>} : memref<1024x256xi32, #tpu.memory_space<vmem>>, vector<1024x256xi32>,
    %swap3A_216 = arith.constant 0 : index
    %swap3A_217 = arith.constant 0 : index
    %swap3A_218 = vector.load %arg7[%swap3A_216, %swap3A_217] : memref<1024x256xf32, #tpu.memory_space<vmem>>, vector<1024x256xf32>
    tpu.vector_store %arg7[%swap3A_216, %swap3A_217], %select_n3A_200 {strides = array<i32>} : memref<1024x256xf32, #tpu.memory_space<vmem>>, vector<1024x256xf32>,
    return
  }
}

</mosaic_0001>

<sc_bundles>
// kernel: kernel.4.cloned.1.call-start
scs
__scs_entry_jumppad:
0x0: {  	(pc) =	sbr.rel $0x88, $3  }
0x1: {  	(tag) =	ssettag $0x0;
	lr =	simm.s32 $0x1  }
0x2: {  	[smem:$0x3F9B] =	sst lr;
	_ =	strace $0xD0000000  }
0x3: {  	_ = 	snop  }
0x4: {  	_ = 	snop  }
0x5: {  	_ = 	snop  }
0x6: {  	_ = 	snop  }
0x7: {  	_ = 	snop  }
__scs_overlays_trampoline_lowered:
0x8: {  	[smem:$0x3FAA] =	sst s0  }
0x9: {  	[smem:$0x3FAB] =	sst s1  }
0xa: {  	[smem:$0x3FAC] =	sst s2  }
0xb: {  	[smem:$0x3FAD] =	sst s3  }
0xc: {  	[smem:$0x3FAE] =	sst s4  }
0xd: {  	[smem:$0x3FAF] =	sst s5  }
0xe: {  	[smem:$0x3FB0] =	sst s6  }
0xf: {  	[smem:$0x3FB1] =	sst s7  }
0x10: {  	[smem:$0x3FB2] =	sst s8  }
0x11: {  	[smem:$0x3FB3] =	sst s9;
	s0 =	simm.s32 @!p0 $0x0  }
0x12: {  	s1 =	sld [smem:$0x3F99];
	s0 =	simm.s32 @p0 $0x1  }
0x13: {  	[smem:$0x3FB4] =	sst s0;
	s0 =	simm.s32 @!p1 $0x0  }
0x14: {  	s2 =	sld [smem:$0x3F98];
	s0 =	simm.s32 @p1 $0x1  }
0x15: {  	[smem:$0x3FB5] =	sst s0;
	s0 =	simm.s32 @!p2 $0x0  }
0x16: {  	s3 =	sld [smem:$0x3FDB];
	s0 =	simm.s32 @p2 $0x1  }
0x17: {  	s4 =	simm.s32 $0x1BF5;
	[smem:$0x3FB7] =	sst s0  }
0x18: {  	s0 =	sld [smem:$0x3F9A];
	_ =	swait.ge [sflag:s4], $0x0  }
0x19: {  	s7 =	sld [smem:$0x3F9B]  }
0x1a: {  	s8 =	sadd.s32 $0xFFFFE003, lr  }
0x1b: {  	s9 =	sadd.s32 $0xFFFFFEF7, lr;
	s5 =	simm.s32 $0xFFFFFFFF;
	p2 =	slt.u32 s8, $0xFFFFF086  }
0x1c: {  	p1 =	slt.u32 s9, $0xF7A;
	s5 =	simm.s32 @!p2 $0x0  }
0x1d: {  	s5 =	simm.s32 @p1 $0x1;
	p0 =	seq.s32 s7, s2  }
0x1e: {  	s7 =	smul.u32 @!p0 $0xF7A, s2;
	p2 =	seq.s32 @!p0 s5, $0x0  }
0x1f: {  	s9 =	smul.u32 $0xF7A, s1;
	s8 =	simm.s32 @!p0 $0x1BF5;
	p2 =	por !p2, p0  }
0x20: {  	[sflag:s8] =	ssyncset.s32 @!p0 $0xFFFFF086;
	s6 =	sadd.s32 @!p0 s3, s7;
	s7 =	simm.s32 @!p0 $0x108  }
0x21: {  	s3 =	sadd.s32 s3, s9;
	s6 =	sadd.s32 @!p0 $0x88, s6;
	s7 =	simm.s32 @p2 $0x1082  }
0x22: {  	[simem:s7], [sflag:s8] =	dma.local @!p0 [hbm:s6], $0xF7A  }
0x23: {  	s9 =	sor.u32 $0xD0000000, s2;
	s6 =	simm.s32 $0x108;
	_ =	swait.ge @!p0 [sflag:s8], $0x0  }
0x24: {  	s3 =	sadd.s32 $0x88, s3;
	s6 =	simm.s32 @!p1 $0x1082;
	[sflag:s4] =	ssyncset.s32 $0xFFFFF086  }
0x25: {  	[simem:s6], [sflag:s4] =	dma.local [hbm:s3], $0xF7A  }
0x26: {  	[smem:$0x3F9B] =	sst s1;
	(tag) =	ssettag s2;
	_ =	strace s9  }
0x27: {  	s1 =	sld [smem:$0x3FAB]  }
0x28: {  	s2 =	sld [smem:$0x3FAC]  }
0x29: {  	s4 =	sld [smem:$0x3FAE]  }
0x2a: {  	p0 =	seq.s32 s5, $0x0;
	s5 =	sld [smem:$0x3FAF]  }
0x2b: {  	s6 =	sld [smem:$0x3FB0]  }
0x2c: {  	s7 =	sld [smem:$0x3FB1]  }
0x2d: {  	s3 =	simm.s32 $0x108;
	s8 =	sld [smem:$0x3FB2]  }
0x2e: {  	s3 =	simm.s32 @!p0 $0x1082;
	s9 =	sld [smem:$0x3FB3]  }
0x2f: {  	lr =	sadd.s32 s0, s3;
	s0 =	sld [smem:$0x3FAA]  }
0x30: {  	s3 =	sld [smem:$0x3FAD]  }
0x31: {  	[smem:$0x3FB6] =	sst s10  }
0x32: {  	s10 =	sld [smem:$0x3FB4];
	_ =	sdelay $0x3  }
0x33: {  	p0 =	seq.s32 s10, $0x1;
	s10 =	sld [smem:$0x3FB6];
	_ =	sdelay $0x3  }
0x34: {  	[smem:$0x3FB6] =	sst s10  }
0x35: {  	s10 =	sld [smem:$0x3FB5];
	_ =	sdelay $0x3  }
0x36: {  	p1 =	seq.s32 s10, $0x1;
	s10 =	sld [smem:$0x3FB6];
	_ =	sdelay $0x3  }
0x37: {  	[smem:$0x3FB6] =	sst s10  }
0x38: {  	s10 =	sld [smem:$0x3FB7]  }
0x39: {  	_ = 	snop;
	(pc) =	sbr.ind lr, $3  }
0x3a: {  	_ = 	snop  }
0x3b: {  	_ = 	snop  }
0x3c: {  	p2 =	seq.s32 s10, $0x1;
	s10 =	sld [smem:$0x3FB6]  }
0x3d: {  	_ =	shalt  }
0x3e: {  	_ =	shalt  }
0x3f: {  	_ =	shalt  }
0x40: {  	_ =	shalt  }
0x41: {  	_ =	shalt  }
0x42: {  	_ =	shalt  }
0x43: {  	_ =	shalt  }
0x44: {  	_ =	shalt  }
0x45: {  	_ =	shalt  }
0x46: {  	_ =	shalt  }
0x47: {  	_ =	shalt  }
0x48: {  	_ =	shalt  }
0x49: {  	_ =	shalt  }
0x4a: {  	_ =	shalt  }
0x4b: {  	_ =	shalt  }
0x4c: {  	_ =	shalt  }
0x4d: {  	_ =	shalt  }
0x4e: {  	_ =	shalt  }
0x4f: {  	_ =	shalt  }
0x50: {  	_ =	shalt  }
0x51: {  	_ =	shalt  }
0x52: {  	_ =	shalt  }
0x53: {  	_ =	shalt  }
0x54: {  	_ =	shalt  }
0x55: {  	_ =	shalt  }
0x56: {  	_ =	shalt  }
0x57: {  	_ =	shalt  }
0x58: {  	_ =	shalt  }
0x59: {  	_ =	shalt  }
0x5a: {  	_ =	shalt  }
0x5b: {  	_ =	shalt  }
0x5c: {  	_ =	shalt  }
0x5d: {  	_ =	shalt  }
0x5e: {  	_ =	shalt  }
0x5f: {  	_ =	shalt  }
0x60: {  	_ =	shalt  }
0x61: {  	_ =	shalt  }
0x62: {  	_ =	shalt  }
0x63: {  	_ =	shalt  }
0x64: {  	_ =	shalt  }
0x65: {  	_ =	shalt  }
0x66: {  	_ =	shalt  }
0x67: {  	_ =	shalt  }
0x68: {  	_ =	shalt  }
0x69: {  	_ =	shalt  }
0x6a: {  	_ =	shalt  }
0x6b: {  	_ =	shalt  }
0x6c: {  	_ =	shalt  }
0x6d: {  	_ =	shalt  }
0x6e: {  	_ =	shalt  }
0x6f: {  	_ =	shalt  }
0x70: {  	_ =	shalt  }
0x71: {  	_ =	shalt  }
0x72: {  	_ =	shalt  }
0x73: {  	_ =	shalt  }
0x74: {  	_ =	shalt  }
0x75: {  	_ =	shalt  }
0x76: {  	_ =	shalt  }
0x77: {  	_ =	shalt  }
0x78: {  	_ =	shalt  }
0x79: {  	_ =	shalt  }
0x7a: {  	_ =	shalt  }
0x7b: {  	_ =	shalt  }
0x7c: {  	_ =	shalt  }
0x7d: {  	_ =	shalt  }
0x7e: {  	_ =	shalt  }
0x7f: {  	_ =	shalt  }
0x80: {  	_ =	shalt  }
0x81: {  	_ =	shalt  }
0x82: {  	_ =	shalt  }
0x83: {  	_ =	shalt  }
0x84: {  	_ =	shalt  }
0x85: {  	_ =	shalt  }
0x86: {  	_ =	shalt  }
0x87: {  	_ =	shalt  }
.Lfunc_end0:
.L_simem_size_0:
called_computation.2_lowered:
.L_overlay_start_0:
0x88: {  	s2 =	sld [smem:$0x3FD9]  }
0x89: {  	s3 =	sld [smem:$0x3FFE];
	_ =	sdelay $0x1  }
0x8a: {  	s1 =	srdreg.scid  }
0x8b: {  	s0 =	sand.u32 $0x1, s1  }
0x8c: {  	s17 =	sshll.u32 s0, $0xA;
	s2 =	sadd.s32 s3, s2  }
0x8d: {  	s2 =	sadd.s32 s2, s17  }
0x8e: {  	[smem:$0x3FC2] =	sst s2  }
0x8f: {  	_ = 	snop  }
0x90: {  	s2 =	sld [smem:$0x3FD0];
	(tm) =	ssettm $0x1  }
0x91: {  	s18 =	sld [smem:$0x3FFB];
	_ =	sdelay $0x3  }
0x92: {  	_ =	strace s18  }
0x93: {  	s3 =	sld [smem:$0x3FFC];
	_ =	sdelay $0x3  }
0x94: {  	_ =	strace s3  }
0x95: {  	s3 =	sld [smem:$0x3FFD];
	_ =	sdelay $0x3  }
0x96: {  	_ =	strace s3  }
0x97: {  	_ =	strace $0x8FFFFFFF  }
0x98: {  	s19 =	sld [smem:$0x3FDB];
	_ =	sdelay $0x1  }
0x99: {  	s4 =	simm.s32 $_scs_section_size  }
0x9a: {  	s5 =	simm.s32 $_size__tile_overlayer_lowered;
	s6 =	simm.s32 $_tile_overlayer_lowered  }
0x9b: {  	s22 =	simm.s32 $0x1BFF;
	s21 =	sshll.u32 s6, $0x1;
	s3 =	sadd.s32 s4, s19  }
0x9c: {  	s7 =	simm.s32 $0x0;
	s20 =	sshll.u32 s5, $0x1;
	s5 =	sadd.s32 s21, s3  }
0x9d: {  	[timem:s7], [sflag:s22] =	dma.local [hbm:s5], s20  }
0x9e: {  	_ =	swait.ge [sflag:s22], s20  }
0x9f: {  	s4 =	ssub.s32 $0x0, s20;
	[sflag:s22] =	ssyncset.done $0x0  }
0xa0: {  	[sflag:s22] =	ssyncadd.s32 s4;
	_ =	sdelay $0x1  }
0xa1: {  	s23 =	simm.s32 $0x1B8B  }
0xa2: {  	_ =	swait.ge [sflag:s23], $0x1  }
0xa3: {  	[sflag:s23] =	ssyncset.done $0x0  }
0xa4: {  	s25 =	simm.s32 $0x1B8E;
	s24 =	sld [smem:$0x3FFE];
	[sflag:s23] =	ssyncadd.s32 $0xFFFFFFFF  }
0xa5: {  	s26 =	simm.s32 $execute0_lowered;
	[smem:$0x3FD2] =	sst s25  }
0xa6: {  	s5 =	sshll.u32 s26, $0x1;
	_ =	strace $0x80000049;
	[dreg:$0x1] =	wrdreg $0xFFFFFFFF  }
0xa7: {  	s28 =	simm.s32 $_size_execute0_lowered;
	s3 =	sadd.s32 s3, s5;
	[dreg:$0x0] =	wrdreg $0x0  }
0xa8: {  	s5 =	sshll.u32 s28, $0x1;
	[dreg:$0x2] =	wrdreg s3  }
0xa9: {  	[dreg:$0x3] =	wrdreg s5  }
0xaa: {  	[dreg:$0x4] =	wrdreg $0xC0  }
0xab: {  	_ =	task [dreg:s7], $0x5FFFF  }
0xac: {  	[dreg:$0x1] =	wrdreg $0xFFFFFFFF  }
0xad: {  	[dreg:$0x0] =	wrdreg $0x60  }
0xae: {  	[dreg:$0x2] =	wrdreg s24  }
0xaf: {  	[dreg:$0x3] =	wrdreg s2  }
0xb0: {  	[dreg:$0x4] =	wrdreg $0x9  }
0xb1: {  	_ =	task.clear_ibuf [dreg:s7], $0x5FFFF;
	_ =	strace $0x90000049  }
0xb2: {  	s29 =	simm.s32 $0x9;
	_ =	strace $0x8000004B  }
0xb3: {  	_ =	swait.ge [sflag:s29], $0x1  }
0xb4: {  	[sflag:s29] =	ssyncadd.s32 $0xFFFFFFFF  }
0xb5: {  	_ =	strace $0x9000004B  }
0xb6: {  	_ =	sfence  }
0xb7: {  	s30 =	sld [smem:$0x0];
	_ =	sdelay $0x2  }
0xb8: {  	s31 =	sshll.u32 s1, $0xD;
	s1 =	sshrl.u32 s1, $0x2  }
0xb9: {  	s3 =	sand.u32 $0x4000, s31;
	s1 =	sadd.s32 s1, s30  }
0xba: {  	s0 =	sor.u32 s3, s0;
	s1 =	sshll.u32 s1, $0x11  }
0xbb: {  	s0 =	sor.u32 s1, s0  }
0xbc: {  	s0 =	sadd.s32 $0x8F2B, s0  }
0xbd: {  	[sflag:s0] =	ssyncadd.remote.s32 $0x1  }
0xbe: {  	_ =	sfence.sel $0xFFFF  }
0xbf: {  	[dreg:$0x0] =	wrdreg $0xFFFFFFFF;
	(pc) =	sbr.abs _section_cstart, $3  }
0xc0: {  	[dreg:$0x1] =	wrdreg $0xFFFFFFFF  }
0xc1: {  	_ =	task.clear_ibuf [dreg:s7], $0x2FFFF;
	_ =	strace $0x9FFFFFFF  }
0xc2: {  	(tm) =	ssettm $0x7FFFFFFF  }
0xc3: {  	_ =	shalt  }
tec
execute0_lowered:
.L_overlay_start_1:
0x0: {  	(tag) =	ssettag $0x1  }
0x1: {  	s0 =	rddreg [dreg:$0x0]  }
0x2: {  	s1 =	rddreg [dreg:$0x1];
	s2 =	simm.s32 $0x0;
	s3 =	srdreg.scid  }
0x3: {  	s6 =	stileid.u32;
	s12 =	simm.s32 $0x3;
	s13 =	simm.s32 $0x200  }
0x4: {  	s14 =	simm.s32 $0x68;
	s17 =	simm.s32 $0x100;
	s18 =	simm.s32 $0x300  }
0x5: {  	s19 =	simm.s32 $0xD400;
	s20 =	simm.s32 $0x168;
	s21 =	simm.s32 $0x13C00  }
0x6: {  	s22 =	simm.s32 $0x1;
	s4 =	sadd.s32 $0x1400, s0;
	s3 =	sand.u32 $0x1, s3  }
0x7: {  	s5 =	sadd.s32 $0x155400, s0;
	s8 =	sshll.u32 s6, $0x1;
	s7 =	ssub.s32 $0x2, s3  }
0x8: {  	s6 =	sadd.s32 $0x15D400, s0;
	s3 =	sor.u32 s3, s8;
	s30 =	sshrl.u32 s7, $0x1  }
0x9: {  	s0 =	ssub.s32 s7, s30;
	s7 =	sshll.u32 s3, $0x5;
	s3 =	sshll.u32 s3, $0xA  }
0xa: {  	s23 =	simm.s32 $0x1A400;
	[smem:$0x7FF] =	sst s2;
	s31 =	sadd.s32 s5, s3  }
0xb: {  	_ =	strace $0x8000004A;
	s3 =	sadd.s32 s6, s3;
	[dreg:$0x3] =	wrdreg s31  }
0xc: {  	v0 =	vimm.s32 $0xC0;
	s24 =	simm.s32 $0x2;
	s0 =	smax.u32 s0, $0x1;
	[dreg:$0x4] =	wrdreg s3  }
0xd: {  	v1 =	vimm.s32 $0xC1;
	v2 =	vimm.s32 $0xC2;
	v3 =	vimm.s32 $0xC3;
	s10 =	sadd.s32 $0x20, s7;
	[dreg:$0x5] =	wrdreg s0;
	s3 =	simm.s32 $0x0  }
.LBB2_1:
0xe: {  	[dreg:$0x6] =	wrdreg s3  }
0xf: {  	s0 =	rddreg [dreg:$0x3]  }
0x10: {  	[tilespmem:s2], [sflag:$0x3] =	stream.linear.gather [hbm4b:s0+s2], $0x100, $0x38;
	[tilespmem:$0x1D500] =	vst v63  }
0x11: {  	_ =	swait.ge [sflag:s12], $0x100  }
0x12: {  	[sflag:s12] =	ssyncset.done $0x0  }
0x13: {  	s29 =	rddreg [dreg:$0x4];
	[sflag:s12] =	ssyncadd.s32 $0xFFFFFF00  }
0x14: {  	[tilespmem:s13], [sflag:$0x3] =	stream.linear.gather [hbm4b:s29+s2], $0x100, $0x38;
	[tilespmem:$0x1D500] =	vst v63  }
0x15: {  	_ =	swait.ge [sflag:s12], $0x100  }
0x16: {  	[sflag:s12] =	ssyncset.done $0x0  }
0x17: {  	s30 =	simm.s32 $0x400;
	[sflag:s12] =	ssyncadd.s32 $0xFFFFFF00  }
0x18: {  	[tilespmem:s30], [sflag:$0x1] =	stream.indirect.gather [hbm4b:s4+s14], $0x100, s2, s14, $0xb8;
	[tilespmem:$0x1D500] =	vst v63  }
0x19: {  	s31 =	simm.s32 $0x6C00;
	s26 =	simm.s32 $0x0  }
0x1a: {  	[tilespmem:s31], [sflag:$0x1] =	stream.indirect.gather [hbm4b:s4+s14], $0x100, s14, s14, $0xb8;
	[tilespmem:$0x1D500] =	vst v63  }
.LBB2_2:
0x1b: {  	s0 =	sshll.u32 s26, $0x1  }
0x1c: {  	s29 =	sadd.s32 s7, s0  }
0x1d: {  	s28 =	sor.u32 $0x1, s29  }
0x1e: {  	s31 =	sshll.u32 s28, $0x5  }
0x1f: {  	s0 =	sand.u32 $0x1FFFFFE0, s31  }
0x20: {  	s30 =	simm.s32 $0x0;
	s3 =	sadd.s32 s5, s0  }
0x21: {  	[tilespmem:s17], [sflag:$0x3] =	stream.linear.gather [hbm4b:s3+s30], $0x100, $0x38;
	[tilespmem:$0x1D500] =	vst v63  }
0x22: {  	_ =	swait.ge [sflag:s12], $0x100  }
0x23: {  	[sflag:s12] =	ssyncset.done $0x0  }
0x24: {  	s0 =	sadd.s32 s6, s0;
	[sflag:s12] =	ssyncadd.s32 $0xFFFFFF00  }
0x25: {  	[tilespmem:s18], [sflag:$0x3] =	stream.linear.gather [hbm4b:s0+s30], $0x100, $0x38;
	[tilespmem:$0x1D500] =	vst v63  }
0x26: {  	_ =	swait.ge [sflag:s12], $0x100  }
0x27: {  	[sflag:s12] =	ssyncset.done $0x0  }
0x28: {  	[sflag:s12] =	ssyncadd.s32 $0xFFFFFF00  }
0x29: {  	[tilespmem:s19], [sflag:$0x2] =	stream.indirect.gather [hbm4b:s4+s14], $0x100, s17, s14, $0xb8;
	[tilespmem:$0x1D500] =	vst v63  }
0x2a: {  	_ = 	snop  }
0x2b: {  	[tilespmem:s21], [sflag:$0x2] =	stream.indirect.gather [hbm4b:s4+s14], $0x100, s20, s14, $0xb8;
	[tilespmem:$0x1D500] =	vst v63  }
0x2c: {  	_ =	swait.ge [sflag:s22], $0x6800  }
0x2d: {  	[sflag:s22] =	ssyncset.done $0x0  }
0x2e: {  	[sflag:s22] =	ssyncadd.s32 $0xFFFF9800  }
0x2f: {  	_ =	swait.ge [sflag:s22], $0x6800  }
0x30: {  	[sflag:s22] =	ssyncset.done $0x0  }
0x31: {  	[sflag:s22] =	ssyncadd.s32 $0xFFFF9800  }
.LBB2_3:
0x32: {  	s0 =	sshll.u32 s30, $0x2;
	s8 =	sshll.u32 s30, $0xA  }
0x33: {  	v4 =	vmov s0;
	s0 =	sand.u32 $0x3FFFFC00, s8  }
0x34: {  	v6 =	vor.u32 $0x1, v4;
	v54 =	vld [tilespmem:s0+$0x400]  }
0x35: {  	v7 =	vor.u32 $0x2, v4;
	v9 =	vld [tilespmem:s0+$0x500]  }
0x36: {  	v8 =	vor.u32 $0x3, v4;
	v10 =	vld [tilespmem:s0+$0x600]  }
0x37: {  	v11 =	vld [tilespmem:s0+$0x700]  }
0x38: {  	v5 =	vld.idx.msk [tilespmem:v4+s13+$0x0], $0xffff  }
0x39: {  	v6 =	vld.idx.msk [tilespmem:v6+s13+$0x0], $0xffff  }
0x3a: {  	v4 =	vld.idx.msk [tilespmem:v7+s13+$0x0], $0xffff  }
0x3b: {  	v7 =	vld.idx.msk [tilespmem:v8+s13+$0x0], $0xffff;
	_ =	sdelay $0x3  }
0x3c: {  	v8 =	vmul.f32 v54, v5;
	v9 =	vmul.f32 v9, v6  }
0x3d: {  	v10 =	vmul.f32 v10, v4;
	v11 =	vmul.f32 v11, v7;
	_ =	sdelay $0x1  }
0x3e: {  	v8 =	vadd.f32 v9, v8;
	v55 =	vadd.f32 v11, v10;
	_ =	sdelay $0x1  }
0x3f: {  	s3 =	sshll.u32 s30, $0x8;
	v8 =	vadd.f32 v55, v8  }
0x40: {  	s31 =	sand.u32 $0x3FFFFF00, s3  }
0x41: {  	[tilespmem:s31+$0x1A400] =	vst v8  }
0x42: {  	v8 =	vld [tilespmem:s0+$0x410]  }
0x43: {  	v56 =	vld [tilespmem:s0+$0x510]  }
0x44: {  	v57 =	vld [tilespmem:s0+$0x610]  }
0x45: {  	v58 =	vld [tilespmem:s0+$0x710];
	_ =	sdelay $0x3  }
0x46: {  	v8 =	vmul.f32 v8, v5;
	v9 =	vmul.f32 v56, v6  }
0x47: {  	v10 =	vmul.f32 v57, v4;
	v11 =	vmul.f32 v58, v7;
	_ =	sdelay $0x1  }
0x48: {  	v8 =	vadd.f32 v9, v8;
	v59 =	vadd.f32 v11, v10;
	_ =	sdelay $0x1  }
0x49: {  	v8 =	vadd.f32 v59, v8;
	_ =	sdelay $0x1  }
0x4a: {  	[tilespmem:s31+$0x1A410] =	vst v8  }
0x4b: {  	v8 =	vld [tilespmem:s0+$0x420]  }
0x4c: {  	v60 =	vld [tilespmem:s0+$0x520]  }
0x4d: {  	v61 =	vld [tilespmem:s0+$0x620]  }
0x4e: {  	v62 =	vld [tilespmem:s0+$0x720];
	_ =	sdelay $0x3  }
0x4f: {  	v8 =	vmul.f32 v8, v5;
	v9 =	vmul.f32 v60, v6  }
0x50: {  	v10 =	vmul.f32 v61, v4;
	v11 =	vmul.f32 v62, v7;
	_ =	sdelay $0x1  }
0x51: {  	v8 =	vadd.f32 v9, v8;
	v63 =	vadd.f32 v11, v10;
	_ =	sdelay $0x1  }
0x52: {  	v8 =	vadd.f32 v63, v8;
	_ =	sdelay $0x1  }
0x53: {  	[tilespmem:s31+$0x1A420] =	vst v8  }
0x54: {  	v8 =	vld [tilespmem:s0+$0x430]  }
0x55: {  	v12 =	vld [tilespmem:s0+$0x530]  }
0x56: {  	v13 =	vld [tilespmem:s0+$0x630]  }
0x57: {  	v14 =	vld [tilespmem:s0+$0x730];
	_ =	sdelay $0x3  }
0x58: {  	v8 =	vmul.f32 v8, v5;
	v9 =	vmul.f32 v12, v6  }
0x59: {  	v10 =	vmul.f32 v13, v4;
	v11 =	vmul.f32 v14, v7;
	_ =	sdelay $0x1  }
0x5a: {  	v8 =	vadd.f32 v9, v8;
	v15 =	vadd.f32 v11, v10;
	_ =	sdelay $0x1  }
0x5b: {  	v8 =	vadd.f32 v15, v8;
	_ =	sdelay $0x1  }
0x5c: {  	[tilespmem:s31+$0x1A430] =	vst v8  }
0x5d: {  	v8 =	vld [tilespmem:s0+$0x440]  }
0x5e: {  	v16 =	vld [tilespmem:s0+$0x540]  }
0x5f: {  	v17 =	vld [tilespmem:s0+$0x640]  }
0x60: {  	v18 =	vld [tilespmem:s0+$0x740];
	_ =	sdelay $0x3  }
0x61: {  	v8 =	vmul.f32 v8, v5;
	v9 =	vmul.f32 v16, v6  }
0x62: {  	v10 =	vmul.f32 v17, v4;
	v11 =	vmul.f32 v18, v7;
	_ =	sdelay $0x1  }
0x63: {  	v8 =	vadd.f32 v9, v8;
	v19 =	vadd.f32 v11, v10;
	_ =	sdelay $0x1  }
0x64: {  	v8 =	vadd.f32 v19, v8;
	_ =	sdelay $0x1  }
0x65: {  	[tilespmem:s31+$0x1A440] =	vst v8  }
0x66: {  	v8 =	vld [tilespmem:s0+$0x450]  }
0x67: {  	v20 =	vld [tilespmem:s0+$0x550]  }
0x68: {  	v21 =	vld [tilespmem:s0+$0x650]  }
0x69: {  	v22 =	vld [tilespmem:s0+$0x750];
	_ =	sdelay $0x3  }
0x6a: {  	v8 =	vmul.f32 v8, v5;
	v9 =	vmul.f32 v20, v6  }
0x6b: {  	v10 =	vmul.f32 v21, v4;
	v11 =	vmul.f32 v22, v7;
	_ =	sdelay $0x1  }
0x6c: {  	v8 =	vadd.f32 v9, v8;
	v23 =	vadd.f32 v11, v10;
	_ =	sdelay $0x1  }
0x6d: {  	v8 =	vadd.f32 v23, v8;
	_ =	sdelay $0x1  }
0x6e: {  	s11 =	sor.u32 $0x1, s30;
	[tilespmem:s31+$0x1A450] =	vst v8  }
0x6f: {  	s9 =	sshll.u32 s11, $0x2;
	v8 =	vld [tilespmem:s0+$0x460]  }
0x70: {  	v32 =	vmov s9;
	s9 =	sor.u32 $0x2, s30;
	v24 =	vld [tilespmem:s0+$0x560]  }
0x71: {  	s8 =	sshll.u32 s9, $0x2;
	v25 =	vld [tilespmem:s0+$0x660]  }
0x72: {  	v35 =	vmov s8;
	v26 =	vld [tilespmem:s0+$0x760]  }
0x73: {  	v13 =	vor.u32 $0x1, v35  }
0x74: {  	v14 =	vor.u32 $0x2, v35  }
0x75: {  	v15 =	vor.u32 $0x3, v35  }
0x76: {  	v8 =	vmul.f32 v8, v5;
	v9 =	vmul.f32 v24, v6  }
0x77: {  	s25 =	sor.u32 $0x3, s30;
	s15 =	sshll.u32 s11, $0xA;
	v10 =	vmul.f32 v25, v4;
	v11 =	vmul.f32 v26, v7  }
0x78: {  	s3 =	sand.u32 $0x3FFFFC00, s15;
	s15 =	sshll.u32 s25, $0x2;
	v13 =	vld.idx.msk [tilespmem:v13+s13+$0x0], $0xffff  }
0x79: {  	v14 =	vld.idx.msk [tilespmem:v14+s13+$0x0], $0xffff;
	v16 =	vmov s15;
	s15 =	sshll.u32 s25, $0xA;
	v8 =	vadd.f32 v9, v8;
	v27 =	vadd.f32 v11, v10  }
0x7a: {  	v15 =	vld.idx.msk [tilespmem:v15+s13+$0x0], $0xffff;
	s8 =	sand.u32 $0x3FFFFC00, s15  }
0x7b: {  	v37 =	vld [tilespmem:s8+$0x400];
	v8 =	vadd.f32 v27, v8  }
0x7c: {  	v38 =	vld [tilespmem:s8+$0x600]  }
0x7d: {  	v39 =	vld [tilespmem:s8+$0x700];
	[tilespmem:s31+$0x1A460] =	vst v8  }
0x7e: {  	v8 =	vld [tilespmem:s0+$0x470]  }
0x7f: {  	v18 =	vor.u32 $0x5, v16;
	v28 =	vld [tilespmem:s0+$0x570]  }
0x80: {  	v29 =	vld [tilespmem:s0+$0x670]  }
0x81: {  	v30 =	vld [tilespmem:s0+$0x770]  }
0x82: {  	v19 =	vld [tilespmem:s3+$0x400]  }
0x83: {  	v17 =	vld.idx.msk [tilespmem:v16+s13+$0x0], $0xffff  }
0x84: {  	v33 =	vor.u32 $0x5, v32;
	v18 =	vld.idx.msk [tilespmem:v18+s13+$0x0], $0xffff  }
0x85: {  	v34 =	vor.u32 $0x6, v32;
	v21 =	vld [tilespmem:s3+$0x500];
	v8 =	vmul.f32 v8, v5;
	v9 =	vmul.f32 v28, v6  }
0x86: {  	s16 =	sshll.u32 s9, $0xA;
	v12 =	vor.u32 $0x7, v32;
	v22 =	vld [tilespmem:s3+$0x600];
	v10 =	vmul.f32 v29, v4;
	v11 =	vmul.f32 v30, v7  }
0x87: {  	s16 =	sand.u32 $0x3FFFFC00, s16;
	v23 =	vld [tilespmem:s3+$0x700]  }
0x88: {  	v24 =	vld [tilespmem:s16+$0x400];
	v8 =	vadd.f32 v9, v8;
	v31 =	vadd.f32 v11, v10  }
0x89: {  	v9 =	vld.idx.msk [tilespmem:v33+s13+$0x0], $0xffff  }
0x8a: {  	v10 =	vld.idx.msk [tilespmem:v34+s13+$0x0], $0xffff;
	v8 =	vadd.f32 v31, v8  }
0x8b: {  	v11 =	vld.idx.msk [tilespmem:v12+s13+$0x0], $0xffff  }
0x8c: {  	v26 =	vor.u32 $0x6, v16;
	[tilespmem:s31+$0x1A470] =	vst v8;
	v8 =	vld.idx.msk [tilespmem:v32+s13+$0x0], $0xffff  }
0x8d: {  	v25 =	vld [tilespmem:s16+$0x500]  }
0x8e: {  	v27 =	vld [tilespmem:s16+$0x600]  }
0x8f: {  	v28 =	vor.u32 $0x7, v16;
	v29 =	vld [tilespmem:s16+$0x700]  }
0x90: {  	v12 =	vld.idx.msk [tilespmem:v35+s13+$0x0], $0xffff;
	v21 =	vmul.f32 v21, v9;
	v22 =	vmul.f32 v22, v10  }
0x91: {  	v16 =	vld.idx.msk [tilespmem:v26+s13+$0x0], $0xffff;
	v23 =	vmul.f32 v23, v11;
	v36 =	vmul.f32 v19, v8  }
0x92: {  	v30 =	vld [tilespmem:s8+$0x500]  }
0x93: {  	v20 =	vld [tilespmem:s0+$0x480];
	v22 =	vadd.f32 v23, v22;
	v21 =	vadd.f32 v21, v36  }
0x94: {  	v25 =	vmul.f32 v25, v13;
	v40 =	vmul.f32 v27, v14;
	v19 =	vld.idx.msk [tilespmem:v28+s13+$0x0], $0xffff  }
0x95: {  	s11 =	sshll.u32 s11, $0x8;
	v41 =	vmul.f32 v29, v15;
	v24 =	vmul.f32 v24, v12;
	v31 =	vld [tilespmem:s0+$0x580];
	v21 =	vadd.f32 v22, v21  }
0x96: {  	s15 =	sand.u32 $0x3FFFFF00, s11;
	v42 =	vld [tilespmem:s0+$0x680]  }
0x97: {  	v32 =	vld [tilespmem:s0+$0x780];
	v43 =	vadd.f32 v25, v24;
	v22 =	vadd.f32 v41, v40;
	[tilespmem:s15+$0x1A400] =	vst v21  }
0x98: {  	v45 =	vmul.f32 v37, v17;
	v46 =	vmul.f32 v30, v18;
	v44 =	vld [tilespmem:s3+$0x410]  }
0x99: {  	s9 =	sshll.u32 s9, $0x8;
	v48 =	vmul.f32 v38, v16;
	v49 =	vmul.f32 v39, v19;
	v21 =	vadd.f32 v22, v43;
	v47 =	vld [tilespmem:s3+$0x510]  }
0x9a: {  	s9 =	sand.u32 $0x3FFFFF00, s9;
	v50 =	vld [tilespmem:s3+$0x610]  }
0x9b: {  	v52 =	vadd.f32 v46, v45;
	v51 =	vld [tilespmem:s3+$0x710];
	v22 =	vadd.f32 v49, v48;
	[tilespmem:s9+$0x1A400] =	vst v21  }
0x9c: {  	v53 =	vld [tilespmem:s16+$0x410]  }
0x9d: {  	s25 =	sshll.u32 s25, $0x8;
	v20 =	vmul.f32 v20, v5;
	v54 =	vmul.f32 v31, v6;
	v55 =	vld [tilespmem:s16+$0x510];
	v21 =	vadd.f32 v22, v52  }
0x9e: {  	s11 =	sand.u32 $0x3FFFFF00, s25;
	v56 =	vmul.f32 v42, v4;
	v57 =	vmul.f32 v32, v7;
	v58 =	vld [tilespmem:s16+$0x610]  }
0x9f: {  	v59 =	vld [tilespmem:s16+$0x710];
	[tilespmem:s11+$0x1A400] =	vst v21;
	v24 =	vmul.f32 v44, v8;
	v28 =	vmul.f32 v47, v9  }
0xa0: {  	v60 =	vmul.f32 v50, v10;
	v61 =	vmul.f32 v51, v11;
	v62 =	vld [tilespmem:s8+$0x410]  }
0xa1: {  	v20 =	vadd.f32 v54, v20;
	v22 =	vadd.f32 v57, v56;
	v63 =	vld [tilespmem:s8+$0x510]  }
0xa2: {  	v33 =	vld [tilespmem:s8+$0x610];
	v24 =	vadd.f32 v28, v24;
	v21 =	vadd.f32 v61, v60  }
0xa3: {  	v20 =	vadd.f32 v22, v20;
	v36 =	vld [tilespmem:s8+$0x710];
	v34 =	vmul.f32 v53, v12;
	v35 =	vmul.f32 v55, v13  }
0xa4: {  	v37 =	vmul.f32 v58, v14;
	v38 =	vmul.f32 v59, v15;
	v21 =	vadd.f32 v21, v24  }
0xa5: {  	[tilespmem:s31+$0x1A480] =	vst v20  }
0xa6: {  	v20 =	vld [tilespmem:s0+$0x490];
	v39 =	vadd.f32 v35, v34;
	v40 =	vadd.f32 v38, v37;
	[tilespmem:s15+$0x1A410] =	vst v21  }
0xa7: {  	v42 =	vmul.f32 v62, v17;
	v25 =	vmul.f32 v63, v18;
	v41 =	vld [tilespmem:s3+$0x420]  }
0xa8: {  	v44 =	vmul.f32 v33, v16;
	v45 =	vmul.f32 v36, v19;
	v21 =	vadd.f32 v40, v39;
	v43 =	vld [tilespmem:s3+$0x520]  }
0xa9: {  	v46 =	vld [tilespmem:s3+$0x620]  }
0xaa: {  	v47 =	vld [tilespmem:s3+$0x720];
	v48 =	vadd.f32 v25, v42;
	v22 =	vadd.f32 v45, v44;
	[tilespmem:s9+$0x1A410] =	vst v21  }
0xab: {  	v49 =	vld [tilespmem:s16+$0x420]  }
0xac: {  	v50 =	vld [tilespmem:s16+$0x520];
	v21 =	vadd.f32 v22, v48  }
0xad: {  	v51 =	vld [tilespmem:s16+$0x620]  }
0xae: {  	v53 =	vld [tilespmem:s16+$0x720];
	[tilespmem:s11+$0x1A410] =	vst v21;
	v23 =	vmul.f32 v41, v8;
	v52 =	vmul.f32 v43, v9  }
0xaf: {  	v54 =	vmul.f32 v46, v10;
	v55 =	vmul.f32 v47, v11;
	v56 =	vld [tilespmem:s8+$0x420]  }
0xb0: {  	v57 =	vld [tilespmem:s8+$0x520]  }
0xb1: {  	v58 =	vld [tilespmem:s8+$0x620];
	v23 =	vadd.f32 v52, v23;
	v21 =	vadd.f32 v55, v54  }
0xb2: {  	v59 =	vld [tilespmem:s8+$0x720];
	v24 =	vmul.f32 v49, v12;
	v25 =	vmul.f32 v50, v13  }
0xb3: {  	v60 =	vld [tilespmem:s0+$0x590];
	v22 =	vmul.f32 v51, v14;
	v61 =	vmul.f32 v53, v15;
	v21 =	vadd.f32 v21, v23  }
0xb4: {  	v62 =	vld [tilespmem:s0+$0x690]  }
0xb5: {  	v63 =	vld [tilespmem:s0+$0x790];
	v33 =	vadd.f32 v25, v24;
	v22 =	vadd.f32 v61, v22;
	[tilespmem:s15+$0x1A420] =	vst v21  }
0xb6: {  	v35 =	vmul.f32 v56, v17;
	v36 =	vmul.f32 v57, v18;
	v34 =	vld [tilespmem:s3+$0x430]  }
0xb7: {  	v38 =	vmul.f32 v58, v16;
	v39 =	vmul.f32 v59, v19;
	v21 =	vadd.f32 v22, v33;
	v37 =	vld [tilespmem:s3+$0x530]  }
0xb8: {  	v40 =	vld [tilespmem:s3+$0x630]  }
0xb9: {  	v41 =	vld [tilespmem:s3+$0x730];
	v42 =	vadd.f32 v36, v35;
	v22 =	vadd.f32 v39, v38;
	[tilespmem:s9+$0x1A420] =	vst v21  }
0xba: {  	v43 =	vld [tilespmem:s16+$0x430]  }
0xbb: {  	v20 =	vmul.f32 v20, v5;
	v44 =	vmul.f32 v60, v6;
	v45 =	vld [tilespmem:s16+$0x530];
	v21 =	vadd.f32 v22, v42  }
0xbc: {  	v46 =	vmul.f32 v62, v4;
	v47 =	vmul.f32 v63, v7;
	v48 =	vld [tilespmem:s16+$0x630]  }
0xbd: {  	v49 =	vld [tilespmem:s16+$0x730];
	[tilespmem:s11+$0x1A420] =	vst v21;
	v23 =	vmul.f32 v34, v8;
	v29 =	vmul.f32 v37, v9  }
0xbe: {  	v50 =	vmul.f32 v40, v10;
	v51 =	vmul.f32 v41, v11;
	v52 =	vld [tilespmem:s8+$0x430]  }
0xbf: {  	v20 =	vadd.f32 v44, v20;
	v22 =	vadd.f32 v47, v46;
	v53 =	vld [tilespmem:s8+$0x530]  }
0xc0: {  	v54 =	vld [tilespmem:s8+$0x630];
	v23 =	vadd.f32 v29, v23;
	v21 =	vadd.f32 v51, v50  }
0xc1: {  	v20 =	vadd.f32 v22, v20;
	v57 =	vld [tilespmem:s8+$0x730];
	v55 =	vmul.f32 v43, v12;
	v56 =	vmul.f32 v45, v13  }
0xc2: {  	v58 =	vmul.f32 v48, v14;
	v59 =	vmul.f32 v49, v15;
	v21 =	vadd.f32 v21, v23  }
0xc3: {  	[tilespmem:s31+$0x1A490] =	vst v20  }
0xc4: {  	v20 =	vld [tilespmem:s0+$0x4A0];
	v60 =	vadd.f32 v56, v55;
	v61 =	vadd.f32 v59, v58;
	[tilespmem:s15+$0x1A430] =	vst v21  }
0xc5: {  	v63 =	vmul.f32 v52, v17;
	v25 =	vmul.f32 v53, v18;
	v62 =	vld [tilespmem:s3+$0x440]  }
0xc6: {  	v33 =	vmul.f32 v54, v16;
	v26 =	vmul.f32 v57, v19;
	v21 =	vadd.f32 v61, v60;
	v32 =	vld [tilespmem:s3+$0x540]  }
0xc7: {  	v34 =	vld [tilespmem:s3+$0x640]  }
0xc8: {  	v35 =	vld [tilespmem:s3+$0x740];
	v36 =	vadd.f32 v25, v63;
	v22 =	vadd.f32 v26, v33;
	[tilespmem:s9+$0x1A430] =	vst v21  }
0xc9: {  	v37 =	vld [tilespmem:s16+$0x440]  }
0xca: {  	v38 =	vld [tilespmem:s16+$0x540];
	v21 =	vadd.f32 v22, v36  }
0xcb: {  	v39 =	vld [tilespmem:s16+$0x640]  }
0xcc: {  	v41 =	vld [tilespmem:s16+$0x740];
	[tilespmem:s11+$0x1A430] =	vst v21;
	v23 =	vmul.f32 v62, v8;
	v40 =	vmul.f32 v32, v9  }
0xcd: {  	v42 =	vmul.f32 v34, v10;
	v43 =	vmul.f32 v35, v11;
	v44 =	vld [tilespmem:s8+$0x440]  }
0xce: {  	v45 =	vld [tilespmem:s8+$0x540]  }
0xcf: {  	v46 =	vld [tilespmem:s8+$0x640];
	v23 =	vadd.f32 v40, v23;
	v21 =	vadd.f32 v43, v42  }
0xd0: {  	v47 =	vld [tilespmem:s8+$0x740];
	v24 =	vmul.f32 v37, v12;
	v25 =	vmul.f32 v38, v13  }
0xd1: {  	v48 =	vld [tilespmem:s0+$0x5A0];
	v22 =	vmul.f32 v39, v14;
	v49 =	vmul.f32 v41, v15;
	v21 =	vadd.f32 v21, v23  }
0xd2: {  	v50 =	vld [tilespmem:s0+$0x6A0]  }
0xd3: {  	v51 =	vld [tilespmem:s0+$0x7A0];
	v52 =	vadd.f32 v25, v24;
	v22 =	vadd.f32 v49, v22;
	[tilespmem:s15+$0x1A440] =	vst v21  }
0xd4: {  	v54 =	vmul.f32 v44, v17;
	v55 =	vmul.f32 v45, v18;
	v53 =	vld [tilespmem:s3+$0x450]  }
0xd5: {  	v57 =	vmul.f32 v46, v16;
	v58 =	vmul.f32 v47, v19;
	v21 =	vadd.f32 v22, v52;
	v56 =	vld [tilespmem:s3+$0x550]  }
0xd6: {  	v59 =	vld [tilespmem:s3+$0x650]  }
0xd7: {  	v60 =	vld [tilespmem:s3+$0x750];
	v61 =	vadd.f32 v55, v54;
	v22 =	vadd.f32 v58, v57;
	[tilespmem:s9+$0x1A440] =	vst v21  }
0xd8: {  	v62 =	vld [tilespmem:s16+$0x450]  }
0xd9: {  	v20 =	vmul.f32 v20, v5;
	v63 =	vmul.f32 v48, v6;
	v36 =	vld [tilespmem:s16+$0x550];
	v21 =	vadd.f32 v22, v61  }
0xda: {  	v37 =	vmul.f32 v50, v4;
	v38 =	vmul.f32 v51, v7;
	v39 =	vld [tilespmem:s16+$0x650]  }
0xdb: {  	v40 =	vld [tilespmem:s16+$0x750];
	[tilespmem:s11+$0x1A440] =	vst v21;
	v23 =	vmul.f32 v53, v8;
	v29 =	vmul.f32 v56, v9  }
0xdc: {  	v41 =	vmul.f32 v59, v10;
	v42 =	vmul.f32 v60, v11;
	v43 =	vld [tilespmem:s8+$0x450]  }
0xdd: {  	v20 =	vadd.f32 v63, v20;
	v22 =	vadd.f32 v38, v37;
	v44 =	vld [tilespmem:s8+$0x550]  }
0xde: {  	v45 =	vld [tilespmem:s8+$0x650];
	v23 =	vadd.f32 v29, v23;
	v21 =	vadd.f32 v42, v41  }
0xdf: {  	v20 =	vadd.f32 v22, v20;
	v48 =	vld [tilespmem:s8+$0x750];
	v46 =	vmul.f32 v62, v12;
	v47 =	vmul.f32 v36, v13  }
0xe0: {  	v49 =	vmul.f32 v39, v14;
	v50 =	vmul.f32 v40, v15;
	v21 =	vadd.f32 v21, v23  }
0xe1: {  	[tilespmem:s31+$0x1A4A0] =	vst v20  }
0xe2: {  	v20 =	vld [tilespmem:s0+$0x4B0];
	v51 =	vadd.f32 v47, v46;
	v52 =	vadd.f32 v50, v49;
	[tilespmem:s15+$0x1A450] =	vst v21  }
0xe3: {  	v54 =	vmul.f32 v43, v17;
	v25 =	vmul.f32 v44, v18;
	v53 =	vld [tilespmem:s3+$0x460]  }
0xe4: {  	v56 =	vmul.f32 v45, v16;
	v26 =	vmul.f32 v48, v19;
	v21 =	vadd.f32 v52, v51;
	v55 =	vld [tilespmem:s3+$0x560]  }
0xe5: {  	v57 =	vld [tilespmem:s3+$0x660]  }
0xe6: {  	v58 =	vld [tilespmem:s3+$0x760];
	v59 =	vadd.f32 v25, v54;
	v22 =	vadd.f32 v26, v56;
	[tilespmem:s9+$0x1A450] =	vst v21  }
0xe7: {  	v60 =	vld [tilespmem:s16+$0x460]  }
0xe8: {  	v61 =	vld [tilespmem:s16+$0x560];
	v21 =	vadd.f32 v22, v59  }
0xe9: {  	v62 =	vld [tilespmem:s16+$0x660]  }
0xea: {  	v33 =	vld [tilespmem:s16+$0x760];
	[tilespmem:s11+$0x1A450] =	vst v21;
	v23 =	vmul.f32 v53, v8;
	v63 =	vmul.f32 v55, v9  }
0xeb: {  	v34 =	vmul.f32 v57, v10;
	v35 =	vmul.f32 v58, v11;
	v36 =	vld [tilespmem:s8+$0x460]  }
0xec: {  	v37 =	vld [tilespmem:s8+$0x560]  }
0xed: {  	v38 =	vld [tilespmem:s8+$0x660];
	v23 =	vadd.f32 v63, v23;
	v21 =	vadd.f32 v35, v34  }
0xee: {  	v39 =	vld [tilespmem:s8+$0x760];
	v24 =	vmul.f32 v60, v12;
	v25 =	vmul.f32 v61, v13  }
0xef: {  	v40 =	vld [tilespmem:s0+$0x5B0];
	v22 =	vmul.f32 v62, v14;
	v41 =	vmul.f32 v33, v15;
	v21 =	vadd.f32 v21, v23  }
0xf0: {  	v42 =	vld [tilespmem:s0+$0x6B0]  }
0xf1: {  	v43 =	vld [tilespmem:s0+$0x7B0];
	v44 =	vadd.f32 v25, v24;
	v22 =	vadd.f32 v41, v22;
	[tilespmem:s15+$0x1A460] =	vst v21  }
0xf2: {  	v46 =	vmul.f32 v36, v17;
	v47 =	vmul.f32 v37, v18;
	v45 =	vld [tilespmem:s3+$0x470]  }
0xf3: {  	v49 =	vmul.f32 v38, v16;
	v50 =	vmul.f32 v39, v19;
	v21 =	vadd.f32 v22, v44;
	v48 =	vld [tilespmem:s3+$0x570]  }
0xf4: {  	v51 =	vld [tilespmem:s3+$0x670]  }
0xf5: {  	v52 =	vld [tilespmem:s3+$0x770];
	v53 =	vadd.f32 v47, v46;
	v22 =	vadd.f32 v50, v49;
	[tilespmem:s9+$0x1A460] =	vst v21  }
0xf6: {  	v54 =	vld [tilespmem:s16+$0x470]  }
0xf7: {  	v20 =	vmul.f32 v20, v5;
	v55 =	vmul.f32 v40, v6;
	v56 =	vld [tilespmem:s16+$0x570];
	v21 =	vadd.f32 v22, v53  }
0xf8: {  	v57 =	vmul.f32 v42, v4;
	v58 =	vmul.f32 v43, v7;
	v59 =	vld [tilespmem:s16+$0x670]  }
0xf9: {  	v60 =	vld [tilespmem:s16+$0x770];
	[tilespmem:s11+$0x1A460] =	vst v21;
	v23 =	vmul.f32 v45, v8;
	v29 =	vmul.f32 v48, v9  }
0xfa: {  	v61 =	vmul.f32 v51, v10;
	v62 =	vmul.f32 v52, v11;
	v63 =	vld [tilespmem:s8+$0x470]  }
0xfb: {  	v20 =	vadd.f32 v55, v20;
	v22 =	vadd.f32 v58, v57;
	v33 =	vld [tilespmem:s8+$0x570]  }
0xfc: {  	v34 =	vld [tilespmem:s8+$0x670];
	v23 =	vadd.f32 v29, v23;
	v21 =	vadd.f32 v62, v61  }
0xfd: {  	v20 =	vadd.f32 v22, v20;
	v37 =	vld [tilespmem:s8+$0x770];
	v35 =	vmul.f32 v54, v12;
	v36 =	vmul.f32 v56, v13  }
0xfe: {  	v38 =	vmul.f32 v59, v14;
	v39 =	vmul.f32 v60, v15;
	v21 =	vadd.f32 v21, v23  }
0xff: {  	[tilespmem:s31+$0x1A4B0] =	vst v20  }
0x100: {  	v20 =	vld [tilespmem:s0+$0x4C0];
	v40 =	vadd.f32 v36, v35;
	v41 =	vadd.f32 v39, v38;
	[tilespmem:s15+$0x1A470] =	vst v21  }
0x101: {  	v43 =	vmul.f32 v63, v17;
	v25 =	vmul.f32 v33, v18;
	v42 =	vld [tilespmem:s3+$0x480]  }
0x102: {  	v45 =	vmul.f32 v34, v16;
	v26 =	vmul.f32 v37, v19;
	v21 =	vadd.f32 v41, v40;
	v44 =	vld [tilespmem:s3+$0x580]  }
0x103: {  	v46 =	vld [tilespmem:s3+$0x680]  }
0x104: {  	v47 =	vld [tilespmem:s3+$0x780];
	v48 =	vadd.f32 v25, v43;
	v22 =	vadd.f32 v26, v45;
	[tilespmem:s9+$0x1A470] =	vst v21  }
0x105: {  	v49 =	vld [tilespmem:s16+$0x480]  }
0x106: {  	v50 =	vld [tilespmem:s16+$0x580];
	v21 =	vadd.f32 v22, v48  }
0x107: {  	v51 =	vld [tilespmem:s16+$0x680]  }
0x108: {  	v53 =	vld [tilespmem:s16+$0x780];
	[tilespmem:s11+$0x1A470] =	vst v21;
	v23 =	vmul.f32 v42, v8;
	v52 =	vmul.f32 v44, v9  }
0x109: {  	v54 =	vmul.f32 v46, v10;
	v55 =	vmul.f32 v47, v11;
	v56 =	vld [tilespmem:s8+$0x480]  }
0x10a: {  	v57 =	vld [tilespmem:s8+$0x580]  }
0x10b: {  	v58 =	vld [tilespmem:s8+$0x680];
	v23 =	vadd.f32 v52, v23;
	v21 =	vadd.f32 v55, v54  }
0x10c: {  	v59 =	vld [tilespmem:s8+$0x780];
	v24 =	vmul.f32 v49, v12;
	v25 =	vmul.f32 v50, v13  }
0x10d: {  	v60 =	vld [tilespmem:s0+$0x5C0];
	v22 =	vmul.f32 v51, v14;
	v61 =	vmul.f32 v53, v15;
	v21 =	vadd.f32 v21, v23  }
0x10e: {  	v62 =	vld [tilespmem:s0+$0x6C0]  }
0x10f: {  	v63 =	vld [tilespmem:s0+$0x7C0];
	v33 =	vadd.f32 v25, v24;
	v22 =	vadd.f32 v61, v22;
	[tilespmem:s15+$0x1A480] =	vst v21  }
0x110: {  	v35 =	vmul.f32 v56, v17;
	v36 =	vmul.f32 v57, v18;
	v34 =	vld [tilespmem:s3+$0x490]  }
0x111: {  	v38 =	vmul.f32 v58, v16;
	v39 =	vmul.f32 v59, v19;
	v21 =	vadd.f32 v22, v33;
	v37 =	vld [tilespmem:s3+$0x590]  }
0x112: {  	v40 =	vld [tilespmem:s3+$0x690]  }
0x113: {  	v41 =	vld [tilespmem:s3+$0x790];
	v42 =	vadd.f32 v36, v35;
	v22 =	vadd.f32 v39, v38;
	[tilespmem:s9+$0x1A480] =	vst v21  }
0x114: {  	v43 =	vld [tilespmem:s16+$0x490]  }
0x115: {  	v20 =	vmul.f32 v20, v5;
	v44 =	vmul.f32 v60, v6;
	v45 =	vld [tilespmem:s16+$0x590];
	v21 =	vadd.f32 v22, v42  }
0x116: {  	v46 =	vmul.f32 v62, v4;
	v47 =	vmul.f32 v63, v7;
	v48 =	vld [tilespmem:s16+$0x690]  }
0x117: {  	v49 =	vld [tilespmem:s16+$0x790];
	[tilespmem:s11+$0x1A480] =	vst v21;
	v23 =	vmul.f32 v34, v8;
	v29 =	vmul.f32 v37, v9  }
0x118: {  	v50 =	vmul.f32 v40, v10;
	v51 =	vmul.f32 v41, v11;
	v52 =	vld [tilespmem:s8+$0x490]  }
0x119: {  	v20 =	vadd.f32 v44, v20;
	v22 =	vadd.f32 v47, v46;
	v53 =	vld [tilespmem:s8+$0x590]  }
0x11a: {  	v54 =	vld [tilespmem:s8+$0x690];
	v23 =	vadd.f32 v29, v23;
	v21 =	vadd.f32 v51, v50  }
0x11b: {  	v20 =	vadd.f32 v22, v20;
	v57 =	vld [tilespmem:s8+$0x790];
	v55 =	vmul.f32 v43, v12;
	v56 =	vmul.f32 v45, v13  }
0x11c: {  	v58 =	vmul.f32 v48, v14;
	v59 =	vmul.f32 v49, v15;
	v21 =	vadd.f32 v21, v23  }
0x11d: {  	[tilespmem:s31+$0x1A4C0] =	vst v20  }
0x11e: {  	v20 =	vld [tilespmem:s0+$0x4D0];
	v60 =	vadd.f32 v56, v55;
	v61 =	vadd.f32 v59, v58;
	[tilespmem:s15+$0x1A490] =	vst v21  }
0x11f: {  	v63 =	vmul.f32 v52, v17;
	v25 =	vmul.f32 v53, v18;
	v62 =	vld [tilespmem:s3+$0x4A0]  }
0x120: {  	v33 =	vmul.f32 v54, v16;
	v26 =	vmul.f32 v57, v19;
	v21 =	vadd.f32 v61, v60;
	v32 =	vld [tilespmem:s3+$0x5A0]  }
0x121: {  	v34 =	vld [tilespmem:s3+$0x6A0]  }
0x122: {  	v35 =	vld [tilespmem:s3+$0x7A0];
	v36 =	vadd.f32 v25, v63;
	v22 =	vadd.f32 v26, v33;
	[tilespmem:s9+$0x1A490] =	vst v21  }
0x123: {  	v37 =	vld [tilespmem:s16+$0x4A0]  }
0x124: {  	v38 =	vld [tilespmem:s16+$0x5A0];
	v21 =	vadd.f32 v22, v36  }
0x125: {  	v39 =	vld [tilespmem:s16+$0x6A0]  }
0x126: {  	v41 =	vld [tilespmem:s16+$0x7A0];
	[tilespmem:s11+$0x1A490] =	vst v21;
	v23 =	vmul.f32 v62, v8;
	v40 =	vmul.f32 v32, v9  }
0x127: {  	v42 =	vmul.f32 v34, v10;
	v43 =	vmul.f32 v35, v11;
	v44 =	vld [tilespmem:s8+$0x4A0]  }
0x128: {  	v45 =	vld [tilespmem:s8+$0x5A0]  }
0x129: {  	v46 =	vld [tilespmem:s8+$0x6A0];
	v23 =	vadd.f32 v40, v23;
	v21 =	vadd.f32 v43, v42  }
0x12a: {  	v47 =	vld [tilespmem:s8+$0x7A0];
	v24 =	vmul.f32 v37, v12;
	v25 =	vmul.f32 v38, v13  }
0x12b: {  	v48 =	vld [tilespmem:s0+$0x5D0];
	v22 =	vmul.f32 v39, v14;
	v49 =	vmul.f32 v41, v15;
	v21 =	vadd.f32 v21, v23  }
0x12c: {  	v50 =	vld [tilespmem:s0+$0x6D0]  }
0x12d: {  	v51 =	vld [tilespmem:s0+$0x7D0];
	v52 =	vadd.f32 v25, v24;
	v22 =	vadd.f32 v49, v22;
	[tilespmem:s15+$0x1A4A0] =	vst v21  }
0x12e: {  	v54 =	vmul.f32 v44, v17;
	v55 =	vmul.f32 v45, v18;
	v53 =	vld [tilespmem:s3+$0x4B0]  }
0x12f: {  	v57 =	vmul.f32 v46, v16;
	v58 =	vmul.f32 v47, v19;
	v21 =	vadd.f32 v22, v52;
	v56 =	vld [tilespmem:s3+$0x5B0]  }
0x130: {  	v59 =	vld [tilespmem:s3+$0x6B0]  }
0x131: {  	v60 =	vld [tilespmem:s3+$0x7B0];
	v61 =	vadd.f32 v55, v54;
	v22 =	vadd.f32 v58, v57;
	[tilespmem:s9+$0x1A4A0] =	vst v21  }
0x132: {  	v62 =	vld [tilespmem:s16+$0x4B0]  }
0x133: {  	v20 =	vmul.f32 v20, v5;
	v63 =	vmul.f32 v48, v6;
	v36 =	vld [tilespmem:s16+$0x5B0];
	v21 =	vadd.f32 v22, v61  }
0x134: {  	v37 =	vmul.f32 v50, v4;
	v38 =	vmul.f32 v51, v7;
	v39 =	vld [tilespmem:s16+$0x6B0]  }
0x135: {  	v40 =	vld [tilespmem:s16+$0x7B0];
	[tilespmem:s11+$0x1A4A0] =	vst v21;
	v23 =	vmul.f32 v53, v8;
	v29 =	vmul.f32 v56, v9  }
0x136: {  	v41 =	vmul.f32 v59, v10;
	v42 =	vmul.f32 v60, v11;
	v43 =	vld [tilespmem:s8+$0x4B0]  }
0x137: {  	v20 =	vadd.f32 v63, v20;
	v22 =	vadd.f32 v38, v37;
	v44 =	vld [tilespmem:s8+$0x5B0]  }
0x138: {  	v45 =	vld [tilespmem:s8+$0x6B0];
	v23 =	vadd.f32 v29, v23;
	v21 =	vadd.f32 v42, v41  }
0x139: {  	v20 =	vadd.f32 v22, v20;
	v48 =	vld [tilespmem:s8+$0x7B0];
	v46 =	vmul.f32 v62, v12;
	v47 =	vmul.f32 v36, v13  }
0x13a: {  	v49 =	vmul.f32 v39, v14;
	v50 =	vmul.f32 v40, v15;
	v21 =	vadd.f32 v21, v23  }
0x13b: {  	[tilespmem:s31+$0x1A4D0] =	vst v20  }
0x13c: {  	v20 =	vld [tilespmem:s0+$0x4E0];
	v51 =	vadd.f32 v47, v46;
	v52 =	vadd.f32 v50, v49;
	[tilespmem:s15+$0x1A4B0] =	vst v21  }
0x13d: {  	v54 =	vmul.f32 v43, v17;
	v25 =	vmul.f32 v44, v18;
	v53 =	vld [tilespmem:s3+$0x4C0]  }
0x13e: {  	v56 =	vmul.f32 v45, v16;
	v26 =	vmul.f32 v48, v19;
	v21 =	vadd.f32 v52, v51;
	v55 =	vld [tilespmem:s3+$0x5C0]  }
0x13f: {  	v57 =	vld [tilespmem:s3+$0x6C0]  }
0x140: {  	v58 =	vld [tilespmem:s3+$0x7C0];
	v59 =	vadd.f32 v25, v54;
	v22 =	vadd.f32 v26, v56;
	[tilespmem:s9+$0x1A4B0] =	vst v21  }
0x141: {  	v60 =	vld [tilespmem:s16+$0x4C0]  }
0x142: {  	v61 =	vld [tilespmem:s16+$0x5C0];
	v21 =	vadd.f32 v22, v59  }
0x143: {  	v62 =	vld [tilespmem:s16+$0x6C0]  }
0x144: {  	v33 =	vld [tilespmem:s16+$0x7C0];
	[tilespmem:s11+$0x1A4B0] =	vst v21;
	v23 =	vmul.f32 v53, v8;
	v63 =	vmul.f32 v55, v9  }
0x145: {  	v34 =	vmul.f32 v57, v10;
	v35 =	vmul.f32 v58, v11;
	v36 =	vld [tilespmem:s8+$0x4C0]  }
0x146: {  	v37 =	vld [tilespmem:s8+$0x5C0]  }
0x147: {  	v38 =	vld [tilespmem:s8+$0x6C0];
	v23 =	vadd.f32 v63, v23;
	v21 =	vadd.f32 v35, v34  }
0x148: {  	v39 =	vld [tilespmem:s8+$0x7C0];
	v24 =	vmul.f32 v60, v12;
	v25 =	vmul.f32 v61, v13  }
0x149: {  	v40 =	vld [tilespmem:s0+$0x5E0];
	v22 =	vmul.f32 v62, v14;
	v41 =	vmul.f32 v33, v15;
	v21 =	vadd.f32 v21, v23  }
0x14a: {  	v42 =	vld [tilespmem:s0+$0x6E0]  }
0x14b: {  	v43 =	vld [tilespmem:s0+$0x7E0];
	v44 =	vadd.f32 v25, v24;
	v22 =	vadd.f32 v41, v22;
	[tilespmem:s15+$0x1A4C0] =	vst v21  }
0x14c: {  	v46 =	vmul.f32 v36, v17;
	v47 =	vmul.f32 v37, v18;
	v45 =	vld [tilespmem:s3+$0x4D0]  }
0x14d: {  	v49 =	vmul.f32 v38, v16;
	v50 =	vmul.f32 v39, v19;
	v21 =	vadd.f32 v22, v44;
	v48 =	vld [tilespmem:s3+$0x5D0]  }
0x14e: {  	v51 =	vld [tilespmem:s3+$0x6D0]  }
0x14f: {  	v52 =	vld [tilespmem:s3+$0x7D0];
	v53 =	vadd.f32 v47, v46;
	v22 =	vadd.f32 v50, v49;
	[tilespmem:s9+$0x1A4C0] =	vst v21  }
0x150: {  	v54 =	vld [tilespmem:s16+$0x4D0]  }
0x151: {  	v20 =	vmul.f32 v20, v5;
	v55 =	vmul.f32 v40, v6;
	v56 =	vld [tilespmem:s16+$0x5D0];
	v21 =	vadd.f32 v22, v53  }
0x152: {  	v57 =	vmul.f32 v42, v4;
	v58 =	vmul.f32 v43, v7;
	v59 =	vld [tilespmem:s16+$0x6D0]  }
0x153: {  	v60 =	vld [tilespmem:s16+$0x7D0];
	[tilespmem:s11+$0x1A4C0] =	vst v21;
	v23 =	vmul.f32 v45, v8;
	v29 =	vmul.f32 v48, v9  }
0x154: {  	v61 =	vmul.f32 v51, v10;
	v62 =	vmul.f32 v52, v11;
	v63 =	vld [tilespmem:s8+$0x4D0]  }
0x155: {  	v20 =	vadd.f32 v55, v20;
	v22 =	vadd.f32 v58, v57;
	v33 =	vld [tilespmem:s8+$0x5D0]  }
0x156: {  	v34 =	vld [tilespmem:s8+$0x6D0];
	v23 =	vadd.f32 v29, v23;
	v21 =	vadd.f32 v62, v61  }
0x157: {  	v20 =	vadd.f32 v22, v20;
	v37 =	vld [tilespmem:s8+$0x7D0];
	v35 =	vmul.f32 v54, v12;
	v36 =	vmul.f32 v56, v13  }
0x158: {  	v38 =	vmul.f32 v59, v14;
	v39 =	vmul.f32 v60, v15;
	v21 =	vadd.f32 v21, v23  }
0x159: {  	[tilespmem:s31+$0x1A4E0] =	vst v20  }
0x15a: {  	v20 =	vld [tilespmem:s0+$0x4F0];
	v40 =	vadd.f32 v36, v35;
	v41 =	vadd.f32 v39, v38;
	[tilespmem:s15+$0x1A4D0] =	vst v21  }
0x15b: {  	v43 =	vmul.f32 v63, v17;
	v25 =	vmul.f32 v33, v18;
	v42 =	vld [tilespmem:s3+$0x4E0]  }
0x15c: {  	v45 =	vmul.f32 v34, v16;
	v26 =	vmul.f32 v37, v19;
	v21 =	vadd.f32 v41, v40;
	v44 =	vld [tilespmem:s3+$0x5E0]  }
0x15d: {  	v46 =	vld [tilespmem:s3+$0x6E0]  }
0x15e: {  	v47 =	vld [tilespmem:s3+$0x7E0];
	v48 =	vadd.f32 v25, v43;
	v22 =	vadd.f32 v26, v45;
	[tilespmem:s9+$0x1A4D0] =	vst v21  }
0x15f: {  	v49 =	vld [tilespmem:s16+$0x4E0]  }
0x160: {  	v50 =	vld [tilespmem:s16+$0x5E0];
	v21 =	vadd.f32 v22, v48  }
0x161: {  	v51 =	vld [tilespmem:s16+$0x6E0]  }
0x162: {  	v53 =	vld [tilespmem:s16+$0x7E0];
	[tilespmem:s11+$0x1A4D0] =	vst v21;
	v23 =	vmul.f32 v42, v8;
	v52 =	vmul.f32 v44, v9  }
0x163: {  	v54 =	vmul.f32 v46, v10;
	v55 =	vmul.f32 v47, v11;
	v56 =	vld [tilespmem:s8+$0x4E0]  }
0x164: {  	v57 =	vld [tilespmem:s8+$0x5E0]  }
0x165: {  	v58 =	vld [tilespmem:s8+$0x6E0];
	v23 =	vadd.f32 v52, v23;
	v21 =	vadd.f32 v55, v54  }
0x166: {  	v59 =	vld [tilespmem:s8+$0x7E0];
	v24 =	vmul.f32 v49, v12;
	v25 =	vmul.f32 v50, v13  }
0x167: {  	v60 =	vld [tilespmem:s0+$0x5F0];
	v22 =	vmul.f32 v51, v14;
	v61 =	vmul.f32 v53, v15;
	v21 =	vadd.f32 v21, v23  }
0x168: {  	v62 =	vld [tilespmem:s0+$0x6F0]  }
0x169: {  	v63 =	vld [tilespmem:s0+$0x7F0];
	v36 =	vadd.f32 v25, v24;
	v22 =	vadd.f32 v61, v22;
	[tilespmem:s15+$0x1A4E0] =	vst v21  }
0x16a: {  	v38 =	vmul.f32 v56, v17;
	v39 =	vmul.f32 v57, v18;
	v37 =	vld [tilespmem:s3+$0x4F0]  }
0x16b: {  	v41 =	vmul.f32 v58, v16;
	v42 =	vmul.f32 v59, v19;
	v21 =	vadd.f32 v22, v36;
	v40 =	vld [tilespmem:s3+$0x5F0]  }
0x16c: {  	v43 =	vld [tilespmem:s3+$0x6F0]  }
0x16d: {  	v44 =	vld [tilespmem:s3+$0x7F0];
	v45 =	vadd.f32 v39, v38;
	v22 =	vadd.f32 v42, v41;
	[tilespmem:s9+$0x1A4E0] =	vst v21  }
0x16e: {  	v46 =	vld [tilespmem:s16+$0x4F0]  }
0x16f: {  	v47 =	vld [tilespmem:s16+$0x5F0];
	v21 =	vadd.f32 v22, v45  }
0x170: {  	v48 =	vld [tilespmem:s16+$0x6F0]  }
0x171: {  	v49 =	vld [tilespmem:s16+$0x7F0];
	[tilespmem:s11+$0x1A4E0] =	vst v21  }
0x172: {  	v21 =	vld [tilespmem:s8+$0x4F0]  }
0x173: {  	v5 =	vmul.f32 v20, v5;
	v6 =	vmul.f32 v60, v6;
	v50 =	vld [tilespmem:s8+$0x5F0]  }
0x174: {  	v4 =	vmul.f32 v62, v4;
	v7 =	vmul.f32 v63, v7;
	v51 =	vld [tilespmem:s8+$0x6F0]  }
0x175: {  	v5 =	vadd.f32 v6, v5;
	v52 =	vld [tilespmem:s8+$0x7F0];
	v53 =	vmul.f32 v37, v8;
	v54 =	vmul.f32 v40, v9  }
0x176: {  	v4 =	vadd.f32 v7, v4;
	v55 =	vmul.f32 v43, v10;
	v56 =	vmul.f32 v44, v11  }
0x177: {  	v6 =	vadd.f32 v54, v53;
	v57 =	vmul.f32 v46, v12;
	v58 =	vmul.f32 v47, v13  }
0x178: {  	v7 =	vadd.f32 v56, v55;
	v59 =	vmul.f32 v48, v14;
	v60 =	vmul.f32 v49, v15  }
0x179: {  	v4 =	vadd.f32 v4, v5;
	v5 =	vmul.f32 v21, v17;
	v61 =	vmul.f32 v50, v18  }
0x17a: {  	v6 =	vadd.f32 v7, v6;
	v62 =	vmul.f32 v51, v16;
	v63 =	vmul.f32 v52, v19  }
0x17b: {  	p0 =	slt.u32 s30, $0x2C;
	v8 =	vadd.f32 v58, v57;
	v9 =	vadd.f32 v60, v59  }
.Ltmp0:
0x17c: {  	v5 =	vadd.f32 v61, v5;
	v7 =	vadd.f32 v63, v62;
	(pc) =	sbr.rel @p0 .LBB2_3-.Ltmp0, $4  }
0x17d: {  	[tilespmem:s31+$0x1A4F0] =	vst v4;
	v4 =	vadd.f32 v9, v8  }
0x17e: {  	[tilespmem:s15+$0x1A4F0] =	vst v6;
	v5 =	vadd.f32 v7, v5  }
0x17f: {  	s31 =	sadd.s32 $0x4, s30;
	[tilespmem:s9+$0x1A4F0] =	vst v4  }
0x180: {  	s30 =	smov.u32 s31;
	[tilespmem:s11+$0x1A4F0] =	vst v5  }
0x181: {  	_ =	sdelay $0x3  }
0x182: {  	v7 =	vld.idx.msk [tilespmem:v0+s13+$0x0], $0xffff  }
0x183: {  	v6 =	vld.idx.msk [tilespmem:v1+s13+$0x0], $0xffff  }
0x184: {  	v4 =	vld.idx.msk [tilespmem:v2+s13+$0x0], $0xffff  }
0x185: {  	v5 =	vld.idx.msk [tilespmem:v3+s13+$0x0], $0xffff  }
0x186: {  	v8 =	vld [tilespmem:$0xC400]  }
0x187: {  	v9 =	vld [tilespmem:$0xC500]  }
0x188: {  	v10 =	vld [tilespmem:$0xC600]  }
0x189: {  	v11 =	vld [tilespmem:$0xC700]  }
0x18a: {  	v12 =	vld [tilespmem:$0xC410]  }
0x18b: {  	v13 =	vld [tilespmem:$0xC510]  }
0x18c: {  	v14 =	vld [tilespmem:$0xC610]  }
0x18d: {  	v15 =	vld [tilespmem:$0xC710]  }
0x18e: {  	v16 =	vld [tilespmem:$0xC420]  }
0x18f: {  	v17 =	vld [tilespmem:$0xC520]  }
0x190: {  	v18 =	vld [tilespmem:$0xC620]  }
0x191: {  	v19 =	vld [tilespmem:$0xC720]  }
0x192: {  	v20 =	vld [tilespmem:$0xC430]  }
0x193: {  	v21 =	vld [tilespmem:$0xC530]  }
0x194: {  	v22 =	vld [tilespmem:$0xC630]  }
0x195: {  	v23 =	vld [tilespmem:$0xC730]  }
0x196: {  	v24 =	vld [tilespmem:$0xC440]  }
0x197: {  	v25 =	vld [tilespmem:$0xC540]  }
0x198: {  	v26 =	vld [tilespmem:$0xC640]  }
0x199: {  	v27 =	vld [tilespmem:$0xC740]  }
0x19a: {  	v28 =	vld [tilespmem:$0xC450]  }
0x19b: {  	v29 =	vld [tilespmem:$0xC550]  }
0x19c: {  	v30 =	vld [tilespmem:$0xC650]  }
0x19d: {  	v31 =	vld [tilespmem:$0xC750]  }
0x19e: {  	v32 =	vld [tilespmem:$0xC460]  }
0x19f: {  	v33 =	vld [tilespmem:$0xC560]  }
0x1a0: {  	v34 =	vld [tilespmem:$0xC660]  }
0x1a1: {  	v35 =	vld [tilespmem:$0xC760]  }
0x1a2: {  	v36 =	vld [tilespmem:$0xC470]  }
0x1a3: {  	v37 =	vld [tilespmem:$0xC570]  }
0x1a4: {  	v38 =	vld [tilespmem:$0xC670];
	v8 =	vmul.f32 v8, v7;
	v9 =	vmul.f32 v9, v6  }
0x1a5: {  	v39 =	vld [tilespmem:$0xC770];
	v10 =	vmul.f32 v10, v4;
	v11 =	vmul.f32 v11, v5  }
0x1a6: {  	v40 =	vld [tilespmem:$0xC480];
	v41 =	vmul.f32 v12, v7;
	v42 =	vmul.f32 v13, v6  }
0x1a7: {  	v13 =	vld [tilespmem:$0xC580];
	v43 =	vmul.f32 v14, v4;
	v44 =	vmul.f32 v15, v5  }
0x1a8: {  	v15 =	vld [tilespmem:$0xC680];
	v45 =	vmul.f32 v16, v7;
	v46 =	vmul.f32 v17, v6  }
0x1a9: {  	v17 =	vld [tilespmem:$0xC780];
	v47 =	vmul.f32 v18, v4;
	v48 =	vmul.f32 v19, v5  }
0x1aa: {  	v19 =	vld [tilespmem:$0xC490];
	v49 =	vmul.f32 v20, v7;
	v50 =	vmul.f32 v21, v6  }
0x1ab: {  	v21 =	vld [tilespmem:$0xC590];
	v51 =	vmul.f32 v22, v4;
	v52 =	vmul.f32 v23, v5  }
0x1ac: {  	v23 =	vld [tilespmem:$0xC690];
	v53 =	vmul.f32 v24, v7;
	v54 =	vmul.f32 v25, v6  }
0x1ad: {  	v16 =	vld [tilespmem:$0xC790];
	v55 =	vmul.f32 v26, v4;
	v56 =	vmul.f32 v27, v5  }
0x1ae: {  	v18 =	vld [tilespmem:$0xC4A0];
	v57 =	vmul.f32 v28, v7;
	v58 =	vmul.f32 v29, v6  }
0x1af: {  	v22 =	vld [tilespmem:$0xC5A0];
	v59 =	vmul.f32 v30, v4;
	v60 =	vmul.f32 v31, v5;
	v8 =	vadd.f32 v9, v8  }
0x1b0: {  	v25 =	vld [tilespmem:$0xC6A0];
	v61 =	vmul.f32 v32, v7;
	v10 =	vadd.f32 v11, v10;
	v9 =	vadd.f32 v42, v41  }
0x1b1: {  	v27 =	vld [tilespmem:$0xC7A0];
	v62 =	vmul.f32 v33, v6;
	v11 =	vadd.f32 v44, v43;
	v12 =	vadd.f32 v46, v45  }
0x1b2: {  	v29 =	vld [tilespmem:$0xC4B0];
	v63 =	vmul.f32 v34, v4;
	v14 =	vadd.f32 v48, v47;
	v20 =	vadd.f32 v58, v57  }
0x1b3: {  	v31 =	vld [tilespmem:$0xC5B0];
	v24 =	vadd.f32 v60, v59;
	v41 =	vmul.f32 v35, v5;
	v43 =	vmul.f32 v36, v7  }
0x1b4: {  	v42 =	vld [tilespmem:$0xC6B0];
	v44 =	vmul.f32 v37, v6;
	v46 =	vmul.f32 v38, v4;
	v26 =	vadd.f32 v62, v61  }
0x1b5: {  	v45 =	vld [tilespmem:$0xC7B0];
	v47 =	vmul.f32 v39, v5;
	v8 =	vadd.f32 v10, v8;
	v9 =	vadd.f32 v11, v9  }
0x1b6: {  	v48 =	vld [tilespmem:$0xC4C0];
	v10 =	vadd.f32 v50, v49;
	v11 =	vadd.f32 v52, v51;
	v51 =	vmul.f32 v40, v7  }
0x1b7: {  	v58 =	vld [tilespmem:$0xC7D0];
	v12 =	vadd.f32 v14, v12;
	v13 =	vmul.f32 v13, v6;
	v15 =	vmul.f32 v15, v4  }
0x1b8: {  	v61 =	vld [tilespmem:$0xC4E0];
	v14 =	vadd.f32 v54, v53;
	v17 =	vmul.f32 v17, v5;
	v19 =	vmul.f32 v19, v7  }
0x1b9: {  	v36 =	vld [tilespmem:$0xC5E0];
	v20 =	vadd.f32 v24, v20;
	v21 =	vmul.f32 v21, v6;
	v16 =	vmul.f32 v16, v5  }
0x1ba: {  	v28 =	vadd.f32 v41, v63;
	v49 =	vld [tilespmem:$0xC5C0];
	v18 =	vmul.f32 v18, v7;
	v57 =	vmul.f32 v22, v6  }
0x1bb: {  	v24 =	vadd.f32 v47, v46;
	v50 =	vld [tilespmem:$0xC6C0];
	v59 =	vmul.f32 v25, v4;
	v60 =	vmul.f32 v27, v5  }
0x1bc: {  	v52 =	vld [tilespmem:$0xC7C0];
	v62 =	vmul.f32 v29, v7;
	v10 =	vadd.f32 v11, v10;
	v11 =	vadd.f32 v56, v55  }
0x1bd: {  	v53 =	vld [tilespmem:$0xC4D0];
	v63 =	vmul.f32 v31, v6;
	v26 =	vadd.f32 v28, v26;
	v13 =	vadd.f32 v13, v51  }
0x1be: {  	v54 =	vld [tilespmem:$0xC5D0];
	v55 =	vmul.f32 v23, v4;
	v15 =	vadd.f32 v17, v15;
	v19 =	vadd.f32 v21, v19  }
0x1bf: {  	v40 =	vld [tilespmem:$0xC6E0];
	v38 =	vmul.f32 v42, v4;
	v39 =	vmul.f32 v45, v5;
	v41 =	vadd.f32 v57, v18  }
0x1c0: {  	v56 =	vld [tilespmem:$0xC6D0];
	v17 =	vadd.f32 v60, v59;
	v46 =	vmul.f32 v48, v7;
	v57 =	vmul.f32 v58, v5  }
0x1c1: {  	[tilespmem:$0x1D400] =	vst v8;
	v42 =	vld [tilespmem:$0xC7E0];
	v58 =	vmul.f32 v61, v7;
	v11 =	vadd.f32 v11, v14;
	v14 =	vadd.f32 v44, v43  }
0x1c2: {  	[tilespmem:$0x1D410] =	vst v9;
	v45 =	vld [tilespmem:$0xC4F0];
	v60 =	vmul.f32 v36, v6;
	v16 =	vadd.f32 v16, v55;
	v43 =	vadd.f32 v63, v62  }
0x1c3: {  	[tilespmem:$0x1D420] =	vst v12;
	v48 =	vld [tilespmem:$0xC5F0];
	v13 =	vadd.f32 v15, v13;
	v44 =	vadd.f32 v39, v38;
	v47 =	vmul.f32 v49, v6  }
0x1c4: {  	[tilespmem:$0x1D450] =	vst v20;
	v51 =	vld [tilespmem:$0xC6F0];
	v8 =	vadd.f32 v17, v41;
	v49 =	vmul.f32 v50, v4;
	v50 =	vmul.f32 v52, v5  }
0x1c5: {  	[tilespmem:$0x1D430] =	vst v10;
	v55 =	vld [tilespmem:$0xC7F0];
	v53 =	vmul.f32 v53, v7;
	v54 =	vmul.f32 v54, v6;
	v63 =	vadd.f32 v60, v58  }
0x1c6: {  	[tilespmem:$0x1D460] =	vst v26;
	v61 =	vmul.f32 v40, v4;
	v14 =	vadd.f32 v24, v14;
	v16 =	vadd.f32 v16, v19  }
0x1c7: {  	[tilespmem:$0x1D440] =	vst v11;
	v9 =	vadd.f32 v44, v43;
	v52 =	vadd.f32 v47, v46;
	v56 =	vmul.f32 v56, v4  }
0x1c8: {  	v10 =	vadd.f32 v50, v49;
	[tilespmem:$0x1D480] =	vst v13;
	v7 =	vmul.f32 v45, v7;
	v6 =	vmul.f32 v48, v6  }
0x1c9: {  	v12 =	vadd.f32 v54, v53;
	[tilespmem:$0x1D4A0] =	vst v8;
	v62 =	vmul.f32 v42, v5;
	v4 =	vmul.f32 v51, v4  }
0x1ca: {  	[tilespmem:$0x1D470] =	vst v14;
	v59 =	vadd.f32 v57, v56;
	v10 =	vadd.f32 v10, v52;
	v5 =	vmul.f32 v55, v5  }
0x1cb: {  	[tilespmem:$0x1D490] =	vst v16;
	v11 =	vadd.f32 v62, v61;
	v6 =	vadd.f32 v6, v7  }
0x1cc: {  	[tilespmem:$0x1D4B0] =	vst v9;
	v12 =	vadd.f32 v59, v12;
	v4 =	vadd.f32 v5, v4  }
0x1cd: {  	[tilespmem:$0x1D4C0] =	vst v10;
	v5 =	vadd.f32 v11, v63  }
0x1ce: {  	s0 =	smul.u32 $0x620, s29;
	[tilespmem:$0x1D4D0] =	vst v12;
	v4 =	vadd.f32 v4, v6  }
0x1cf: {  	[tilespmem:$0x1D4E0] =	vst v5  }
0x1d0: {  	s0 =	sadd.s32 s1, s0;
	[tilespmem:$0x1D4F0] =	vst v4  }
0x1d1: {  	[hbm4b:s0+s2] =	stream.linear.scatter [tilespmem:s23], [sflag:$0x3], $0x3100, $0x38;
	[tilespmem:$0x1D500] =	vst v63  }
0x1d2: {  	s0 =	sadd.s32 $0x2, s29  }
0x1d3: {  	p0 =	sge.u32 s0, s10  }
0x1d4: {  	_ =	swait.ge [sflag:s12], $0x3100;
	s0 =	sshll.u32 @!p0 s0, $0x5  }
0x1d5: {  	[sflag:s12] =	ssyncset.done $0x0;
	s0 =	sand.u32 @!p0 $0x1FFFFFC0, s0  }
0x1d6: {  	s8 =	simm.s32 @!p0 $0x0;
	[sflag:s12] =	ssyncadd.s32 $0xFFFFCF00;
	s3 =	sadd.s32 @!p0 s5, s0  }
0x1d7: {  	[tilespmem:s8], [sflag:$0x3] =	stream.linear.gather @!p0 [hbm4b:s3+s8], $0x100, $0x38;
	[tilespmem:$0x1D500] =	vst v63  }
0x1d8: {  	s3 =	simm.s32 @!p0 $0x3  }
0x1d9: {  	_ =	swait.ge @!p0 [sflag:s3], $0x100  }
0x1da: {  	[sflag:s3] =	ssyncset.done @!p0 $0x0  }
0x1db: {  	s9 =	simm.s32 @!p0 $0x200;
	s0 =	sadd.s32 @!p0 s6, s0;
	[sflag:s3] =	ssyncadd.s32 @!p0 $0xFFFFFF00  }
0x1dc: {  	[tilespmem:s9], [sflag:$0x3] =	stream.linear.gather @!p0 [hbm4b:s0+s8], $0x100, $0x38;
	[tilespmem:$0x1D500] =	vst v63  }
0x1dd: {  	_ =	swait.ge @!p0 [sflag:s3], $0x100  }
0x1de: {  	[sflag:s3] =	ssyncset.done @!p0 $0x0  }
0x1df: {  	s0 =	simm.s32 @!p0 $0x68;
	[sflag:s3] =	ssyncadd.s32 @!p0 $0xFFFFFF00;
	s3 =	simm.s32 @!p0 $0x400  }
0x1e0: {  	[tilespmem:s3], [sflag:$0x1] =	stream.indirect.gather @!p0 [hbm4b:s4+s0], $0x100, s8, s0, $0xb8;
	[tilespmem:$0x1D500] =	vst v63  }
0x1e1: {  	s3 =	simm.s32 @!p0 $0x6C00  }
0x1e2: {  	[tilespmem:s3], [sflag:$0x1] =	stream.indirect.gather @!p0 [hbm4b:s4+s0], $0x100, s0, s0, $0xb8;
	[tilespmem:$0x1D500] =	vst v63  }
0x1e3: {  	_ =	swait.ge [sflag:s24], $0x6800  }
0x1e4: {  	[sflag:s24] =	ssyncset.done $0x0  }
0x1e5: {  	[sflag:s24] =	ssyncadd.s32 $0xFFFF9800  }
0x1e6: {  	_ =	swait.ge [sflag:s24], $0x6800  }
0x1e7: {  	[sflag:s24] =	ssyncset.done $0x0  }
0x1e8: {  	s29 =	simm.s32 $0x0;
	[sflag:s24] =	ssyncadd.s32 $0xFFFF9800  }
.LBB2_5:
0x1e9: {  	s0 =	sshll.u32 s29, $0x2;
	s15 =	sshll.u32 s29, $0xA  }
0x1ea: {  	v4 =	vmov s0;
	s0 =	sand.u32 $0x3FFFFC00, s15  }
0x1eb: {  	v6 =	vor.u32 $0x1, v4;
	v54 =	vld [tilespmem:s0+$0xD400]  }
0x1ec: {  	v7 =	vor.u32 $0x2, v4;
	v9 =	vld [tilespmem:s0+$0xD500]  }
0x1ed: {  	v8 =	vor.u32 $0x3, v4;
	v10 =	vld [tilespmem:s0+$0xD600]  }
0x1ee: {  	v11 =	vld [tilespmem:s0+$0xD700]  }
0x1ef: {  	v5 =	vld.idx.msk [tilespmem:v4+s18+$0x0], $0xffff  }
0x1f0: {  	v6 =	vld.idx.msk [tilespmem:v6+s18+$0x0], $0xffff  }
0x1f1: {  	v4 =	vld.idx.msk [tilespmem:v7+s18+$0x0], $0xffff  }
0x1f2: {  	v7 =	vld.idx.msk [tilespmem:v8+s18+$0x0], $0xffff;
	_ =	sdelay $0x3  }
0x1f3: {  	v8 =	vmul.f32 v54, v5;
	v9 =	vmul.f32 v9, v6  }
0x1f4: {  	v10 =	vmul.f32 v10, v4;
	v11 =	vmul.f32 v11, v7;
	_ =	sdelay $0x1  }
0x1f5: {  	v8 =	vadd.f32 v9, v8;
	v55 =	vadd.f32 v11, v10;
	_ =	sdelay $0x1  }
0x1f6: {  	s3 =	sshll.u32 s29, $0x8;
	v8 =	vadd.f32 v55, v8  }
0x1f7: {  	s30 =	sand.u32 $0x3FFFFF00, s3  }
0x1f8: {  	[tilespmem:s30+$0x1A400] =	vst v8  }
0x1f9: {  	v8 =	vld [tilespmem:s0+$0xD410]  }
0x1fa: {  	v56 =	vld [tilespmem:s0+$0xD510]  }
0x1fb: {  	v57 =	vld [tilespmem:s0+$0xD610]  }
0x1fc: {  	v58 =	vld [tilespmem:s0+$0xD710];
	_ =	sdelay $0x3  }
0x1fd: {  	v8 =	vmul.f32 v8, v5;
	v9 =	vmul.f32 v56, v6  }
0x1fe: {  	v10 =	vmul.f32 v57, v4;
	v11 =	vmul.f32 v58, v7;
	_ =	sdelay $0x1  }
0x1ff: {  	v8 =	vadd.f32 v9, v8;
	v59 =	vadd.f32 v11, v10;
	_ =	sdelay $0x1  }
0x200: {  	v8 =	vadd.f32 v59, v8;
	_ =	sdelay $0x1  }
0x201: {  	[tilespmem:s30+$0x1A410] =	vst v8  }
0x202: {  	v8 =	vld [tilespmem:s0+$0xD420]  }
0x203: {  	v60 =	vld [tilespmem:s0+$0xD520]  }
0x204: {  	v61 =	vld [tilespmem:s0+$0xD620]  }
0x205: {  	v62 =	vld [tilespmem:s0+$0xD720];
	_ =	sdelay $0x3  }
0x206: {  	v8 =	vmul.f32 v8, v5;
	v9 =	vmul.f32 v60, v6  }
0x207: {  	v10 =	vmul.f32 v61, v4;
	v11 =	vmul.f32 v62, v7;
	_ =	sdelay $0x1  }
0x208: {  	v8 =	vadd.f32 v9, v8;
	v63 =	vadd.f32 v11, v10;
	_ =	sdelay $0x1  }
0x209: {  	v8 =	vadd.f32 v63, v8;
	_ =	sdelay $0x1  }
0x20a: {  	[tilespmem:s30+$0x1A420] =	vst v8  }
0x20b: {  	v8 =	vld [tilespmem:s0+$0xD430]  }
0x20c: {  	v12 =	vld [tilespmem:s0+$0xD530]  }
0x20d: {  	v13 =	vld [tilespmem:s0+$0xD630]  }
0x20e: {  	v14 =	vld [tilespmem:s0+$0xD730];
	_ =	sdelay $0x3  }
0x20f: {  	v8 =	vmul.f32 v8, v5;
	v9 =	vmul.f32 v12, v6  }
0x210: {  	v10 =	vmul.f32 v13, v4;
	v11 =	vmul.f32 v14, v7;
	_ =	sdelay $0x1  }
0x211: {  	v8 =	vadd.f32 v9, v8;
	v15 =	vadd.f32 v11, v10;
	_ =	sdelay $0x1  }
0x212: {  	v8 =	vadd.f32 v15, v8;
	_ =	sdelay $0x1  }
0x213: {  	[tilespmem:s30+$0x1A430] =	vst v8  }
0x214: {  	v8 =	vld [tilespmem:s0+$0xD440]  }
0x215: {  	v16 =	vld [tilespmem:s0+$0xD540]  }
0x216: {  	v17 =	vld [tilespmem:s0+$0xD640]  }
0x217: {  	v18 =	vld [tilespmem:s0+$0xD740];
	_ =	sdelay $0x3  }
0x218: {  	v8 =	vmul.f32 v8, v5;
	v9 =	vmul.f32 v16, v6  }
0x219: {  	v10 =	vmul.f32 v17, v4;
	v11 =	vmul.f32 v18, v7;
	_ =	sdelay $0x1  }
0x21a: {  	v8 =	vadd.f32 v9, v8;
	v19 =	vadd.f32 v11, v10;
	_ =	sdelay $0x1  }
0x21b: {  	v8 =	vadd.f32 v19, v8;
	_ =	sdelay $0x1  }
0x21c: {  	[tilespmem:s30+$0x1A440] =	vst v8  }
0x21d: {  	v8 =	vld [tilespmem:s0+$0xD450]  }
0x21e: {  	v20 =	vld [tilespmem:s0+$0xD550]  }
0x21f: {  	v21 =	vld [tilespmem:s0+$0xD650]  }
0x220: {  	v22 =	vld [tilespmem:s0+$0xD750];
	_ =	sdelay $0x3  }
0x221: {  	v8 =	vmul.f32 v8, v5;
	v9 =	vmul.f32 v20, v6  }
0x222: {  	v10 =	vmul.f32 v21, v4;
	v11 =	vmul.f32 v22, v7;
	_ =	sdelay $0x1  }
0x223: {  	v8 =	vadd.f32 v9, v8;
	v23 =	vadd.f32 v11, v10;
	_ =	sdelay $0x1  }
0x224: {  	v8 =	vadd.f32 v23, v8;
	_ =	sdelay $0x1  }
0x225: {  	[tilespmem:s30+$0x1A450] =	vst v8  }
0x226: {  	v8 =	vld [tilespmem:s0+$0xD460]  }
0x227: {  	s9 =	sor.u32 $0x2, s29;
	v24 =	vld [tilespmem:s0+$0xD560]  }
0x228: {  	s8 =	sshll.u32 s9, $0x2;
	v25 =	vld [tilespmem:s0+$0xD660]  }
0x229: {  	v35 =	vmov s8;
	v26 =	vld [tilespmem:s0+$0xD760]  }
0x22a: {  	v13 =	vor.u32 $0x1, v35  }
0x22b: {  	v14 =	vor.u32 $0x2, v35  }
0x22c: {  	s11 =	sor.u32 $0x1, s29;
	v15 =	vor.u32 $0x3, v35  }
0x22d: {  	s25 =	sshll.u32 s11, $0xA;
	v8 =	vmul.f32 v8, v5;
	v9 =	vmul.f32 v24, v6  }
0x22e: {  	s3 =	sand.u32 $0x3FFFFC00, s25;
	s25 =	sor.u32 $0x3, s29;
	v10 =	vmul.f32 v25, v4;
	v11 =	vmul.f32 v26, v7  }
0x22f: {  	s15 =	sshll.u32 s25, $0x2;
	v13 =	vld.idx.msk [tilespmem:v13+s18+$0x0], $0xffff  }
0x230: {  	v14 =	vld.idx.msk [tilespmem:v14+s18+$0x0], $0xffff;
	v16 =	vmov s15;
	s15 =	sshll.u32 s25, $0xA;
	v8 =	vadd.f32 v9, v8;
	v27 =	vadd.f32 v11, v10  }
0x231: {  	v15 =	vld.idx.msk [tilespmem:v15+s18+$0x0], $0xffff;
	s8 =	sand.u32 $0x3FFFFC00, s15  }
0x232: {  	v37 =	vld [tilespmem:s8+$0xD400];
	v8 =	vadd.f32 v27, v8  }
0x233: {  	v38 =	vld [tilespmem:s8+$0xD600]  }
0x234: {  	v39 =	vld [tilespmem:s8+$0xD700];
	[tilespmem:s30+$0x1A460] =	vst v8  }
0x235: {  	v8 =	vld [tilespmem:s0+$0xD470]  }
0x236: {  	v18 =	vor.u32 $0x5, v16;
	v28 =	vld [tilespmem:s0+$0xD570]  }
0x237: {  	v29 =	vld [tilespmem:s0+$0xD670]  }
0x238: {  	v30 =	vld [tilespmem:s0+$0xD770]  }
0x239: {  	s16 =	sshll.u32 s11, $0x2;
	v19 =	vld [tilespmem:s3+$0xD400]  }
0x23a: {  	v32 =	vmov s16;
	v17 =	vld.idx.msk [tilespmem:v16+s18+$0x0], $0xffff  }
0x23b: {  	v33 =	vor.u32 $0x5, v32;
	v18 =	vld.idx.msk [tilespmem:v18+s18+$0x0], $0xffff  }
0x23c: {  	v34 =	vor.u32 $0x6, v32;
	v21 =	vld [tilespmem:s3+$0xD500];
	v8 =	vmul.f32 v8, v5;
	v9 =	vmul.f32 v28, v6  }
0x23d: {  	s31 =	sshll.u32 s9, $0xA;
	v12 =	vor.u32 $0x7, v32;
	v22 =	vld [tilespmem:s3+$0xD600];
	v10 =	vmul.f32 v29, v4;
	v11 =	vmul.f32 v30, v7  }
0x23e: {  	s16 =	sand.u32 $0x3FFFFC00, s31;
	v23 =	vld [tilespmem:s3+$0xD700]  }
0x23f: {  	v24 =	vld [tilespmem:s16+$0xD400];
	v8 =	vadd.f32 v9, v8;
	v31 =	vadd.f32 v11, v10  }
0x240: {  	v9 =	vld.idx.msk [tilespmem:v33+s18+$0x0], $0xffff  }
0x241: {  	v10 =	vld.idx.msk [tilespmem:v34+s18+$0x0], $0xffff;
	v8 =	vadd.f32 v31, v8  }
0x242: {  	v11 =	vld.idx.msk [tilespmem:v12+s18+$0x0], $0xffff  }
0x243: {  	v26 =	vor.u32 $0x6, v16;
	[tilespmem:s30+$0x1A470] =	vst v8;
	v8 =	vld.idx.msk [tilespmem:v32+s18+$0x0], $0xffff  }
0x244: {  	v25 =	vld [tilespmem:s16+$0xD500]  }
0x245: {  	v27 =	vld [tilespmem:s16+$0xD600]  }
0x246: {  	v28 =	vor.u32 $0x7, v16;
	v29 =	vld [tilespmem:s16+$0xD700]  }
0x247: {  	v12 =	vld.idx.msk [tilespmem:v35+s18+$0x0], $0xffff;
	v21 =	vmul.f32 v21, v9;
	v22 =	vmul.f32 v22, v10  }
0x248: {  	v16 =	vld.idx.msk [tilespmem:v26+s18+$0x0], $0xffff;
	v23 =	vmul.f32 v23, v11;
	v36 =	vmul.f32 v19, v8  }
0x249: {  	v30 =	vld [tilespmem:s8+$0xD500]  }
0x24a: {  	v20 =	vld [tilespmem:s0+$0xD480];
	v22 =	vadd.f32 v23, v22;
	v21 =	vadd.f32 v21, v36  }
0x24b: {  	v25 =	vmul.f32 v25, v13;
	v40 =	vmul.f32 v27, v14;
	v19 =	vld.idx.msk [tilespmem:v28+s18+$0x0], $0xffff  }
0x24c: {  	s11 =	sshll.u32 s11, $0x8;
	v41 =	vmul.f32 v29, v15;
	v24 =	vmul.f32 v24, v12;
	v31 =	vld [tilespmem:s0+$0xD580];
	v21 =	vadd.f32 v22, v21  }
0x24d: {  	s31 =	sand.u32 $0x3FFFFF00, s11;
	v42 =	vld [tilespmem:s0+$0xD680]  }
0x24e: {  	v32 =	vld [tilespmem:s0+$0xD780];
	v43 =	vadd.f32 v25, v24;
	v22 =	vadd.f32 v41, v40;
	[tilespmem:s31+$0x1A400] =	vst v21  }
0x24f: {  	v45 =	vmul.f32 v37, v17;
	v46 =	vmul.f32 v30, v18;
	v44 =	vld [tilespmem:s3+$0xD410]  }
0x250: {  	s9 =	sshll.u32 s9, $0x8;
	v48 =	vmul.f32 v38, v16;
	v49 =	vmul.f32 v39, v19;
	v21 =	vadd.f32 v22, v43;
	v47 =	vld [tilespmem:s3+$0xD510]  }
0x251: {  	s9 =	sand.u32 $0x3FFFFF00, s9;
	v50 =	vld [tilespmem:s3+$0xD610]  }
0x252: {  	v52 =	vadd.f32 v46, v45;
	v51 =	vld [tilespmem:s3+$0xD710];
	v22 =	vadd.f32 v49, v48;
	[tilespmem:s9+$0x1A400] =	vst v21  }
0x253: {  	v53 =	vld [tilespmem:s16+$0xD410]  }
0x254: {  	s25 =	sshll.u32 s25, $0x8;
	v20 =	vmul.f32 v20, v5;
	v54 =	vmul.f32 v31, v6;
	v55 =	vld [tilespmem:s16+$0xD510];
	v21 =	vadd.f32 v22, v52  }
0x255: {  	s11 =	sand.u32 $0x3FFFFF00, s25;
	v56 =	vmul.f32 v42, v4;
	v57 =	vmul.f32 v32, v7;
	v58 =	vld [tilespmem:s16+$0xD610]  }
0x256: {  	v59 =	vld [tilespmem:s16+$0xD710];
	[tilespmem:s11+$0x1A400] =	vst v21;
	v24 =	vmul.f32 v44, v8;
	v28 =	vmul.f32 v47, v9  }
0x257: {  	v60 =	vmul.f32 v50, v10;
	v61 =	vmul.f32 v51, v11;
	v62 =	vld [tilespmem:s8+$0xD410]  }
0x258: {  	v20 =	vadd.f32 v54, v20;
	v22 =	vadd.f32 v57, v56;
	v63 =	vld [tilespmem:s8+$0xD510]  }
0x259: {  	v33 =	vld [tilespmem:s8+$0xD610];
	v24 =	vadd.f32 v28, v24;
	v21 =	vadd.f32 v61, v60  }
0x25a: {  	v20 =	vadd.f32 v22, v20;
	v36 =	vld [tilespmem:s8+$0xD710];
	v34 =	vmul.f32 v53, v12;
	v35 =	vmul.f32 v55, v13  }
0x25b: {  	v37 =	vmul.f32 v58, v14;
	v38 =	vmul.f32 v59, v15;
	v21 =	vadd.f32 v21, v24  }
0x25c: {  	[tilespmem:s30+$0x1A480] =	vst v20  }
0x25d: {  	v20 =	vld [tilespmem:s0+$0xD490];
	v39 =	vadd.f32 v35, v34;
	v40 =	vadd.f32 v38, v37;
	[tilespmem:s31+$0x1A410] =	vst v21  }
0x25e: {  	v42 =	vmul.f32 v62, v17;
	v25 =	vmul.f32 v63, v18;
	v41 =	vld [tilespmem:s3+$0xD420]  }
0x25f: {  	v44 =	vmul.f32 v33, v16;
	v45 =	vmul.f32 v36, v19;
	v21 =	vadd.f32 v40, v39;
	v43 =	vld [tilespmem:s3+$0xD520]  }
0x260: {  	v46 =	vld [tilespmem:s3+$0xD620]  }
0x261: {  	v47 =	vld [tilespmem:s3+$0xD720];
	v48 =	vadd.f32 v25, v42;
	v22 =	vadd.f32 v45, v44;
	[tilespmem:s9+$0x1A410] =	vst v21  }
0x262: {  	v49 =	vld [tilespmem:s16+$0xD420]  }
0x263: {  	v50 =	vld [tilespmem:s16+$0xD520];
	v21 =	vadd.f32 v22, v48  }
0x264: {  	v51 =	vld [tilespmem:s16+$0xD620]  }
0x265: {  	v53 =	vld [tilespmem:s16+$0xD720];
	[tilespmem:s11+$0x1A410] =	vst v21;
	v23 =	vmul.f32 v41, v8;
	v52 =	vmul.f32 v43, v9  }
0x266: {  	v54 =	vmul.f32 v46, v10;
	v55 =	vmul.f32 v47, v11;
	v56 =	vld [tilespmem:s8+$0xD420]  }
0x267: {  	v57 =	vld [tilespmem:s8+$0xD520]  }
0x268: {  	v58 =	vld [tilespmem:s8+$0xD620];
	v23 =	vadd.f32 v52, v23;
	v21 =	vadd.f32 v55, v54  }
0x269: {  	v59 =	vld [tilespmem:s8+$0xD720];
	v24 =	vmul.f32 v49, v12;
	v25 =	vmul.f32 v50, v13  }
0x26a: {  	v60 =	vld [tilespmem:s0+$0xD590];
	v22 =	vmul.f32 v51, v14;
	v61 =	vmul.f32 v53, v15;
	v21 =	vadd.f32 v21, v23  }
0x26b: {  	v62 =	vld [tilespmem:s0+$0xD690]  }
0x26c: {  	v63 =	vld [tilespmem:s0+$0xD790];
	v33 =	vadd.f32 v25, v24;
	v22 =	vadd.f32 v61, v22;
	[tilespmem:s31+$0x1A420] =	vst v21  }
0x26d: {  	v35 =	vmul.f32 v56, v17;
	v36 =	vmul.f32 v57, v18;
	v34 =	vld [tilespmem:s3+$0xD430]  }
0x26e: {  	v38 =	vmul.f32 v58, v16;
	v39 =	vmul.f32 v59, v19;
	v21 =	vadd.f32 v22, v33;
	v37 =	vld [tilespmem:s3+$0xD530]  }
0x26f: {  	v40 =	vld [tilespmem:s3+$0xD630]  }
0x270: {  	v41 =	vld [tilespmem:s3+$0xD730];
	v42 =	vadd.f32 v36, v35;
	v22 =	vadd.f32 v39, v38;
	[tilespmem:s9+$0x1A420] =	vst v21  }
0x271: {  	v43 =	vld [tilespmem:s16+$0xD430]  }
0x272: {  	v20 =	vmul.f32 v20, v5;
	v44 =	vmul.f32 v60, v6;
	v45 =	vld [tilespmem:s16+$0xD530];
	v21 =	vadd.f32 v22, v42  }
0x273: {  	v46 =	vmul.f32 v62, v4;
	v47 =	vmul.f32 v63, v7;
	v48 =	vld [tilespmem:s16+$0xD630]  }
0x274: {  	v49 =	vld [tilespmem:s16+$0xD730];
	[tilespmem:s11+$0x1A420] =	vst v21;
	v23 =	vmul.f32 v34, v8;
	v29 =	vmul.f32 v37, v9  }
0x275: {  	v50 =	vmul.f32 v40, v10;
	v51 =	vmul.f32 v41, v11;
	v52 =	vld [tilespmem:s8+$0xD430]  }
0x276: {  	v20 =	vadd.f32 v44, v20;
	v22 =	vadd.f32 v47, v46;
	v53 =	vld [tilespmem:s8+$0xD530]  }
0x277: {  	v54 =	vld [tilespmem:s8+$0xD630];
	v23 =	vadd.f32 v29, v23;
	v21 =	vadd.f32 v51, v50  }
0x278: {  	v20 =	vadd.f32 v22, v20;
	v57 =	vld [tilespmem:s8+$0xD730];
	v55 =	vmul.f32 v43, v12;
	v56 =	vmul.f32 v45, v13  }
0x279: {  	v58 =	vmul.f32 v48, v14;
	v59 =	vmul.f32 v49, v15;
	v21 =	vadd.f32 v21, v23  }
0x27a: {  	[tilespmem:s30+$0x1A490] =	vst v20  }
0x27b: {  	v20 =	vld [tilespmem:s0+$0xD4A0];
	v60 =	vadd.f32 v56, v55;
	v61 =	vadd.f32 v59, v58;
	[tilespmem:s31+$0x1A430] =	vst v21  }
0x27c: {  	v63 =	vmul.f32 v52, v17;
	v25 =	vmul.f32 v53, v18;
	v62 =	vld [tilespmem:s3+$0xD440]  }
0x27d: {  	v33 =	vmul.f32 v54, v16;
	v26 =	vmul.f32 v57, v19;
	v21 =	vadd.f32 v61, v60;
	v32 =	vld [tilespmem:s3+$0xD540]  }
0x27e: {  	v34 =	vld [tilespmem:s3+$0xD640]  }
0x27f: {  	v35 =	vld [tilespmem:s3+$0xD740];
	v36 =	vadd.f32 v25, v63;
	v22 =	vadd.f32 v26, v33;
	[tilespmem:s9+$0x1A430] =	vst v21  }
0x280: {  	v37 =	vld [tilespmem:s16+$0xD440]  }
0x281: {  	v38 =	vld [tilespmem:s16+$0xD540];
	v21 =	vadd.f32 v22, v36  }
0x282: {  	v39 =	vld [tilespmem:s16+$0xD640]  }
0x283: {  	v41 =	vld [tilespmem:s16+$0xD740];
	[tilespmem:s11+$0x1A430] =	vst v21;
	v23 =	vmul.f32 v62, v8;
	v40 =	vmul.f32 v32, v9  }
0x284: {  	v42 =	vmul.f32 v34, v10;
	v43 =	vmul.f32 v35, v11;
	v44 =	vld [tilespmem:s8+$0xD440]  }
0x285: {  	v45 =	vld [tilespmem:s8+$0xD540]  }
0x286: {  	v46 =	vld [tilespmem:s8+$0xD640];
	v23 =	vadd.f32 v40, v23;
	v21 =	vadd.f32 v43, v42  }
0x287: {  	v47 =	vld [tilespmem:s8+$0xD740];
	v24 =	vmul.f32 v37, v12;
	v25 =	vmul.f32 v38, v13  }
0x288: {  	v48 =	vld [tilespmem:s0+$0xD5A0];
	v22 =	vmul.f32 v39, v14;
	v49 =	vmul.f32 v41, v15;
	v21 =	vadd.f32 v21, v23  }
0x289: {  	v50 =	vld [tilespmem:s0+$0xD6A0]  }
0x28a: {  	v51 =	vld [tilespmem:s0+$0xD7A0];
	v52 =	vadd.f32 v25, v24;
	v22 =	vadd.f32 v49, v22;
	[tilespmem:s31+$0x1A440] =	vst v21  }
0x28b: {  	v54 =	vmul.f32 v44, v17;
	v55 =	vmul.f32 v45, v18;
	v53 =	vld [tilespmem:s3+$0xD450]  }
0x28c: {  	v57 =	vmul.f32 v46, v16;
	v58 =	vmul.f32 v47, v19;
	v21 =	vadd.f32 v22, v52;
	v56 =	vld [tilespmem:s3+$0xD550]  }
0x28d: {  	v59 =	vld [tilespmem:s3+$0xD650]  }
0x28e: {  	v60 =	vld [tilespmem:s3+$0xD750];
	v61 =	vadd.f32 v55, v54;
	v22 =	vadd.f32 v58, v57;
	[tilespmem:s9+$0x1A440] =	vst v21  }
0x28f: {  	v62 =	vld [tilespmem:s16+$0xD450]  }
0x290: {  	v20 =	vmul.f32 v20, v5;
	v63 =	vmul.f32 v48, v6;
	v36 =	vld [tilespmem:s16+$0xD550];
	v21 =	vadd.f32 v22, v61  }
0x291: {  	v37 =	vmul.f32 v50, v4;
	v38 =	vmul.f32 v51, v7;
	v39 =	vld [tilespmem:s16+$0xD650]  }
0x292: {  	v40 =	vld [tilespmem:s16+$0xD750];
	[tilespmem:s11+$0x1A440] =	vst v21;
	v23 =	vmul.f32 v53, v8;
	v29 =	vmul.f32 v56, v9  }
0x293: {  	v41 =	vmul.f32 v59, v10;
	v42 =	vmul.f32 v60, v11;
	v43 =	vld [tilespmem:s8+$0xD450]  }
0x294: {  	v20 =	vadd.f32 v63, v20;
	v22 =	vadd.f32 v38, v37;
	v44 =	vld [tilespmem:s8+$0xD550]  }
0x295: {  	v45 =	vld [tilespmem:s8+$0xD650];
	v23 =	vadd.f32 v29, v23;
	v21 =	vadd.f32 v42, v41  }
0x296: {  	v20 =	vadd.f32 v22, v20;
	v48 =	vld [tilespmem:s8+$0xD750];
	v46 =	vmul.f32 v62, v12;
	v47 =	vmul.f32 v36, v13  }
0x297: {  	v49 =	vmul.f32 v39, v14;
	v50 =	vmul.f32 v40, v15;
	v21 =	vadd.f32 v21, v23  }
0x298: {  	[tilespmem:s30+$0x1A4A0] =	vst v20  }
0x299: {  	v20 =	vld [tilespmem:s0+$0xD4B0];
	v51 =	vadd.f32 v47, v46;
	v52 =	vadd.f32 v50, v49;
	[tilespmem:s31+$0x1A450] =	vst v21  }
0x29a: {  	v54 =	vmul.f32 v43, v17;
	v25 =	vmul.f32 v44, v18;
	v53 =	vld [tilespmem:s3+$0xD460]  }
0x29b: {  	v56 =	vmul.f32 v45, v16;
	v26 =	vmul.f32 v48, v19;
	v21 =	vadd.f32 v52, v51;
	v55 =	vld [tilespmem:s3+$0xD560]  }
0x29c: {  	v57 =	vld [tilespmem:s3+$0xD660]  }
0x29d: {  	v58 =	vld [tilespmem:s3+$0xD760];
	v59 =	vadd.f32 v25, v54;
	v22 =	vadd.f32 v26, v56;
	[tilespmem:s9+$0x1A450] =	vst v21  }
0x29e: {  	v60 =	vld [tilespmem:s16+$0xD460]  }
0x29f: {  	v61 =	vld [tilespmem:s16+$0xD560];
	v21 =	vadd.f32 v22, v59  }
0x2a0: {  	v62 =	vld [tilespmem:s16+$0xD660]  }
0x2a1: {  	v33 =	vld [tilespmem:s16+$0xD760];
	[tilespmem:s11+$0x1A450] =	vst v21;
	v23 =	vmul.f32 v53, v8;
	v63 =	vmul.f32 v55, v9  }
0x2a2: {  	v34 =	vmul.f32 v57, v10;
	v35 =	vmul.f32 v58, v11;
	v36 =	vld [tilespmem:s8+$0xD460]  }
0x2a3: {  	v37 =	vld [tilespmem:s8+$0xD560]  }
0x2a4: {  	v38 =	vld [tilespmem:s8+$0xD660];
	v23 =	vadd.f32 v63, v23;
	v21 =	vadd.f32 v35, v34  }
0x2a5: {  	v39 =	vld [tilespmem:s8+$0xD760];
	v24 =	vmul.f32 v60, v12;
	v25 =	vmul.f32 v61, v13  }
0x2a6: {  	v40 =	vld [tilespmem:s0+$0xD5B0];
	v22 =	vmul.f32 v62, v14;
	v41 =	vmul.f32 v33, v15;
	v21 =	vadd.f32 v21, v23  }
0x2a7: {  	v42 =	vld [tilespmem:s0+$0xD6B0]  }
0x2a8: {  	v43 =	vld [tilespmem:s0+$0xD7B0];
	v44 =	vadd.f32 v25, v24;
	v22 =	vadd.f32 v41, v22;
	[tilespmem:s31+$0x1A460] =	vst v21  }
0x2a9: {  	v46 =	vmul.f32 v36, v17;
	v47 =	vmul.f32 v37, v18;
	v45 =	vld [tilespmem:s3+$0xD470]  }
0x2aa: {  	v49 =	vmul.f32 v38, v16;
	v50 =	vmul.f32 v39, v19;
	v21 =	vadd.f32 v22, v44;
	v48 =	vld [tilespmem:s3+$0xD570]  }
0x2ab: {  	v51 =	vld [tilespmem:s3+$0xD670]  }
0x2ac: {  	v52 =	vld [tilespmem:s3+$0xD770];
	v53 =	vadd.f32 v47, v46;
	v22 =	vadd.f32 v50, v49;
	[tilespmem:s9+$0x1A460] =	vst v21  }
0x2ad: {  	v54 =	vld [tilespmem:s16+$0xD470]  }
0x2ae: {  	v20 =	vmul.f32 v20, v5;
	v55 =	vmul.f32 v40, v6;
	v56 =	vld [tilespmem:s16+$0xD570];
	v21 =	vadd.f32 v22, v53  }
0x2af: {  	v57 =	vmul.f32 v42, v4;
	v58 =	vmul.f32 v43, v7;
	v59 =	vld [tilespmem:s16+$0xD670]  }
0x2b0: {  	v60 =	vld [tilespmem:s16+$0xD770];
	[tilespmem:s11+$0x1A460] =	vst v21;
	v23 =	vmul.f32 v45, v8;
	v29 =	vmul.f32 v48, v9  }
0x2b1: {  	v61 =	vmul.f32 v51, v10;
	v62 =	vmul.f32 v52, v11;
	v63 =	vld [tilespmem:s8+$0xD470]  }
0x2b2: {  	v20 =	vadd.f32 v55, v20;
	v22 =	vadd.f32 v58, v57;
	v33 =	vld [tilespmem:s8+$0xD570]  }
0x2b3: {  	v34 =	vld [tilespmem:s8+$0xD670];
	v23 =	vadd.f32 v29, v23;
	v21 =	vadd.f32 v62, v61  }
0x2b4: {  	v20 =	vadd.f32 v22, v20;
	v37 =	vld [tilespmem:s8+$0xD770];
	v35 =	vmul.f32 v54, v12;
	v36 =	vmul.f32 v56, v13  }
0x2b5: {  	v38 =	vmul.f32 v59, v14;
	v39 =	vmul.f32 v60, v15;
	v21 =	vadd.f32 v21, v23  }
0x2b6: {  	[tilespmem:s30+$0x1A4B0] =	vst v20  }
0x2b7: {  	v20 =	vld [tilespmem:s0+$0xD4C0];
	v40 =	vadd.f32 v36, v35;
	v41 =	vadd.f32 v39, v38;
	[tilespmem:s31+$0x1A470] =	vst v21  }
0x2b8: {  	v43 =	vmul.f32 v63, v17;
	v25 =	vmul.f32 v33, v18;
	v42 =	vld [tilespmem:s3+$0xD480]  }
0x2b9: {  	v45 =	vmul.f32 v34, v16;
	v26 =	vmul.f32 v37, v19;
	v21 =	vadd.f32 v41, v40;
	v44 =	vld [tilespmem:s3+$0xD580]  }
0x2ba: {  	v46 =	vld [tilespmem:s3+$0xD680]  }
0x2bb: {  	v47 =	vld [tilespmem:s3+$0xD780];
	v48 =	vadd.f32 v25, v43;
	v22 =	vadd.f32 v26, v45;
	[tilespmem:s9+$0x1A470] =	vst v21  }
0x2bc: {  	v49 =	vld [tilespmem:s16+$0xD480]  }
0x2bd: {  	v50 =	vld [tilespmem:s16+$0xD580];
	v21 =	vadd.f32 v22, v48  }
0x2be: {  	v51 =	vld [tilespmem:s16+$0xD680]  }
0x2bf: {  	v53 =	vld [tilespmem:s16+$0xD780];
	[tilespmem:s11+$0x1A470] =	vst v21;
	v23 =	vmul.f32 v42, v8;
	v52 =	vmul.f32 v44, v9  }
0x2c0: {  	v54 =	vmul.f32 v46, v10;
	v55 =	vmul.f32 v47, v11;
	v56 =	vld [tilespmem:s8+$0xD480]  }
0x2c1: {  	v57 =	vld [tilespmem:s8+$0xD580]  }
0x2c2: {  	v58 =	vld [tilespmem:s8+$0xD680];
	v23 =	vadd.f32 v52, v23;
	v21 =	vadd.f32 v55, v54  }
0x2c3: {  	v59 =	vld [tilespmem:s8+$0xD780];
	v24 =	vmul.f32 v49, v12;
	v25 =	vmul.f32 v50, v13  }
0x2c4: {  	v60 =	vld [tilespmem:s0+$0xD5C0];
	v22 =	vmul.f32 v51, v14;
	v61 =	vmul.f32 v53, v15;
	v21 =	vadd.f32 v21, v23  }
0x2c5: {  	v62 =	vld [tilespmem:s0+$0xD6C0]  }
0x2c6: {  	v63 =	vld [tilespmem:s0+$0xD7C0];
	v33 =	vadd.f32 v25, v24;
	v22 =	vadd.f32 v61, v22;
	[tilespmem:s31+$0x1A480] =	vst v21  }
0x2c7: {  	v35 =	vmul.f32 v56, v17;
	v36 =	vmul.f32 v57, v18;
	v34 =	vld [tilespmem:s3+$0xD490]  }
0x2c8: {  	v38 =	vmul.f32 v58, v16;
	v39 =	vmul.f32 v59, v19;
	v21 =	vadd.f32 v22, v33;
	v37 =	vld [tilespmem:s3+$0xD590]  }
0x2c9: {  	v40 =	vld [tilespmem:s3+$0xD690]  }
0x2ca: {  	v41 =	vld [tilespmem:s3+$0xD790];
	v42 =	vadd.f32 v36, v35;
	v22 =	vadd.f32 v39, v38;
	[tilespmem:s9+$0x1A480] =	vst v21  }
0x2cb: {  	v43 =	vld [tilespmem:s16+$0xD490]  }
0x2cc: {  	v20 =	vmul.f32 v20, v5;
	v44 =	vmul.f32 v60, v6;
	v45 =	vld [tilespmem:s16+$0xD590];
	v21 =	vadd.f32 v22, v42  }
0x2cd: {  	v46 =	vmul.f32 v62, v4;
	v47 =	vmul.f32 v63, v7;
	v48 =	vld [tilespmem:s16+$0xD690]  }
0x2ce: {  	v49 =	vld [tilespmem:s16+$0xD790];
	[tilespmem:s11+$0x1A480] =	vst v21;
	v23 =	vmul.f32 v34, v8;
	v29 =	vmul.f32 v37, v9  }
0x2cf: {  	v50 =	vmul.f32 v40, v10;
	v51 =	vmul.f32 v41, v11;
	v52 =	vld [tilespmem:s8+$0xD490]  }
0x2d0: {  	v20 =	vadd.f32 v44, v20;
	v22 =	vadd.f32 v47, v46;
	v53 =	vld [tilespmem:s8+$0xD590]  }
0x2d1: {  	v54 =	vld [tilespmem:s8+$0xD690];
	v23 =	vadd.f32 v29, v23;
	v21 =	vadd.f32 v51, v50  }
0x2d2: {  	v20 =	vadd.f32 v22, v20;
	v57 =	vld [tilespmem:s8+$0xD790];
	v55 =	vmul.f32 v43, v12;
	v56 =	vmul.f32 v45, v13  }
0x2d3: {  	v58 =	vmul.f32 v48, v14;
	v59 =	vmul.f32 v49, v15;
	v21 =	vadd.f32 v21, v23  }
0x2d4: {  	[tilespmem:s30+$0x1A4C0] =	vst v20  }
0x2d5: {  	v20 =	vld [tilespmem:s0+$0xD4D0];
	v60 =	vadd.f32 v56, v55;
	v61 =	vadd.f32 v59, v58;
	[tilespmem:s31+$0x1A490] =	vst v21  }
0x2d6: {  	v63 =	vmul.f32 v52, v17;
	v25 =	vmul.f32 v53, v18;
	v62 =	vld [tilespmem:s3+$0xD4A0]  }
0x2d7: {  	v33 =	vmul.f32 v54, v16;
	v26 =	vmul.f32 v57, v19;
	v21 =	vadd.f32 v61, v60;
	v32 =	vld [tilespmem:s3+$0xD5A0]  }
0x2d8: {  	v34 =	vld [tilespmem:s3+$0xD6A0]  }
0x2d9: {  	v35 =	vld [tilespmem:s3+$0xD7A0];
	v36 =	vadd.f32 v25, v63;
	v22 =	vadd.f32 v26, v33;
	[tilespmem:s9+$0x1A490] =	vst v21  }
0x2da: {  	v37 =	vld [tilespmem:s16+$0xD4A0]  }
0x2db: {  	v38 =	vld [tilespmem:s16+$0xD5A0];
	v21 =	vadd.f32 v22, v36  }
0x2dc: {  	v39 =	vld [tilespmem:s16+$0xD6A0]  }
0x2dd: {  	v41 =	vld [tilespmem:s16+$0xD7A0];
	[tilespmem:s11+$0x1A490] =	vst v21;
	v23 =	vmul.f32 v62, v8;
	v40 =	vmul.f32 v32, v9  }
0x2de: {  	v42 =	vmul.f32 v34, v10;
	v43 =	vmul.f32 v35, v11;
	v44 =	vld [tilespmem:s8+$0xD4A0]  }
0x2df: {  	v45 =	vld [tilespmem:s8+$0xD5A0]  }
0x2e0: {  	v46 =	vld [tilespmem:s8+$0xD6A0];
	v23 =	vadd.f32 v40, v23;
	v21 =	vadd.f32 v43, v42  }
0x2e1: {  	v47 =	vld [tilespmem:s8+$0xD7A0];
	v24 =	vmul.f32 v37, v12;
	v25 =	vmul.f32 v38, v13  }
0x2e2: {  	v48 =	vld [tilespmem:s0+$0xD5D0];
	v22 =	vmul.f32 v39, v14;
	v49 =	vmul.f32 v41, v15;
	v21 =	vadd.f32 v21, v23  }
0x2e3: {  	v50 =	vld [tilespmem:s0+$0xD6D0]  }
0x2e4: {  	v51 =	vld [tilespmem:s0+$0xD7D0];
	v52 =	vadd.f32 v25, v24;
	v22 =	vadd.f32 v49, v22;
	[tilespmem:s31+$0x1A4A0] =	vst v21  }
0x2e5: {  	v54 =	vmul.f32 v44, v17;
	v55 =	vmul.f32 v45, v18;
	v53 =	vld [tilespmem:s3+$0xD4B0]  }
0x2e6: {  	v57 =	vmul.f32 v46, v16;
	v58 =	vmul.f32 v47, v19;
	v21 =	vadd.f32 v22, v52;
	v56 =	vld [tilespmem:s3+$0xD5B0]  }
0x2e7: {  	v59 =	vld [tilespmem:s3+$0xD6B0]  }
0x2e8: {  	v60 =	vld [tilespmem:s3+$0xD7B0];
	v61 =	vadd.f32 v55, v54;
	v22 =	vadd.f32 v58, v57;
	[tilespmem:s9+$0x1A4A0] =	vst v21  }
0x2e9: {  	v62 =	vld [tilespmem:s16+$0xD4B0]  }
0x2ea: {  	v20 =	vmul.f32 v20, v5;
	v63 =	vmul.f32 v48, v6;
	v36 =	vld [tilespmem:s16+$0xD5B0];
	v21 =	vadd.f32 v22, v61  }
0x2eb: {  	v37 =	vmul.f32 v50, v4;
	v38 =	vmul.f32 v51, v7;
	v39 =	vld [tilespmem:s16+$0xD6B0]  }
0x2ec: {  	v40 =	vld [tilespmem:s16+$0xD7B0];
	[tilespmem:s11+$0x1A4A0] =	vst v21;
	v23 =	vmul.f32 v53, v8;
	v29 =	vmul.f32 v56, v9  }
0x2ed: {  	v41 =	vmul.f32 v59, v10;
	v42 =	vmul.f32 v60, v11;
	v43 =	vld [tilespmem:s8+$0xD4B0]  }
0x2ee: {  	v20 =	vadd.f32 v63, v20;
	v22 =	vadd.f32 v38, v37;
	v44 =	vld [tilespmem:s8+$0xD5B0]  }
0x2ef: {  	v45 =	vld [tilespmem:s8+$0xD6B0];
	v23 =	vadd.f32 v29, v23;
	v21 =	vadd.f32 v42, v41  }
0x2f0: {  	v20 =	vadd.f32 v22, v20;
	v48 =	vld [tilespmem:s8+$0xD7B0];
	v46 =	vmul.f32 v62, v12;
	v47 =	vmul.f32 v36, v13  }
0x2f1: {  	v49 =	vmul.f32 v39, v14;
	v50 =	vmul.f32 v40, v15;
	v21 =	vadd.f32 v21, v23  }
0x2f2: {  	[tilespmem:s30+$0x1A4D0] =	vst v20  }
0x2f3: {  	v20 =	vld [tilespmem:s0+$0xD4E0];
	v51 =	vadd.f32 v47, v46;
	v52 =	vadd.f32 v50, v49;
	[tilespmem:s31+$0x1A4B0] =	vst v21  }
0x2f4: {  	v54 =	vmul.f32 v43, v17;
	v25 =	vmul.f32 v44, v18;
	v53 =	vld [tilespmem:s3+$0xD4C0]  }
0x2f5: {  	v56 =	vmul.f32 v45, v16;
	v26 =	vmul.f32 v48, v19;
	v21 =	vadd.f32 v52, v51;
	v55 =	vld [tilespmem:s3+$0xD5C0]  }
0x2f6: {  	v57 =	vld [tilespmem:s3+$0xD6C0]  }
0x2f7: {  	v58 =	vld [tilespmem:s3+$0xD7C0];
	v59 =	vadd.f32 v25, v54;
	v22 =	vadd.f32 v26, v56;
	[tilespmem:s9+$0x1A4B0] =	vst v21  }
0x2f8: {  	v60 =	vld [tilespmem:s16+$0xD4C0]  }
0x2f9: {  	v61 =	vld [tilespmem:s16+$0xD5C0];
	v21 =	vadd.f32 v22, v59  }
0x2fa: {  	v62 =	vld [tilespmem:s16+$0xD6C0]  }
0x2fb: {  	v33 =	vld [tilespmem:s16+$0xD7C0];
	[tilespmem:s11+$0x1A4B0] =	vst v21;
	v23 =	vmul.f32 v53, v8;
	v63 =	vmul.f32 v55, v9  }
0x2fc: {  	v34 =	vmul.f32 v57, v10;
	v35 =	vmul.f32 v58, v11;
	v36 =	vld [tilespmem:s8+$0xD4C0]  }
0x2fd: {  	v37 =	vld [tilespmem:s8+$0xD5C0]  }
0x2fe: {  	v38 =	vld [tilespmem:s8+$0xD6C0];
	v23 =	vadd.f32 v63, v23;
	v21 =	vadd.f32 v35, v34  }
0x2ff: {  	v39 =	vld [tilespmem:s8+$0xD7C0];
	v24 =	vmul.f32 v60, v12;
	v25 =	vmul.f32 v61, v13  }
0x300: {  	v40 =	vld [tilespmem:s0+$0xD5E0];
	v22 =	vmul.f32 v62, v14;
	v41 =	vmul.f32 v33, v15;
	v21 =	vadd.f32 v21, v23  }
0x301: {  	v42 =	vld [tilespmem:s0+$0xD6E0]  }
0x302: {  	v43 =	vld [tilespmem:s0+$0xD7E0];
	v44 =	vadd.f32 v25, v24;
	v22 =	vadd.f32 v41, v22;
	[tilespmem:s31+$0x1A4C0] =	vst v21  }
0x303: {  	v46 =	vmul.f32 v36, v17;
	v47 =	vmul.f32 v37, v18;
	v45 =	vld [tilespmem:s3+$0xD4D0]  }
0x304: {  	v49 =	vmul.f32 v38, v16;
	v50 =	vmul.f32 v39, v19;
	v21 =	vadd.f32 v22, v44;
	v48 =	vld [tilespmem:s3+$0xD5D0]  }
0x305: {  	v51 =	vld [tilespmem:s3+$0xD6D0]  }
0x306: {  	v52 =	vld [tilespmem:s3+$0xD7D0];
	v53 =	vadd.f32 v47, v46;
	v22 =	vadd.f32 v50, v49;
	[tilespmem:s9+$0x1A4C0] =	vst v21  }
0x307: {  	v54 =	vld [tilespmem:s16+$0xD4D0]  }
0x308: {  	v20 =	vmul.f32 v20, v5;
	v55 =	vmul.f32 v40, v6;
	v56 =	vld [tilespmem:s16+$0xD5D0];
	v21 =	vadd.f32 v22, v53  }
0x309: {  	v57 =	vmul.f32 v42, v4;
	v58 =	vmul.f32 v43, v7;
	v59 =	vld [tilespmem:s16+$0xD6D0]  }
0x30a: {  	v60 =	vld [tilespmem:s16+$0xD7D0];
	[tilespmem:s11+$0x1A4C0] =	vst v21;
	v23 =	vmul.f32 v45, v8;
	v29 =	vmul.f32 v48, v9  }
0x30b: {  	v61 =	vmul.f32 v51, v10;
	v62 =	vmul.f32 v52, v11;
	v63 =	vld [tilespmem:s8+$0xD4D0]  }
0x30c: {  	v20 =	vadd.f32 v55, v20;
	v22 =	vadd.f32 v58, v57;
	v33 =	vld [tilespmem:s8+$0xD5D0]  }
0x30d: {  	v34 =	vld [tilespmem:s8+$0xD6D0];
	v23 =	vadd.f32 v29, v23;
	v21 =	vadd.f32 v62, v61  }
0x30e: {  	v20 =	vadd.f32 v22, v20;
	v37 =	vld [tilespmem:s8+$0xD7D0];
	v35 =	vmul.f32 v54, v12;
	v36 =	vmul.f32 v56, v13  }
0x30f: {  	v38 =	vmul.f32 v59, v14;
	v39 =	vmul.f32 v60, v15;
	v21 =	vadd.f32 v21, v23  }
0x310: {  	[tilespmem:s30+$0x1A4E0] =	vst v20  }
0x311: {  	v20 =	vld [tilespmem:s0+$0xD4F0];
	v40 =	vadd.f32 v36, v35;
	v41 =	vadd.f32 v39, v38;
	[tilespmem:s31+$0x1A4D0] =	vst v21  }
0x312: {  	v43 =	vmul.f32 v63, v17;
	v25 =	vmul.f32 v33, v18;
	v42 =	vld [tilespmem:s3+$0xD4E0]  }
0x313: {  	v45 =	vmul.f32 v34, v16;
	v26 =	vmul.f32 v37, v19;
	v21 =	vadd.f32 v41, v40;
	v44 =	vld [tilespmem:s3+$0xD5E0]  }
0x314: {  	v46 =	vld [tilespmem:s3+$0xD6E0]  }
0x315: {  	v47 =	vld [tilespmem:s3+$0xD7E0];
	v48 =	vadd.f32 v25, v43;
	v22 =	vadd.f32 v26, v45;
	[tilespmem:s9+$0x1A4D0] =	vst v21  }
0x316: {  	v49 =	vld [tilespmem:s16+$0xD4E0]  }
0x317: {  	v50 =	vld [tilespmem:s16+$0xD5E0];
	v21 =	vadd.f32 v22, v48  }
0x318: {  	v51 =	vld [tilespmem:s16+$0xD6E0]  }
0x319: {  	v53 =	vld [tilespmem:s16+$0xD7E0];
	[tilespmem:s11+$0x1A4D0] =	vst v21;
	v23 =	vmul.f32 v42, v8;
	v52 =	vmul.f32 v44, v9  }
0x31a: {  	v54 =	vmul.f32 v46, v10;
	v55 =	vmul.f32 v47, v11;
	v56 =	vld [tilespmem:s8+$0xD4E0]  }
0x31b: {  	v57 =	vld [tilespmem:s8+$0xD5E0]  }
0x31c: {  	v58 =	vld [tilespmem:s8+$0xD6E0];
	v23 =	vadd.f32 v52, v23;
	v21 =	vadd.f32 v55, v54  }
0x31d: {  	v59 =	vld [tilespmem:s8+$0xD7E0];
	v24 =	vmul.f32 v49, v12;
	v25 =	vmul.f32 v50, v13  }
0x31e: {  	v60 =	vld [tilespmem:s0+$0xD5F0];
	v22 =	vmul.f32 v51, v14;
	v61 =	vmul.f32 v53, v15;
	v21 =	vadd.f32 v21, v23  }
0x31f: {  	v62 =	vld [tilespmem:s0+$0xD6F0]  }
0x320: {  	v63 =	vld [tilespmem:s0+$0xD7F0];
	v36 =	vadd.f32 v25, v24;
	v22 =	vadd.f32 v61, v22;
	[tilespmem:s31+$0x1A4E0] =	vst v21  }
0x321: {  	v38 =	vmul.f32 v56, v17;
	v39 =	vmul.f32 v57, v18;
	v37 =	vld [tilespmem:s3+$0xD4F0]  }
0x322: {  	v41 =	vmul.f32 v58, v16;
	v42 =	vmul.f32 v59, v19;
	v21 =	vadd.f32 v22, v36;
	v40 =	vld [tilespmem:s3+$0xD5F0]  }
0x323: {  	v43 =	vld [tilespmem:s3+$0xD6F0]  }
0x324: {  	v44 =	vld [tilespmem:s3+$0xD7F0];
	v45 =	vadd.f32 v39, v38;
	v22 =	vadd.f32 v42, v41;
	[tilespmem:s9+$0x1A4E0] =	vst v21  }
0x325: {  	v46 =	vld [tilespmem:s16+$0xD4F0]  }
0x326: {  	v47 =	vld [tilespmem:s16+$0xD5F0];
	v21 =	vadd.f32 v22, v45  }
0x327: {  	v48 =	vld [tilespmem:s16+$0xD6F0]  }
0x328: {  	v49 =	vld [tilespmem:s16+$0xD7F0];
	[tilespmem:s11+$0x1A4E0] =	vst v21  }
0x329: {  	v21 =	vld [tilespmem:s8+$0xD4F0]  }
0x32a: {  	v5 =	vmul.f32 v20, v5;
	v6 =	vmul.f32 v60, v6;
	v50 =	vld [tilespmem:s8+$0xD5F0]  }
0x32b: {  	v4 =	vmul.f32 v62, v4;
	v7 =	vmul.f32 v63, v7;
	v51 =	vld [tilespmem:s8+$0xD6F0]  }
0x32c: {  	v5 =	vadd.f32 v6, v5;
	v52 =	vld [tilespmem:s8+$0xD7F0];
	v53 =	vmul.f32 v37, v8;
	v54 =	vmul.f32 v40, v9  }
0x32d: {  	v4 =	vadd.f32 v7, v4;
	v55 =	vmul.f32 v43, v10;
	v56 =	vmul.f32 v44, v11  }
0x32e: {  	v6 =	vadd.f32 v54, v53;
	v57 =	vmul.f32 v46, v12;
	v58 =	vmul.f32 v47, v13  }
0x32f: {  	v7 =	vadd.f32 v56, v55;
	v59 =	vmul.f32 v48, v14;
	v60 =	vmul.f32 v49, v15  }
0x330: {  	v4 =	vadd.f32 v4, v5;
	v5 =	vmul.f32 v21, v17;
	v61 =	vmul.f32 v50, v18  }
0x331: {  	v6 =	vadd.f32 v7, v6;
	v62 =	vmul.f32 v51, v16;
	v63 =	vmul.f32 v52, v19  }
0x332: {  	p0 =	slt.u32 s29, $0x2C;
	v8 =	vadd.f32 v58, v57;
	v9 =	vadd.f32 v60, v59  }
.Ltmp1:
0x333: {  	v5 =	vadd.f32 v61, v5;
	v7 =	vadd.f32 v63, v62;
	(pc) =	sbr.rel @p0 .LBB2_5-.Ltmp1, $4  }
0x334: {  	[tilespmem:s30+$0x1A4F0] =	vst v4;
	v4 =	vadd.f32 v9, v8  }
0x335: {  	[tilespmem:s31+$0x1A4F0] =	vst v6;
	v5 =	vadd.f32 v7, v5  }
0x336: {  	s31 =	sadd.s32 $0x4, s29;
	[tilespmem:s9+$0x1A4F0] =	vst v4  }
0x337: {  	s29 =	smov.u32 s31;
	[tilespmem:s11+$0x1A4F0] =	vst v5  }
0x338: {  	_ =	sdelay $0x3  }
0x339: {  	v7 =	vld.idx.msk [tilespmem:v0+s18+$0x0], $0xffff  }
0x33a: {  	v6 =	vld.idx.msk [tilespmem:v1+s18+$0x0], $0xffff  }
0x33b: {  	v4 =	vld.idx.msk [tilespmem:v2+s18+$0x0], $0xffff  }
0x33c: {  	v5 =	vld.idx.msk [tilespmem:v3+s18+$0x0], $0xffff  }
0x33d: {  	v8 =	vld [tilespmem:$0x19400]  }
0x33e: {  	v9 =	vld [tilespmem:$0x19500]  }
0x33f: {  	v10 =	vld [tilespmem:$0x19600]  }
0x340: {  	v11 =	vld [tilespmem:$0x19700]  }
0x341: {  	v12 =	vld [tilespmem:$0x19410]  }
0x342: {  	v13 =	vld [tilespmem:$0x19510]  }
0x343: {  	v14 =	vld [tilespmem:$0x19610]  }
0x344: {  	v15 =	vld [tilespmem:$0x19710]  }
0x345: {  	v16 =	vld [tilespmem:$0x19420]  }
0x346: {  	v17 =	vld [tilespmem:$0x19520]  }
0x347: {  	v18 =	vld [tilespmem:$0x19620]  }
0x348: {  	v19 =	vld [tilespmem:$0x19720]  }
0x349: {  	v20 =	vld [tilespmem:$0x19430]  }
0x34a: {  	v21 =	vld [tilespmem:$0x19530]  }
0x34b: {  	v22 =	vld [tilespmem:$0x19630]  }
0x34c: {  	v23 =	vld [tilespmem:$0x19730]  }
0x34d: {  	v24 =	vld [tilespmem:$0x19440]  }
0x34e: {  	v25 =	vld [tilespmem:$0x19540]  }
0x34f: {  	v26 =	vld [tilespmem:$0x19640]  }
0x350: {  	v27 =	vld [tilespmem:$0x19740]  }
0x351: {  	v28 =	vld [tilespmem:$0x19450]  }
0x352: {  	v29 =	vld [tilespmem:$0x19550]  }
0x353: {  	v30 =	vld [tilespmem:$0x19650]  }
0x354: {  	v31 =	vld [tilespmem:$0x19750]  }
0x355: {  	v32 =	vld [tilespmem:$0x19460]  }
0x356: {  	v33 =	vld [tilespmem:$0x19560]  }
0x357: {  	v34 =	vld [tilespmem:$0x19660]  }
0x358: {  	v35 =	vld [tilespmem:$0x19760]  }
0x359: {  	v36 =	vld [tilespmem:$0x19470]  }
0x35a: {  	v37 =	vld [tilespmem:$0x19570]  }
0x35b: {  	v38 =	vld [tilespmem:$0x19670];
	v8 =	vmul.f32 v8, v7;
	v9 =	vmul.f32 v9, v6  }
0x35c: {  	v39 =	vld [tilespmem:$0x19770];
	v10 =	vmul.f32 v10, v4;
	v11 =	vmul.f32 v11, v5  }
0x35d: {  	v40 =	vld [tilespmem:$0x19480];
	v41 =	vmul.f32 v12, v7;
	v42 =	vmul.f32 v13, v6  }
0x35e: {  	v13 =	vld [tilespmem:$0x19580];
	v43 =	vmul.f32 v14, v4;
	v44 =	vmul.f32 v15, v5  }
0x35f: {  	v15 =	vld [tilespmem:$0x19680];
	v45 =	vmul.f32 v16, v7;
	v46 =	vmul.f32 v17, v6  }
0x360: {  	v17 =	vld [tilespmem:$0x19780];
	v47 =	vmul.f32 v18, v4;
	v48 =	vmul.f32 v19, v5  }
0x361: {  	v19 =	vld [tilespmem:$0x19490];
	v49 =	vmul.f32 v20, v7;
	v50 =	vmul.f32 v21, v6  }
0x362: {  	v21 =	vld [tilespmem:$0x19590];
	v51 =	vmul.f32 v22, v4;
	v52 =	vmul.f32 v23, v5  }
0x363: {  	v23 =	vld [tilespmem:$0x19690];
	v53 =	vmul.f32 v24, v7;
	v54 =	vmul.f32 v25, v6  }
0x364: {  	v16 =	vld [tilespmem:$0x19790];
	v55 =	vmul.f32 v26, v4;
	v56 =	vmul.f32 v27, v5  }
0x365: {  	v18 =	vld [tilespmem:$0x194A0];
	v57 =	vmul.f32 v28, v7;
	v58 =	vmul.f32 v29, v6  }
0x366: {  	v22 =	vld [tilespmem:$0x195A0];
	v59 =	vmul.f32 v30, v4;
	v60 =	vmul.f32 v31, v5;
	v8 =	vadd.f32 v9, v8  }
0x367: {  	v25 =	vld [tilespmem:$0x196A0];
	v61 =	vmul.f32 v32, v7;
	v10 =	vadd.f32 v11, v10;
	v9 =	vadd.f32 v42, v41  }
0x368: {  	v27 =	vld [tilespmem:$0x197A0];
	v62 =	vmul.f32 v33, v6;
	v11 =	vadd.f32 v44, v43;
	v12 =	vadd.f32 v46, v45  }
0x369: {  	v29 =	vld [tilespmem:$0x194B0];
	v63 =	vmul.f32 v34, v4;
	v14 =	vadd.f32 v48, v47;
	v20 =	vadd.f32 v58, v57  }
0x36a: {  	v31 =	vld [tilespmem:$0x195B0];
	v24 =	vadd.f32 v60, v59;
	v41 =	vmul.f32 v35, v5;
	v43 =	vmul.f32 v36, v7  }
0x36b: {  	v42 =	vld [tilespmem:$0x196B0];
	v44 =	vmul.f32 v37, v6;
	v46 =	vmul.f32 v38, v4;
	v26 =	vadd.f32 v62, v61  }
0x36c: {  	v45 =	vld [tilespmem:$0x197B0];
	v47 =	vmul.f32 v39, v5;
	v8 =	vadd.f32 v10, v8;
	v9 =	vadd.f32 v11, v9  }
0x36d: {  	v48 =	vld [tilespmem:$0x194C0];
	v10 =	vadd.f32 v50, v49;
	v11 =	vadd.f32 v52, v51;
	v51 =	vmul.f32 v40, v7  }
0x36e: {  	v58 =	vld [tilespmem:$0x197D0];
	v12 =	vadd.f32 v14, v12;
	v13 =	vmul.f32 v13, v6;
	v15 =	vmul.f32 v15, v4  }
0x36f: {  	v61 =	vld [tilespmem:$0x194E0];
	v14 =	vadd.f32 v54, v53;
	v17 =	vmul.f32 v17, v5;
	v19 =	vmul.f32 v19, v7  }
0x370: {  	v36 =	vld [tilespmem:$0x195E0];
	v20 =	vadd.f32 v24, v20;
	v21 =	vmul.f32 v21, v6;
	v16 =	vmul.f32 v16, v5  }
0x371: {  	v28 =	vadd.f32 v41, v63;
	v49 =	vld [tilespmem:$0x195C0];
	v18 =	vmul.f32 v18, v7;
	v57 =	vmul.f32 v22, v6  }
0x372: {  	v24 =	vadd.f32 v47, v46;
	v50 =	vld [tilespmem:$0x196C0];
	v59 =	vmul.f32 v25, v4;
	v60 =	vmul.f32 v27, v5  }
0x373: {  	v52 =	vld [tilespmem:$0x197C0];
	v62 =	vmul.f32 v29, v7;
	v10 =	vadd.f32 v11, v10;
	v11 =	vadd.f32 v56, v55  }
0x374: {  	v53 =	vld [tilespmem:$0x194D0];
	v63 =	vmul.f32 v31, v6;
	v26 =	vadd.f32 v28, v26;
	v13 =	vadd.f32 v13, v51  }
0x375: {  	v54 =	vld [tilespmem:$0x195D0];
	v55 =	vmul.f32 v23, v4;
	v15 =	vadd.f32 v17, v15;
	v19 =	vadd.f32 v21, v19  }
0x376: {  	v40 =	vld [tilespmem:$0x196E0];
	v38 =	vmul.f32 v42, v4;
	v39 =	vmul.f32 v45, v5;
	v41 =	vadd.f32 v57, v18  }
0x377: {  	v56 =	vld [tilespmem:$0x196D0];
	v17 =	vadd.f32 v60, v59;
	v46 =	vmul.f32 v48, v7;
	v57 =	vmul.f32 v58, v5  }
0x378: {  	[tilespmem:$0x1D400] =	vst v8;
	v42 =	vld [tilespmem:$0x197E0];
	v58 =	vmul.f32 v61, v7;
	v11 =	vadd.f32 v11, v14;
	v14 =	vadd.f32 v44, v43  }
0x379: {  	[tilespmem:$0x1D410] =	vst v9;
	v45 =	vld [tilespmem:$0x194F0];
	v60 =	vmul.f32 v36, v6;
	v16 =	vadd.f32 v16, v55;
	v43 =	vadd.f32 v63, v62  }
0x37a: {  	[tilespmem:$0x1D420] =	vst v12;
	v48 =	vld [tilespmem:$0x195F0];
	v13 =	vadd.f32 v15, v13;
	v44 =	vadd.f32 v39, v38;
	v47 =	vmul.f32 v49, v6  }
0x37b: {  	[tilespmem:$0x1D450] =	vst v20;
	v51 =	vld [tilespmem:$0x196F0];
	v8 =	vadd.f32 v17, v41;
	v49 =	vmul.f32 v50, v4;
	v50 =	vmul.f32 v52, v5  }
0x37c: {  	[tilespmem:$0x1D430] =	vst v10;
	v55 =	vld [tilespmem:$0x197F0];
	v53 =	vmul.f32 v53, v7;
	v54 =	vmul.f32 v54, v6;
	v63 =	vadd.f32 v60, v58  }
0x37d: {  	[tilespmem:$0x1D460] =	vst v26;
	v61 =	vmul.f32 v40, v4;
	v14 =	vadd.f32 v24, v14;
	v16 =	vadd.f32 v16, v19  }
0x37e: {  	[tilespmem:$0x1D440] =	vst v11;
	v9 =	vadd.f32 v44, v43;
	v52 =	vadd.f32 v47, v46;
	v56 =	vmul.f32 v56, v4  }
0x37f: {  	v10 =	vadd.f32 v50, v49;
	[tilespmem:$0x1D480] =	vst v13;
	v7 =	vmul.f32 v45, v7;
	v6 =	vmul.f32 v48, v6  }
0x380: {  	v12 =	vadd.f32 v54, v53;
	[tilespmem:$0x1D4A0] =	vst v8;
	v62 =	vmul.f32 v42, v5;
	v4 =	vmul.f32 v51, v4  }
0x381: {  	[tilespmem:$0x1D470] =	vst v14;
	v59 =	vadd.f32 v57, v56;
	v10 =	vadd.f32 v10, v52;
	v5 =	vmul.f32 v55, v5  }
0x382: {  	[tilespmem:$0x1D490] =	vst v16;
	v11 =	vadd.f32 v62, v61;
	v6 =	vadd.f32 v6, v7  }
0x383: {  	[tilespmem:$0x1D4B0] =	vst v9;
	v12 =	vadd.f32 v59, v12;
	v4 =	vadd.f32 v5, v4  }
0x384: {  	[tilespmem:$0x1D4C0] =	vst v10;
	v5 =	vadd.f32 v11, v63  }
0x385: {  	s0 =	smul.u32 $0x620, s28;
	s26 =	sadd.s32 $0x1, s26;
	[tilespmem:$0x1D4D0] =	vst v12;
	v4 =	vadd.f32 v4, v6  }
0x386: {  	p0 =	sne.s32 s26, $0x10;
	[tilespmem:$0x1D4E0] =	vst v5  }
.Ltmp2:
0x387: {  	s0 =	sadd.s32 s1, s0;
	[tilespmem:$0x1D4F0] =	vst v4;
	(pc) =	sbr.rel @p0 .LBB2_2-.Ltmp2, $4  }
0x388: {  	[hbm4b:s0+s2] =	stream.linear.scatter [tilespmem:s23], [sflag:$0x3], $0x3100, $0x38;
	[tilespmem:$0x1D500] =	vst v63  }
0x389: {  	_ =	swait.ge [sflag:s12], $0x3100  }
0x38a: {  	[sflag:s12] =	ssyncset.done $0x0  }
0x38b: {  	[sflag:s12] =	ssyncadd.s32 $0xFFFFCF00  }
0x38c: {  	s3 =	rddreg [dreg:$0x6]  }
0x38d: {  	s0 =	rddreg [dreg:$0x5];
	s3 =	sadd.s32 $0x1, s3  }
0x38e: {  	p0 =	sne.s32 s3, s0  }
.Ltmp3:
0x38f: {  	_ = 	snop;
	(pc) =	sbr.rel @p0 .LBB2_1-.Ltmp3, $1  }
0x390: {  	_ =	sdelay $0x3  }
0x391: {  	_ =	sfence.sel $0x180000  }
0x392: {  	[bflag:$0x0] =	sbarrier.arrive $0xFFFF  }
0x393: {  	_ =	strace $0x9000004A  }
0x394: {  	s0 =	stileid.u32;
	[bflag:$0x2] =	sbarrier.arrive $0xFFFF  }
0x395: {  	p0 =	sne.s32 s0, $0x0;
	s0 =	rddreg [dreg:$0x2]  }
0x396: {  	s0 =	sadd.s32 @!p0 $0x100000, s0  }
0x397: {  	[sflag:s0] =	ssyncadd.tile.s32 @!p0 $0x1;
	_ =	shalt  }
.Lfunc_end2:
_tile_overlayer_lowered:
.L_overlay_start_2:
0x398: {  	(tag) =	ssettag $0x2  }
0x399: {  	s0 =	rddreg [dreg:$0x0];
	s2 =	stileid.u32  }
0x39a: {  	s1 =	rddreg [dreg:$0x1];
	p0 =	sne.s32 s2, $0x0  }
0x39b: {  	s3 =	rddreg [dreg:$0x2];
	[bflag:$0x3] =	sbarrier.arrive $0xFFFF;
	s2 =	simm.s32 @!p0 $0x1C03  }
0x39c: {  	[timem:s3], [sflag:s2] =	dma.local @!p0 [hbm:s0], s1  }
0x39d: {  	s0 =	simm.s32 @!p0 $0x3  }
0x39e: {  	_ =	swait.ge @!p0 [sflag:s0], s1  }
0x39f: {  	s1 =	ssub.s32 @!p0 $0x0, s1;
	[sflag:s0] =	ssyncset.done @!p0 $0x0  }
0x3a0: {  	[sflag:s0] =	ssyncadd.s32 @!p0 s1  }
0x3a1: {  	[bflag:$0x3] =	sbarrier.arrive $0xFFFF  }
0x3a2: {  	_ =	shalt  }

// kernel: sparse-core-data-format-call.1.cloned.1.call-start
scs
called_computation.1_lowered:
.L_overlay_start_0:
0x0: {  	s2 =	sld [smem:$0x3FD9]  }
0x1: {  	s3 =	sld [smem:$0x3FFE];
	_ =	sdelay $0x1  }
0x2: {  	s1 =	srdreg.scid  }
0x3: {  	s0 =	sand.u32 $0x1, s1  }
0x4: {  	s18 =	sshll.u32 s0, $0xA;
	s2 =	sadd.s32 s3, s2  }
0x5: {  	s2 =	sadd.s32 s2, s18  }
0x6: {  	[smem:$0x3FC2] =	sst s2  }
0x7: {  	_ = 	snop  }
0x8: {  	s2 =	sld [smem:$0x3FD0];
	(tm) =	ssettm $0x1  }
0x9: {  	s19 =	sld [smem:$0x3FFB];
	_ =	sdelay $0x3  }
0xa: {  	_ =	strace s19  }
0xb: {  	s3 =	sld [smem:$0x3FFC];
	_ =	sdelay $0x3  }
0xc: {  	_ =	strace s3  }
0xd: {  	s3 =	sld [smem:$0x3FFD];
	_ =	sdelay $0x3  }
0xe: {  	_ =	strace s3  }
0xf: {  	_ =	strace $0x8FFFFFFF  }
0x10: {  	s20 =	sld [smem:$0x3FDB];
	_ =	sdelay $0x1  }
0x11: {  	s4 =	simm.s32 $_scs_section_size  }
0x12: {  	s5 =	simm.s32 $_size__tile_overlayer_lowered;
	s6 =	simm.s32 $_tile_overlayer_lowered  }
0x13: {  	s23 =	simm.s32 $0x1BFF;
	s22 =	sshll.u32 s6, $0x1;
	s3 =	sadd.s32 s4, s20  }
0x14: {  	s7 =	simm.s32 $0x0;
	s21 =	sshll.u32 s5, $0x1;
	s5 =	sadd.s32 s22, s3  }
0x15: {  	[timem:s7], [sflag:s23] =	dma.local [hbm:s5], s21  }
0x16: {  	_ =	swait.ge [sflag:s23], s21  }
0x17: {  	s4 =	ssub.s32 $0x0, s21;
	[sflag:s23] =	ssyncset.done $0x0  }
0x18: {  	[sflag:s23] =	ssyncadd.s32 s4;
	_ =	sdelay $0x1  }
0x19: {  	s24 =	simm.s32 $0x1B8B  }
0x1a: {  	_ =	swait.ge [sflag:s24], $0x1  }
0x1b: {  	[sflag:s24] =	ssyncset.done $0x0  }
0x1c: {  	s26 =	simm.s32 $0x1B8E;
	s25 =	sld [smem:$0x3FFE];
	[sflag:s24] =	ssyncadd.s32 $0xFFFFFFFF  }
0x1d: {  	s27 =	simm.s32 $execute0_lowered;
	[smem:$0x3FD2] =	sst s26  }
0x1e: {  	s5 =	sshll.u32 s27, $0x1;
	_ =	strace $0x80000046;
	[dreg:$0x1] =	wrdreg $0xFFFFFFFF  }
0x1f: {  	s28 =	simm.s32 $_size_execute0_lowered;
	s3 =	sadd.s32 s3, s5;
	[dreg:$0x0] =	wrdreg $0x0  }
0x20: {  	s5 =	sshll.u32 s28, $0x1;
	[dreg:$0x2] =	wrdreg s3  }
0x21: {  	[dreg:$0x3] =	wrdreg s5  }
0x22: {  	[dreg:$0x4] =	wrdreg $0xC0  }
0x23: {  	_ =	task [dreg:s7], $0x5FFFF  }
0x24: {  	[dreg:$0x1] =	wrdreg $0xFFFFFFFF  }
0x25: {  	[dreg:$0x0] =	wrdreg $0x60  }
0x26: {  	[dreg:$0x2] =	wrdreg s2  }
0x27: {  	[dreg:$0x3] =	wrdreg s25  }
0x28: {  	[dreg:$0x4] =	wrdreg $0x9  }
0x29: {  	_ =	task.clear_ibuf [dreg:s7], $0x5FFFF;
	_ =	strace $0x90000046  }
0x2a: {  	s29 =	simm.s32 $0x9;
	_ =	strace $0x80000048  }
0x2b: {  	_ =	swait.ge [sflag:s29], $0x1  }
0x2c: {  	[sflag:s29] =	ssyncadd.s32 $0xFFFFFFFF  }
0x2d: {  	_ =	strace $0x90000048  }
0x2e: {  	_ =	sfence  }
0x2f: {  	s30 =	sld [smem:$0x0];
	_ =	sdelay $0x2  }
0x30: {  	s31 =	sshll.u32 s1, $0xD;
	s1 =	sshrl.u32 s1, $0x2  }
0x31: {  	s3 =	sand.u32 $0x4000, s31;
	s1 =	sadd.s32 s1, s30  }
0x32: {  	s0 =	sor.u32 s3, s0;
	s1 =	sshll.u32 s1, $0x11  }
0x33: {  	s0 =	sor.u32 s1, s0  }
0x34: {  	s0 =	sadd.s32 $0x8F2B, s0  }
0x35: {  	[sflag:s0] =	ssyncadd.remote.s32 $0x1  }
0x36: {  	_ =	sfence.sel $0xFFFF  }
0x37: {  	[dreg:$0x0] =	wrdreg $0xFFFFFFFF;
	(pc) =	sbr.abs _section_cstart, $3  }
0x38: {  	[dreg:$0x1] =	wrdreg $0xFFFFFFFF  }
0x39: {  	_ =	task.clear_ibuf [dreg:s7], $0x2FFFF;
	_ =	strace $0x9FFFFFFF  }
0x3a: {  	(tm) =	ssettm $0x7FFFFFFF  }
0x3b: {  	_ =	shalt  }
tec
execute0_lowered:
.L_overlay_start_1:
0x0: {  	(tag) =	ssettag $0x1  }
0x1: {  	s0 =	srdreg.scid  }
0x2: {  	s1 =	sshll.u32 s0, $0x4  }
0x3: {  	s2 =	rddreg [dreg:$0x0];
	s0 =	stileid.u32;
	s1 =	sand.u32 $0x10, s1  }
0x4: {  	s4 =	rddreg [dreg:$0x1];
	s7 =	simm.s32 $0x1;
	s1 =	sor.u32 s0, s1  }
0x5: {  	s8 =	simm.s32 $0x2;
	s9 =	simm.s32 $0x0;
	s3 =	sshll.u32 s1, $0x3  }
0x6: {  	s12 =	simm.s32 $0x0;
	s11 =	simm.s32 $0x0;
	s6 =	ssub.s32 $0x1540, s3  }
.Ltmp0:
0x7: {  	s4 =	sadd.s32 $0x1400, s4;
	s5 =	sand.u32 $0xF8, s6;
	(pc) =	sbr.rel .LBB1_1-.Ltmp0, $4  }
0x8: {  	s1 =	rddreg [dreg:$0x2];
	_ =	strace $0x80000047;
	p0 =	sne.s32 s5, $0x0  }
0x9: {  	s6 =	sshrl.u32 s6, $0x8;
	s5 =	simm.s32 $0x1;
	s7 =	simm.s32 @!p0 $0x0  }
0xa: {  	s10 =	smov.u32 s3;
	[sflag:s5] =	ssyncpa.u1 $0x0;
	s6 =	sadd.s32 s7, s6  }
0xb: {  	[sflag:s8] =	ssyncpa.u1 $0x0;
	s8 =	simm.s32 $0x0;
	s7 =	sadd.s32 $0x1, s6  }
.LBB1_9:
0xc: {  	s14 =	sadd.s32 $0x100, s10  }
0xd: {  	p1 =	sgt.s32 s14, $0x153F  }
0xe: {  	s14 =	smov.u32 @p1 s3;
	p1 =	sne.s32 s11, s7  }
.Ltmp1:
0xf: {  	p0 =	slt.u32 s11, $0x2;
	(pc) =	sbr.rel @!p1 .LBB1_10-.Ltmp1, $4  }
0x10: {  	s13 =	simm.s32 @!p0 $0x2  }
0x11: {  	s15 =	sadd.s32 $0x1, s11;
	_ =	swait.ge @!p0 [sflag:s13], $0x4000  }
0x12: {  	s12 =	smov.u32 s10;
	s9 =	sadd.s32 $0x4000, s9;
	[sflag:s13] =	ssyncset.done @!p0 $0x0  }
0x13: {  	s11 =	smov.u32 s15;
	s10 =	smov.u32 s14;
	[sflag:s13] =	ssyncadd.s32 @!p0 $0xFFFFC000  }
.LBB1_1:
0x14: {  	p0 =	sge.u32 s11, s6  }
0x15: {  	s13 =	sxor.u32 @!p0 $0xFFFFFFFF, s11  }
0x16: {  	s31 =	sadd.s32 $0xFFFFFFFF, s11;
	s14 =	sshll.u32 @!p0 s10, $0x8;
	s13 =	sshll.u32 @!p0 s13, $0xE  }
0x17: {  	s15 =	simm.s32 @!p0 $0x0;
	s14 =	sadd.s32 @!p0 s2, s14;
	s13 =	sand.u32 @!p0 $0x4000, s13  }
0x18: {  	[tilespmem:s13], [sflag:$0x1] =	stream.linear.gather @!p0 [hbm4b:s14+s15], $0x4000, $0x38;
	[tilespmem:$0x10000] =	vst v63  }
0x19: {  	p0 =	sge.u32 s31, s6  }
.Ltmp2:
0x1a: {  	_ = 	snop;
	(pc) =	sbr.rel @p0 .LBB1_9-.Ltmp2, $1  }
0x1b: {  	_ =	sdelay $0x3  }
0x1c: {  	s13 =	sshll.u32 s9, $0x2;
	_ =	swait.ge [sflag:s5], $0x4000;
	s14 =	sshll.u32 s11, $0xE  }
0x1d: {  	s16 =	simm.s32 $0x0;
	s17 =	simm.s32 $0x0;
	s15 =	sand.u32 $0x10000, s13  }
0x1e: {  	[sflag:s5] =	ssyncset.done $0x0;
	s31 =	sand.u32 $0x4000, s14;
	s14 =	sshrl.u32 s15, $0x2  }
0x1f: {  	[sflag:s5] =	ssyncadd.s32 $0xFFFFC000;
	s13 =	sor.u32 $0x8000, s31;
	s15 =	sor.u32 $0x8000, s14  }
.LBB1_3:
0x20: {  	s18 =	sshra.s32 s16, $0x2  }
0x21: {  	v0 =	vmov s18;
	_ =	sdelay $0x3  }
0x22: {  	p1 =	por $0x1, $0x1;
	s18 =	simm.s32 $0x0  }
.LBB1_4:
0x23: {  	_ = 	snop  }
0x24: {  	s19 =	sshll.u32 s18, $0xA  }
0x25: {  	s19 =	sand.u32 $0x3FFFFC00, s19  }
0x26: {  	s19 =	sadd.s32 s19, s14  }
0x27: {  	v5 =	vld.idx.msk [tilespmem:v0+s19+$0x70 ss:$0x1], $0xffff  }
0x28: {  	v6 =	vld.idx.msk [tilespmem:v0+s19+$0x10 ss:$0x1], $0xffff  }
0x29: {  	v7 =	vld.idx.msk [tilespmem:v0+s19+$0x20 ss:$0x1], $0xffff  }
0x2a: {  	s31 =	sshll.u32 s18, $0x7;
	v1 =	vld.idx.msk [tilespmem:v0+s19+$0x30 ss:$0x1], $0xffff  }
0x2b: {  	s18 =	sand.u32 $0x3FFFFF80, s31;
	v2 =	vld.idx.msk [tilespmem:v0+s19+$0x40 ss:$0x1], $0xffff  }
0x2c: {  	s18 =	sadd.s32 s18, s15;
	v3 =	vld.idx.msk [tilespmem:v0+s19+$0x50 ss:$0x1], $0xffff  }
0x2d: {  	v4 =	vld.idx.msk [tilespmem:v0+s19+$0x60 ss:$0x1], $0xffff;
	[tilespmem:v0+s18+$0x70 ss:$0x1] =	vst.idx.msk $0xffff, v5  }
0x2e: {  	v5 =	vld.idx.msk [tilespmem:v0+s19+$0x0 ss:$0x1], $0xffff;
	[tilespmem:v0+s18+$0x10 ss:$0x1] =	vst.idx.msk $0xffff, v6;
	s19 =	sadd.s32 $0x80, s19  }
0x2f: {  	p0 =	por p1, p1;
	s20 =	simm.s32 $0x6;
	[tilespmem:v0+s18+$0x20 ss:$0x1] =	vst.idx.msk $0xffff, v7;
	v6 =	vld.idx.msk [tilespmem:v0+s19+$0x70 ss:$0x1], $0xffff  }
.LBB1_5:
0x30: {  	p1 =	sne.s32 s20, $0x1;
	v7 =	vld.idx.msk [tilespmem:v0+s19+$0x10 ss:$0x1], $0xffff;
	[tilespmem:v0+s18+$0x30 ss:$0x1] =	vst.idx.msk $0xffff, v1  }
0x31: {  	v8 =	vld.idx.msk [tilespmem:v0+s19+$0x20 ss:$0x1], $0xffff;
	[tilespmem:v0+s18+$0x40 ss:$0x1] =	vst.idx.msk $0xffff, v2  }
0x32: {  	v1 =	vld.idx.msk [tilespmem:v0+s19+$0x30 ss:$0x1], $0xffff;
	[tilespmem:v0+s18+$0x50 ss:$0x1] =	vst.idx.msk $0xffff, v3  }
.Ltmp3:
0x33: {  	v2 =	vld.idx.msk [tilespmem:v0+s19+$0x40 ss:$0x1], $0xffff;
	[tilespmem:v0+s18+$0x60 ss:$0x1] =	vst.idx.msk $0xffff, v4;
	(pc) =	sbr.rel @p1 .LBB1_5-.Ltmp3, $4  }
0x34: {  	v3 =	vld.idx.msk [tilespmem:v0+s19+$0x50 ss:$0x1], $0xffff;
	[tilespmem:v0+s18+$0x0 ss:$0x1] =	vst.idx.msk $0xffff, v5;
	s18 =	sadd.s32 $0x100, s18  }
0x35: {  	v4 =	vld.idx.msk [tilespmem:v0+s19+$0x60 ss:$0x1], $0xffff;
	[tilespmem:v0+s18+$0x70 ss:$0x1] =	vst.idx.msk $0xffff, v6  }
0x36: {  	v5 =	vld.idx.msk [tilespmem:v0+s19+$0x0 ss:$0x1], $0xffff;
	[tilespmem:v0+s18+$0x10 ss:$0x1] =	vst.idx.msk $0xffff, v7;
	s19 =	sadd.s32 $0x80, s19  }
0x37: {  	s20 =	sadd.s32 $0xFFFFFFFF, s20;
	v6 =	vld.idx.msk [tilespmem:v0+s19+$0x70 ss:$0x1], $0xffff;
	[tilespmem:v0+s18+$0x20 ss:$0x1] =	vst.idx.msk $0xffff, v8  }
0x38: {  	_ =	sdelay $0x3  }
0x39: {  	[tilespmem:v0+s18+$0x30 ss:$0x1] =	vst.idx.msk $0xffff, v1  }
0x3a: {  	v1 =	vld.idx.msk [tilespmem:v0+s19+$0x10 ss:$0x1], $0xffff;
	[tilespmem:v0+s18+$0x40 ss:$0x1] =	vst.idx.msk $0xffff, v2  }
0x3b: {  	v2 =	vld.idx.msk [tilespmem:v0+s19+$0x20 ss:$0x1], $0xffff;
	[tilespmem:v0+s18+$0x50 ss:$0x1] =	vst.idx.msk $0xffff, v3  }
0x3c: {  	v61 =	vld.idx.msk [tilespmem:v0+s19+$0x40 ss:$0x1], $0xffff;
	[tilespmem:v0+s18+$0x60 ss:$0x1] =	vst.idx.msk $0xffff, v4  }
0x3d: {  	s31 =	sadd.s32 $0x100, s18;
	v62 =	vld.idx.msk [tilespmem:v0+s19+$0x50 ss:$0x1], $0xffff;
	[tilespmem:v0+s18+$0x0 ss:$0x1] =	vst.idx.msk $0xffff, v5  }
0x3e: {  	v63 =	vld.idx.msk [tilespmem:v0+s19+$0x60 ss:$0x1], $0xffff;
	[tilespmem:v0+s31+$0x70 ss:$0x1] =	vst.idx.msk $0xffff, v6  }
0x3f: {  	v3 =	vld.idx.msk [tilespmem:v0+s19+$0x30 ss:$0x1], $0xffff;
	[tilespmem:v0+s31+$0x10 ss:$0x1] =	vst.idx.msk $0xffff, v1  }
0x40: {  	v1 =	vld.idx.msk [tilespmem:v0+s19+$0x0 ss:$0x1], $0xffff;
	[tilespmem:v0+s31+$0x20 ss:$0x1] =	vst.idx.msk $0xffff, v2  }
.Ltmp4:
0x41: {  	[tilespmem:v0+s31+$0x40 ss:$0x1] =	vst.idx.msk $0xffff, v61;
	(pc) =	sbr.rel @p0 .LBB1_4-.Ltmp4, $4  }
0x42: {  	[tilespmem:v0+s31+$0x50 ss:$0x1] =	vst.idx.msk $0xffff, v62  }
0x43: {  	[tilespmem:v0+s31+$0x60 ss:$0x1] =	vst.idx.msk $0xffff, v63  }
0x44: {  	[tilespmem:v0+s31+$0x30 ss:$0x1] =	vst.idx.msk $0xffff, v3  }
0x45: {  	p1 =	por $0x0, $0x0;
	s18 =	simm.s32 $0x1;
	[tilespmem:v0+s31+$0x0 ss:$0x1] =	vst.idx.msk $0xffff, v1  }
0x46: {  	s17 =	sadd.s32 $0x1, s17  }
0x47: {  	p0 =	sne.s32 s17, $0x8  }
.Ltmp5:
0x48: {  	_ = 	snop;
	(pc) =	sbr.rel @p0 .LBB1_3-.Ltmp5, $2  }
0x49: {  	_ =	sdelay $0x2  }
0x4a: {  	s16 =	sadd.s32 $0x2000, s16  }
.Ltmp6:
0x4b: {  	(pc) =	sbr.rel .LBB1_9-.Ltmp6, $4  }
0x4c: {  	_ = 	snop  }
0x4d: {  	s12 =	sshll.u32 s12, $0x8  }
0x4e: {  	s12 =	sadd.s32 s4, s12  }
0x4f: {  	[hbm4b:s12+s8] =	stream.linear.scatter [tilespmem:s13], [sflag:$0x2], $0x4000, $0x38;
	[tilespmem:$0x10000] =	vst v63  }
.LBB1_10:
0x50: {  	_ =	sfence.sel $0x180000  }
0x51: {  	s2 =	simm.s32 $0x1;
	[bflag:$0x0] =	sbarrier.arrive $0xFFFF  }
0x52: {  	s31 =	simm.s32 $0x2;
	[sflag:s2] =	ssyncpa.u1 $0x1  }
0x53: {  	[sflag:s31] =	ssyncpa.u1 $0x1  }
0x54: {  	p0 =	sne.s32 s0, $0x0;
	_ =	strace $0x90000047  }
0x55: {  	s0 =	sadd.s32 @!p0 $0x100000, s1;
	[bflag:$0x2] =	sbarrier.arrive $0xFFFF  }
0x56: {  	[sflag:s0] =	ssyncadd.tile.s32 @!p0 $0x1;
	_ =	shalt  }
.Lfunc_end1:
_tile_overlayer_lowered:
.L_overlay_start_2:
0x57: {  	(tag) =	ssettag $0x2  }
0x58: {  	s0 =	rddreg [dreg:$0x0];
	s2 =	stileid.u32  }
0x59: {  	s1 =	rddreg [dreg:$0x1];
	p0 =	sne.s32 s2, $0x0  }
0x5a: {  	s3 =	rddreg [dreg:$0x2];
	[bflag:$0x3] =	sbarrier.arrive $0xFFFF;
	s2 =	simm.s32 @!p0 $0x1C01  }
0x5b: {  	[timem:s3], [sflag:s2] =	dma.local @!p0 [hbm:s0], s1  }
0x5c: {  	s0 =	simm.s32 @!p0 $0x1  }
0x5d: {  	_ =	swait.ge @!p0 [sflag:s0], s1  }
0x5e: {  	s1 =	ssub.s32 @!p0 $0x0, s1;
	[sflag:s0] =	ssyncset.done @!p0 $0x0  }
0x5f: {  	[sflag:s0] =	ssyncadd.s32 @!p0 s1  }
0x60: {  	[bflag:$0x3] =	sbarrier.arrive $0xFFFF  }
0x61: {  	_ =	shalt  }

// kernel: sparse-core-data-format-call.cloned.1.call-start
scs
called_computation_lowered:
.L_overlay_start_0:
0x0: {  	s2 =	sld [smem:$0x3FD9]  }
0x1: {  	s3 =	sld [smem:$0x3FFE];
	_ =	sdelay $0x1  }
0x2: {  	s1 =	srdreg.scid  }
0x3: {  	s0 =	sand.u32 $0x1, s1  }
0x4: {  	s18 =	sshll.u32 s0, $0xA;
	s2 =	sadd.s32 s3, s2  }
0x5: {  	s2 =	sadd.s32 s2, s18  }
0x6: {  	[smem:$0x3FC2] =	sst s2  }
0x7: {  	_ = 	snop  }
0x8: {  	s2 =	sld [smem:$0x3FD0];
	(tm) =	ssettm $0x1  }
0x9: {  	s19 =	sld [smem:$0x3FFB];
	_ =	sdelay $0x3  }
0xa: {  	_ =	strace s19  }
0xb: {  	s3 =	sld [smem:$0x3FFC];
	_ =	sdelay $0x3  }
0xc: {  	_ =	strace s3  }
0xd: {  	s3 =	sld [smem:$0x3FFD];
	_ =	sdelay $0x3  }
0xe: {  	_ =	strace s3  }
0xf: {  	_ =	strace $0x8FFFFFFF  }
0x10: {  	s20 =	sld [smem:$0x3FDB];
	_ =	sdelay $0x1  }
0x11: {  	s4 =	simm.s32 $_scs_section_size  }
0x12: {  	s5 =	simm.s32 $_size__tile_overlayer_lowered;
	s6 =	simm.s32 $_tile_overlayer_lowered  }
0x13: {  	s23 =	simm.s32 $0x1BFF;
	s22 =	sshll.u32 s6, $0x1;
	s3 =	sadd.s32 s4, s20  }
0x14: {  	s7 =	simm.s32 $0x0;
	s21 =	sshll.u32 s5, $0x1;
	s5 =	sadd.s32 s22, s3  }
0x15: {  	[timem:s7], [sflag:s23] =	dma.local [hbm:s5], s21  }
0x16: {  	_ =	swait.ge [sflag:s23], s21  }
0x17: {  	s4 =	ssub.s32 $0x0, s21;
	[sflag:s23] =	ssyncset.done $0x0  }
0x18: {  	[sflag:s23] =	ssyncadd.s32 s4;
	_ =	sdelay $0x1  }
0x19: {  	s24 =	simm.s32 $0x1B8B  }
0x1a: {  	_ =	swait.ge [sflag:s24], $0x1  }
0x1b: {  	[sflag:s24] =	ssyncset.done $0x0  }
0x1c: {  	s26 =	simm.s32 $0x1B8E;
	s25 =	sld [smem:$0x3FFE];
	[sflag:s24] =	ssyncadd.s32 $0xFFFFFFFF  }
0x1d: {  	s27 =	simm.s32 $execute0_lowered;
	[smem:$0x3FD2] =	sst s26  }
0x1e: {  	s5 =	sshll.u32 s27, $0x1;
	_ =	strace $0x8000004C;
	[dreg:$0x1] =	wrdreg $0xFFFFFFFF  }
0x1f: {  	s28 =	simm.s32 $_size_execute0_lowered;
	s3 =	sadd.s32 s3, s5;
	[dreg:$0x0] =	wrdreg $0x0  }
0x20: {  	s5 =	sshll.u32 s28, $0x1;
	[dreg:$0x2] =	wrdreg s3  }
0x21: {  	[dreg:$0x3] =	wrdreg s5  }
0x22: {  	[dreg:$0x4] =	wrdreg $0xC0  }
0x23: {  	_ =	task [dreg:s7], $0x5FFFF  }
0x24: {  	[dreg:$0x1] =	wrdreg $0xFFFFFFFF  }
0x25: {  	[dreg:$0x0] =	wrdreg $0x60  }
0x26: {  	[dreg:$0x2] =	wrdreg s25  }
0x27: {  	[dreg:$0x3] =	wrdreg s2  }
0x28: {  	[dreg:$0x4] =	wrdreg $0x9  }
0x29: {  	_ =	task.clear_ibuf [dreg:s7], $0x5FFFF;
	_ =	strace $0x9000004C  }
0x2a: {  	s29 =	simm.s32 $0x9;
	_ =	strace $0x8000004E  }
0x2b: {  	_ =	swait.ge [sflag:s29], $0x1  }
0x2c: {  	[sflag:s29] =	ssyncadd.s32 $0xFFFFFFFF  }
0x2d: {  	_ =	strace $0x9000004E  }
0x2e: {  	_ =	sfence  }
0x2f: {  	s30 =	sld [smem:$0x0];
	_ =	sdelay $0x2  }
0x30: {  	s31 =	sshll.u32 s1, $0xD;
	s1 =	sshrl.u32 s1, $0x2  }
0x31: {  	s3 =	sand.u32 $0x4000, s31;
	s1 =	sadd.s32 s1, s30  }
0x32: {  	s0 =	sor.u32 s3, s0;
	s1 =	sshll.u32 s1, $0x11  }
0x33: {  	s0 =	sor.u32 s1, s0  }
0x34: {  	s0 =	sadd.s32 $0x8F2B, s0  }
0x35: {  	[sflag:s0] =	ssyncadd.remote.s32 $0x1  }
0x36: {  	_ =	sfence.sel $0xFFFF  }
0x37: {  	[dreg:$0x0] =	wrdreg $0xFFFFFFFF;
	(pc) =	sbr.abs _section_cstart, $3  }
0x38: {  	[dreg:$0x1] =	wrdreg $0xFFFFFFFF  }
0x39: {  	_ =	task.clear_ibuf [dreg:s7], $0x2FFFF;
	_ =	strace $0x9FFFFFFF  }
0x3a: {  	(tm) =	ssettm $0x7FFFFFFF  }
0x3b: {  	_ =	shalt  }
tec
execute0_lowered:
.L_overlay_start_1:
0x0: {  	(tag) =	ssettag $0x1  }
0x1: {  	s0 =	stileid.u32;
	s8 =	rddreg [dreg:$0x0]  }
0x2: {  	s3 =	srdreg.scid;
	s2 =	rddreg [dreg:$0x1];
	s6 =	simm.s32 $0x1  }
0x3: {  	s9 =	simm.s32 $0x1C;
	s31 =	simm.s32 $0x2;
	s20 =	simm.s32 $0x0  }
0x4: {  	s10 =	simm.s32 $0x400;
	s11 =	simm.s32 $0x800;
	s1 =	sshll.u32 s0, $0x7  }
0x5: {  	s12 =	simm.s32 $0x0;
	s17 =	simm.s32 $0x0;
	s1 =	sand.u32 $0x380, s1  }
0x6: {  	s19 =	simm.s32 $0x0;
	s18 =	simm.s32 $0x0;
	s5 =	ssub.s32 $0x400, s1  }
0x7: {  	s13 =	simm.s32 $0x0;
	s3 =	sshll.u32 s3, $0x7;
	s4 =	sand.u32 $0x380, s5  }
0x8: {  	s3 =	sand.u32 $0x80, s3;
	p0 =	sne.s32 s4, $0x0;
	s4 =	sshrl.u32 s0, $0x3  }
0x9: {  	s5 =	sshrl.u32 s5, $0xA;
	s6 =	simm.s32 @!p0 $0x0;
	p0 =	seq.s32 s4, $0x0  }
0xa: {  	s7 =	ssub.s32 $0x100, s3;
	s5 =	sadd.s32 s6, s5;
	s9 =	simm.s32 @!p0 $0x15  }
0xb: {  	s16 =	simm.s32 $0x0;
	s30 =	sshrl.u32 s7, $0x7;
	s9 =	smul.u32 s5, s9  }
.Ltmp0:
0xc: {  	s7 =	sshrl.u32 s7, $0x8;
	s6 =	sand.u32 $0x1, s30;
	(pc) =	sbr.rel .LBB1_1-.Ltmp0, $4  }
0xd: {  	s8 =	sadd.s32 s3, s8;
	s5 =	rddreg [dreg:$0x2];
	s7 =	sadd.s32 s7, s6  }
0xe: {  	_ =	strace $0x8000004D;
	s6 =	simm.s32 $0x1;
	s7 =	smul.u32 s7, s9  }
0xf: {  	s15 =	smov.u32 s1;
	s8 =	sadd.s32 $0x1400, s8;
	[sflag:s6] =	ssyncpa.u1 $0x0  }
0x10: {  	s14 =	smov.u32 s4;
	[sflag:s31] =	ssyncpa.u1 $0x0;
	s9 =	sadd.s32 $0x1, s7  }
.LBB1_4:
0x11: {  	_ =	sdelay $0x3  }
0x12: {  	[tilespmem:v0+s23+$0xFFFFFFD0 ss:$0x1] =	vst.idx.msk $0xffff, v6  }
0x13: {  	v56 =	vld.idx.msk [tilespmem:v1+s22+$0x0 ss:$0x1], $0xffff;
	[tilespmem:v0+s23+$0xFFFFFFE0 ss:$0x1] =	vst.idx.msk $0xffff, v4  }
0x14: {  	v57 =	vld.idx.msk [tilespmem:v1+s22+$0xFFFFFF90 ss:$0x1], $0xffff;
	[tilespmem:v0+s23+$0xFFFFFFF0 ss:$0x1] =	vst.idx.msk $0xffff, v2  }
0x15: {  	v58 =	vld.idx.msk [tilespmem:v1+s22+$0xFFFFFFA0 ss:$0x1], $0xffff;
	[tilespmem:v0+s23+$0x0 ss:$0x1] =	vst.idx.msk $0xffff, v3  }
0x16: {  	v59 =	vld.idx.msk [tilespmem:v1+s22+$0xFFFFFFB0 ss:$0x1], $0xffff;
	[tilespmem:v0+s23+$0x10 ss:$0x1] =	vst.idx.msk $0xffff, v5  }
0x17: {  	v60 =	vld.idx.msk [tilespmem:v1+s22+$0xFFFFFFC0 ss:$0x1], $0xffff;
	[tilespmem:v0+s23+$0x20 ss:$0x1] =	vst.idx.msk $0xffff, v7  }
0x18: {  	v61 =	vld.idx.msk [tilespmem:v1+s22+$0xFFFFFFD0 ss:$0x1], $0xffff;
	[tilespmem:v0+s22+$0x30 ss:$0x1] =	vst.idx.msk $0xffff, v56  }
0x19: {  	s28 =	sshll.u32 s18, $0x8;
	v62 =	vld.idx.msk [tilespmem:v1+s22+$0xFFFFFFE0 ss:$0x1], $0xffff;
	s20 =	sshll.u32 s20, $0x3;
	[tilespmem:v0+s22+$0xFFFFFFC0 ss:$0x1] =	vst.idx.msk $0xffff, v57  }
0x1a: {  	s24 =	sshll.u32 s18, $0x7;
	v63 =	vld.idx.msk [tilespmem:v1+s22+$0xFFFFFFF0 ss:$0x1], $0xffff;
	s19 =	smul.u32 $0x38000, s19;
	s23 =	sand.u32 $0x3F800, s28;
	[tilespmem:v0+s22+$0xFFFFFFD0 ss:$0x1] =	vst.idx.msk $0xffff, v58  }
0x1b: {  	s17 =	sshll.u32 s17, $0xF;
	s29 =	sand.u32 $0x300, s24;
	s20 =	sor.u32 s23, s20;
	[tilespmem:v0+s22+$0xFFFFFFE0 ss:$0x1] =	vst.idx.msk $0xffff, v59  }
0x1c: {  	s30 =	sshll.u32 s18, $0x4;
	s19 =	sadd.s32 s2, s19;
	s20 =	sor.u32 s29, s20;
	[tilespmem:v0+s22+$0xFFFFFFF0 ss:$0x1] =	vst.idx.msk $0xffff, v60  }
0x1d: {  	s18 =	sand.u32 $0x10, s30;
	s17 =	sadd.s32 s17, s19;
	s20 =	sshrl.u32 s20, $0x3;
	[tilespmem:v0+s22+$0x0 ss:$0x1] =	vst.idx.msk $0xffff, v61  }
0x1e: {  	s17 =	sadd.s32 s18, s17;
	[tilespmem:v0+s22+$0x10 ss:$0x1] =	vst.idx.msk $0xffff, v62;
	s31 =	sand.u32 $0x7FE0, s20  }
0x1f: {  	[tilespmem:v0+s22+$0x20 ss:$0x1] =	vst.idx.msk $0xffff, v63;
	s17 =	sadd.s32 s31, s17  }
0x20: {  	[hbm4b:s17+s10] =	stream.strided.scatter [tilespmem:s21], [sflag:$0x2], $0x4000, s11, s10, $0x38;
	[tilespmem:$0x10000] =	vst v63  }
.LBB1_5:
0x21: {  	s21 =	sadd.s32 $0x1, s13  }
0x22: {  	s17 =	sadd.s32 $0x2, s14;
	s22 =	smov.u32 s14;
	p1 =	sgt.s32 s21, $0x6  }
0x23: {  	s22 =	smov.u32 @p1 s17  }
0x24: {  	s23 =	smov.u32 s15;
	s17 =	sadd.s32 $0x400, s15;
	p2 =	sgt.s32 s22, $0x6  }
0x25: {  	s23 =	smov.u32 @p2 s17  }
0x26: {  	s21 =	simm.s32 @p1 $0x0;
	p1 =	sgt.s32 s23, $0x3FF  }
0x27: {  	p0 =	slt.u32 s16, $0x2;
	s23 =	smov.u32 @p1 s1;
	p1 =	sne.s32 s16, s9  }
.Ltmp1:
0x28: {  	s19 =	smov.u32 s14;
	s20 =	simm.s32 @!p0 $0x2;
	(pc) =	sbr.rel @!p1 .LBB1_6-.Ltmp1, $4  }
0x29: {  	s18 =	smov.u32 s15;
	s12 =	sadd.s32 $0x4000, s12;
	_ =	swait.ge @!p0 [sflag:s20], $0x4000  }
0x2a: {  	[sflag:s20] =	ssyncset.done @!p0 $0x0;
	s22 =	smov.u32 @p2 s4;
	s17 =	smov.u32 s13  }
0x2b: {  	[sflag:s20] =	ssyncadd.s32 @!p0 $0xFFFFC000;
	s20 =	smov.u32 s3;
	s13 =	smov.u32 s21  }
0x2c: {  	s14 =	smov.u32 s22;
	s16 =	sadd.s32 $0x1, s16;
	s15 =	smov.u32 s23  }
.LBB1_1:
0x2d: {  	p0 =	sge.u32 s16, s7  }
0x2e: {  	s22 =	smul.u32 @!p0 $0x700, s15  }
0x2f: {  	s31 =	sadd.s32 $0xFFFFFFFF, s16;
	s21 =	sxor.u32 @!p0 $0xFFFFFFFF, s16;
	s23 =	sshll.u32 @!p0 s14, $0x8  }
0x30: {  	s24 =	sshll.u32 @!p0 s13, $0x4;
	s21 =	sshll.u32 @!p0 s21, $0xE;
	s22 =	sadd.s32 @!p0 s22, s8  }
0x31: {  	s24 =	sand.u32 @!p0 $0x70, s24;
	s21 =	sand.u32 @!p0 $0x4000, s21;
	s22 =	sadd.s32 @!p0 s23, s22  }
0x32: {  	s23 =	simm.s32 @!p0 $0x80;
	s22 =	sadd.s32 @!p0 s24, s22;
	s24 =	simm.s32 @!p0 $0x3800  }
0x33: {  	[tilespmem:s21], [sflag:$0x1] =	stream.strided.gather @!p0 [hbm4b:s22+s23], $0x4000, s24, s23, $0x38;
	[tilespmem:$0x10000] =	vst v63  }
0x34: {  	p0 =	sge.u32 s31, s7  }
.Ltmp2:
0x35: {  	_ = 	snop;
	(pc) =	sbr.rel @p0 .LBB1_5-.Ltmp2, $1  }
0x36: {  	_ =	sdelay $0x3  }
0x37: {  	s21 =	sand.u32 $0x4000, s12  }
0x38: {  	s22 =	sor.u32 $0x70, s21  }
0x39: {  	v1 =	vmov s22;
	_ =	sdelay $0x1  }
0x3a: {  	_ =	swait.ge [sflag:s6], $0x4000  }
0x3b: {  	[sflag:s6] =	ssyncset.done $0x0  }
0x3c: {  	s23 =	simm.s32 $0x0;
	[sflag:s6] =	ssyncadd.s32 $0xFFFFC000  }
0x3d: {  	s21 =	sor.u32 $0x8040, s21;
	v7 =	vld.idx.msk [tilespmem:v1+s23+$0x0 ss:$0x1], $0xffff  }
0x3e: {  	v0 =	vmov s21;
	v8 =	vld.idx.msk [tilespmem:v1+s23+$0xFFFFFF90 ss:$0x1], $0xffff  }
0x3f: {  	v6 =	vld.idx.msk [tilespmem:v1+s23+$0xFFFFFFA0 ss:$0x1], $0xffff  }
0x40: {  	v4 =	vld.idx.msk [tilespmem:v1+s23+$0xFFFFFFB0 ss:$0x1], $0xffff  }
0x41: {  	v2 =	vld.idx.msk [tilespmem:v1+s23+$0xFFFFFFC0 ss:$0x1], $0xffff  }
0x42: {  	s31 =	sshll.u32 s16, $0xE;
	v3 =	vld.idx.msk [tilespmem:v1+s23+$0xFFFFFFD0 ss:$0x1], $0xffff  }
0x43: {  	s21 =	sand.u32 $0x4000, s31;
	v5 =	vld.idx.msk [tilespmem:v1+s23+$0xFFFFFFE0 ss:$0x1], $0xffff;
	[tilespmem:v0+s23+$0x30 ss:$0x1] =	vst.idx.msk $0xffff, v7  }
0x44: {  	s24 =	simm.s32 $0x400;
	s22 =	simm.s32 $0x80;
	s21 =	sor.u32 $0x8000, s21;
	[tilespmem:v0+s23+$0xFFFFFFC0 ss:$0x1] =	vst.idx.msk $0xffff, v8;
	v7 =	vld.idx.msk [tilespmem:v1+s23+$0xFFFFFFF0 ss:$0x1], $0xffff  }
.LBB1_3:
0x45: {  	p0 =	sne.s32 s24, $0xFE00;
	v8 =	vld.idx.msk [tilespmem:v1+s22+$0x0 ss:$0x1], $0xffff;
	[tilespmem:v0+s23+$0xFFFFFFD0 ss:$0x1] =	vst.idx.msk $0xffff, v6  }
0x46: {  	v9 =	vld.idx.msk [tilespmem:v1+s22+$0xFFFFFF90 ss:$0x1], $0xffff;
	[tilespmem:v0+s23+$0xFFFFFFE0 ss:$0x1] =	vst.idx.msk $0xffff, v4  }
0x47: {  	v6 =	vld.idx.msk [tilespmem:v1+s22+$0xFFFFFFA0 ss:$0x1], $0xffff;
	[tilespmem:v0+s23+$0xFFFFFFF0 ss:$0x1] =	vst.idx.msk $0xffff, v2  }
.Ltmp3:
0x48: {  	v4 =	vld.idx.msk [tilespmem:v1+s22+$0xFFFFFFB0 ss:$0x1], $0xffff;
	[tilespmem:v0+s23+$0x0 ss:$0x1] =	vst.idx.msk $0xffff, v3;
	(pc) =	sbr.rel @p0 .LBB1_3-.Ltmp3, $4  }
0x49: {  	v2 =	vld.idx.msk [tilespmem:v1+s22+$0xFFFFFFC0 ss:$0x1], $0xffff;
	[tilespmem:v0+s23+$0x10 ss:$0x1] =	vst.idx.msk $0xffff, v5  }
0x4a: {  	v3 =	vld.idx.msk [tilespmem:v1+s22+$0xFFFFFFD0 ss:$0x1], $0xffff;
	[tilespmem:v0+s23+$0x20 ss:$0x1] =	vst.idx.msk $0xffff, v7;
	s23 =	smov.u32 s22  }
0x4b: {  	v5 =	vld.idx.msk [tilespmem:v1+s23+$0xFFFFFFE0 ss:$0x1], $0xffff;
	[tilespmem:v0+s23+$0x30 ss:$0x1] =	vst.idx.msk $0xffff, v8  }
0x4c: {  	s22 =	sshra.s32 s24, $0x2;
	s24 =	sadd.s32 $0x200, s24;
	[tilespmem:v0+s23+$0xFFFFFFC0 ss:$0x1] =	vst.idx.msk $0xffff, v9;
	v7 =	vld.idx.msk [tilespmem:v1+s23+$0xFFFFFFF0 ss:$0x1], $0xffff  }
.Ltmp4:
0x4d: {  	_ = 	snop;
	(pc) =	sbr.rel .LBB1_4-.Ltmp4, $1  }
0x4e: {  	_ =	sdelay $0x3  }
.LBB1_6:
0x4f: {  	_ =	sfence.sel $0x180000  }
0x50: {  	s1 =	simm.s32 $0x1;
	[bflag:$0x0] =	sbarrier.arrive $0xFFFF  }
0x51: {  	s31 =	simm.s32 $0x2;
	[sflag:s1] =	ssyncpa.u1 $0x1  }
0x52: {  	[sflag:s31] =	ssyncpa.u1 $0x1  }
0x53: {  	p0 =	sne.s32 s0, $0x0;
	_ =	strace $0x9000004D  }
0x54: {  	s0 =	sadd.s32 @!p0 $0x100000, s5;
	[bflag:$0x2] =	sbarrier.arrive $0xFFFF  }
0x55: {  	[sflag:s0] =	ssyncadd.tile.s32 @!p0 $0x1;
	_ =	shalt  }
.Lfunc_end1:
_tile_overlayer_lowered:
.L_overlay_start_2:
0x56: {  	(tag) =	ssettag $0x2  }
0x57: {  	s0 =	rddreg [dreg:$0x0];
	s2 =	stileid.u32  }
0x58: {  	s1 =	rddreg [dreg:$0x1];
	p0 =	sne.s32 s2, $0x0  }
0x59: {  	s3 =	rddreg [dreg:$0x2];
	[bflag:$0x3] =	sbarrier.arrive $0xFFFF;
	s2 =	simm.s32 @!p0 $0x1C01  }
0x5a: {  	[timem:s3], [sflag:s2] =	dma.local @!p0 [hbm:s0], s1  }
0x5b: {  	s0 =	simm.s32 @!p0 $0x1  }
0x5c: {  	_ =	swait.ge @!p0 [sflag:s0], s1  }
0x5d: {  	s1 =	ssub.s32 @!p0 $0x0, s1;
	[sflag:s0] =	ssyncset.done @!p0 $0x0  }
0x5e: {  	[sflag:s0] =	ssyncadd.s32 @!p0 s1  }
0x5f: {  	[bflag:$0x3] =	sbarrier.arrive $0xFFFF  }
0x60: {  	_ =	shalt  }

</sc_bundles>
